<compile_context>
chip_gen: v7x
topology: tpu7x:2x2x1
jax: 0.10.2.dev20260603
libtpu: 0.0.44.dev20260713+nightly
codegen_flags: <defaults>
</compile_context>

<pallas_src>
import functools

import jax
import jax.numpy as jnp
from jax import lax
from jax.experimental import pallas as pl
from jax.experimental.pallas import tpu as pltpu
from jax.experimental.pallas import tpu_sc as plsc

N = 10000
D = 128
E = 320000
NC = 2
NS = 16
NW = NC * NS
EPW = E // NW
CHUNK = 125
NCHUNK = EPW // CHUNK
BLK = 16
NBLK = NCHUNK // BLK
RPW = 624
NP = 10240


def _sc_body(x_hbm, src_hbm, dst_hbm, agg_out, cnt_out,
             srcA, dstA, srcB, dstB, rows, rows2, ones, zcnt,
             agg_sh, cnt_sh, siA, diA, siB, diB, sem, sem2, semc):
    cid = lax.axis_index("c")
    sid = lax.axis_index("s")
    wid = cid * NS + sid

    bufs = [(srcA, dstA, siA, diA), (srcB, dstB, siB, diB)]

    def stage(b, bi):
        sb, db, ss, ds_ = bufs[bi]
        return (pltpu.make_async_copy(src_hbm.at[wid, pl.ds(b * BLK, BLK)],
                                      sb, ss),
                pltpu.make_async_copy(dst_hbm.at[wid, pl.ds(b * BLK, BLK)],
                                      db, ds_))

    for c in stage(0, 0):
        c.start()

    def zr_body(r, carry):
        for c in range(D // 16):
            rows[r, pl.ds(c * 16, 16)] = jnp.zeros((16,), jnp.float32)
        return carry
    lax.fori_loop(0, CHUNK, zr_body, 0)

    def zc_body(i, carry):
        zcnt[pl.ds(i * 16, 16)] = jnp.zeros((16,), jnp.float32)
        return carry
    lax.fori_loop(0, 1024 // 16, zc_body, 0)

    for c in range(128 // 16):
        ones[pl.ds(c * 16, 16)] = jnp.ones((16,), jnp.float32)

    row0 = sid * RPW
    for k in range(RPW // CHUNK):
        pltpu.sync_copy(rows, agg_sh.at[pl.ds(row0 + k * CHUNK, CHUNK)])
    pltpu.sync_copy(rows.at[pl.ds(0, RPW % CHUNK)],
                    agg_sh.at[pl.ds(row0 + RPW - RPW % CHUNK, RPW % CHUNK)])

    @pl.when(sid == NS - 1)
    def _():
        pltpu.sync_copy(rows.at[pl.ds(0, 16)],
                        agg_sh.at[pl.ds(NS * RPW, 16)])

    @pl.when(sid == 0)
    def _():
        for k in range(NP // 1024):
            pltpu.sync_copy(zcnt, cnt_sh.at[pl.ds(k * 1024, 1024)])

    plsc.subcore_barrier()

    for b in range(NBLK):
        bi = b % 2
        if b + 1 < NBLK:
            for c in stage(b + 1, (b + 1) % 2):
                c.start()
        for c in stage(b, bi):
            c.wait()
        sb, db = bufs[bi][0], bufs[bi][1]

        def gather(j, buf, s):
            return pltpu.make_async_copy(x_hbm.at[sb.at[j]], buf, s)

        def count(j):
            return pltpu.async_copy(ones.at[pl.ds(0, CHUNK)],
                                    cnt_sh.at[db.at[j]], semc, add=True)

        gather(0, rows, sem).start()

        def count_body(j, carry):
            count(j)
            return carry
        lax.fori_loop(0, BLK, count_body, 0)

        def pair_body(i, carry):
            j = i * 2
            gather(j + 1, rows2, sem2).start()
            gather(j, rows, sem).wait()
            pltpu.sync_copy(rows, agg_sh.at[db.at[j]], add=True)
            jn = jnp.minimum(j + 2, BLK - 1)
            gather(jn, rows, sem).start()
            gather(j + 1, rows2, sem2).wait()
            pltpu.sync_copy(rows2, agg_sh.at[db.at[j + 1]], add=True)
            return carry
        lax.fori_loop(0, BLK // 2, pair_body, 0)
        gather(BLK - 1, rows, sem).wait()

        def count_drain(j, carry):
            pltpu.make_async_copy(ones.at[pl.ds(0, CHUNK)],
                                  cnt_sh.at[db.at[0]], semc).wait()
            return carry
        lax.fori_loop(0, BLK, count_drain, 0)

    plsc.subcore_barrier()

    pltpu.sync_copy(agg_sh.at[pl.ds(row0, RPW)],
                    agg_out.at[cid, pl.ds(row0, RPW)])

    @pl.when(sid == NS - 1)
    def _():
        pltpu.sync_copy(agg_sh.at[pl.ds(NS * RPW, 16)],
                        agg_out.at[cid, pl.ds(NS * RPW, 16)])

    @pl.when(sid == 0)
    def _():
        pltpu.sync_copy(cnt_sh, cnt_out.at[pl.ds(cid * NP, NP)])


_sc_segment_sum = functools.partial(
    pl.kernel,
    out_type=(jax.ShapeDtypeStruct((NC, N, D), jnp.float32),
              jax.ShapeDtypeStruct((NC * NP,), jnp.float32)),
    mesh=plsc.VectorSubcoreMesh(core_axis_name="c", subcore_axis_name="s"),
    scratch_types=[
        pltpu.VMEM((BLK, CHUNK), jnp.int32),
        pltpu.VMEM((BLK, CHUNK), jnp.int32),
        pltpu.VMEM((BLK, CHUNK), jnp.int32),
        pltpu.VMEM((BLK, CHUNK), jnp.int32),
        pltpu.VMEM((CHUNK, D), jnp.float32),
        pltpu.VMEM((CHUNK, D), jnp.float32),
        pltpu.VMEM((128,), jnp.float32),
        pltpu.VMEM((1024,), jnp.float32),
        pltpu.VMEM_SHARED((N, D), jnp.float32),
        pltpu.VMEM_SHARED((NP,), jnp.float32),
        pltpu.SemaphoreType.DMA,
        pltpu.SemaphoreType.DMA,
        pltpu.SemaphoreType.DMA,
        pltpu.SemaphoreType.DMA,
        pltpu.SemaphoreType.DMA,
        pltpu.SemaphoreType.DMA,
        pltpu.SemaphoreType.DMA,
    ],
)(_sc_body)


def _fused_body(agg_ref, cnt_ref, x_ref, wl_ref, wr_ref, bl_ref,
                w_ref, b_ref, ms_ref, o_ref):
    agg = agg_ref[0] + agg_ref[1]
    c = cnt_ref[0] + cnt_ref[1]
    mean = agg * (1.0 / jnp.maximum(c, 1.0))
    x = x_ref[...]
    dn = (((1,), (1,)), ((), ()))
    h = (lax.dot_general(mean, wl_ref[...], dn,
                         preferred_element_type=jnp.float32)
         + lax.dot_general(x, wr_ref[...], dn,
                           preferred_element_type=jnp.float32)
         + bl_ref[...])
    mu = jnp.sum(h, axis=0, keepdims=True) * (1.0 / N)
    m2 = jnp.sum(h * h, axis=0, keepdims=True) * (1.0 / N)
    mus = mu * ms_ref[...]
    var = m2 - 2.0 * mus * mu + mus * mus
    rstd = lax.rsqrt(var + 1e-5)
    hn = (h - mus) * rstd * w_ref[...] + b_ref[...]
    g = 0.5 * hn * (1.0 + lax.erf(hn * 0.7071067811865476))
    o_ref[...] = g + x


def _tc_fused(agg_parts, cnt_parts, x, W_l, W_r, b_l,
              gn_weight, gn_bias, gn_mean_scale):
    return pl.pallas_call(
        _fused_body,
        out_shape=jax.ShapeDtypeStruct((N, D), jnp.float32),
    )(agg_parts, cnt_parts, x, W_l, W_r, b_l,
      gn_weight, gn_bias, gn_mean_scale)


def kernel(x, edge_index, W_l, b_l, W_r, gn_weight, gn_bias, gn_mean_scale):
    src = edge_index[0].reshape(NW, NCHUNK, CHUNK)
    dst = edge_index[1].reshape(NW, NCHUNK, CHUNK)
    agg_parts, cnt_flat = _sc_segment_sum(x, src, dst)
    cnt_parts = cnt_flat.reshape(NC, NP)[:, :N].reshape(NC, N, 1)
    return _tc_fused(agg_parts, cnt_parts, x, W_l, W_r, b_l.reshape(1, D),
                     gn_weight.reshape(1, D), gn_bias.reshape(1, D),
                     gn_mean_scale.reshape(1, D))

# --- scband reference (transcript-rebuilt; emitter-appended) ---
"""Pipeline reference for scband-macro-topology-gnn-7851200217222 (READ-ONLY COPY).

The authoritative reference and input builder live on the scoring server;
editing this copy changes nothing except your own understanding.
"""

import jax, jax.numpy as jnp
import numpy as np

N = 10000
E = 320000
D = 128


def setup_inputs(seed: int = 0) -> dict:
    key = jax.random.key(seed)
    ks = jax.random.split(key, 8)
    x = jax.random.normal(ks[0], (N, D), dtype=jnp.float32)
    edge_index = jax.random.randint(ks[1], (2, E), 0, N, dtype=jnp.int32)
    s = 1.0 / np.sqrt(D)
    W_l = jax.random.normal(ks[2], (D, D), dtype=jnp.float32) * s
    b_l = jnp.zeros((D,), dtype=jnp.float32)
    W_r = jax.random.normal(ks[3], (D, D), dtype=jnp.float32) * s
    gn_weight = jnp.ones((D,), dtype=jnp.float32)
    gn_bias = jnp.zeros((D,), dtype=jnp.float32)
    gn_mean_scale = jnp.ones((D,), dtype=jnp.float32)
    return {
        'x': x,
        'edge_index': edge_index,
        'W_l': W_l,
        'b_l': b_l,
        'W_r': W_r,
        'gn_weight': gn_weight,
        'gn_bias': gn_bias,
        'gn_mean_scale': gn_mean_scale,
    }


def reference(x, edge_index, W_l, b_l, W_r, gn_weight, gn_bias, gn_mean_scale):
    # SAGEConv (mean aggregation): out = lin_l(mean_{j in N(i)} x_j) + lin_r(x_i)
    src = edge_index[0]
    dst = edge_index[1]
    n = x.shape[0]
    msgs = jnp.take(x, src, axis=0)                                   # gather
    agg = jax.ops.segment_sum(msgs, dst, num_segments=n)              # scatter-add
    cnt = jax.ops.segment_sum(jnp.ones((dst.shape[0], 1), x.dtype), dst, num_segments=n)
    mean_agg = agg / jnp.maximum(cnt, 1.0)
    h = mean_agg @ W_l.T + b_l + x @ W_r.T
    # GraphNorm over the whole graph (batch=None -> single graph):
    # out = (h - mean*mean_scale) / sqrt(var + eps) * weight + bias
    mu = jnp.mean(h, axis=0, keepdims=True)
    hc = h - mu * gn_mean_scale
    var = jnp.mean(hc * hc, axis=0, keepdims=True)
    hn = hc / jnp.sqrt(var + 1e-5) * gn_weight + gn_bias
    # GELU (exact, torch default) + dropout (identity at inference) + residual
    out = jax.nn.gelu(hn, approximate=False)
    return out + x

if __name__ == "__main__":
    import jax
    _d = setup_inputs()
    print(jax.jit(kernel)(*tuple(_d.values())))

</pallas_src>

<mosaic_0001>
#map = affine_map<(d0, d1) -> (0, 0)>
#map1 = affine_map<(d0, d1) -> (0, 0, 0)>
#map2 = affine_map<(d0, d1) -> (0)>
module attributes {stable_mosaic.version = 14 : i64} {
  func.func @_sc_body(%arg0: i32, %arg1: i32, %arg2: memref<10000x128xf32, #tpu.memory_space<hbm>>, %arg3: memref<32x80x125xi32, #tpu.memory_space<hbm>>, %arg4: memref<32x80x125xi32, #tpu.memory_space<hbm>>, %arg5: memref<2x10000x128xf32, #tpu.memory_space<hbm>>, %arg6: memref<20480xf32, #tpu.memory_space<hbm>>, %arg7: memref<16x125xi32, #tpu.memory_space<vmem>>, %arg8: memref<16x125xi32, #tpu.memory_space<vmem>>, %arg9: memref<16x125xi32, #tpu.memory_space<vmem>>, %arg10: memref<16x125xi32, #tpu.memory_space<vmem>>, %arg11: memref<125x128xf32, #tpu.memory_space<vmem>>, %arg12: memref<125x128xf32, #tpu.memory_space<vmem>>, %arg13: memref<128xf32, #tpu.memory_space<vmem>>, %arg14: memref<1024xf32, #tpu.memory_space<vmem>>, %arg15: memref<10000x128xf32, #tpu.memory_space<vmem_shared>>, %arg16: memref<10240xf32, #tpu.memory_space<vmem_shared>>, %arg17: memref<!tpu.dma_semaphore, #tpu.memory_space<semaphore_mem>>, %arg18: memref<!tpu.dma_semaphore, #tpu.memory_space<semaphore_mem>>, %arg19: memref<!tpu.dma_semaphore, #tpu.memory_space<semaphore_mem>>, %arg20: memref<!tpu.dma_semaphore, #tpu.memory_space<semaphore_mem>>, %arg21: memref<!tpu.dma_semaphore, #tpu.memory_space<semaphore_mem>>, %arg22: memref<!tpu.dma_semaphore, #tpu.memory_space<semaphore_mem>>, %arg23: memref<!tpu.dma_semaphore, #tpu.memory_space<semaphore_mem>>) attributes {dimension_semantics = [#tpu.dimension_semantics<core_parallel>, #tpu.dimension_semantics<subcore_parallel>], iteration_bounds = array<i64: 2, 16>, scalar_prefetch = 0 : i64, scratch_operands = 17 : i64, tpu.core_type = #tpu.core_type<sc_vector_subcore>, window_params = [{transform_indices = #map}, {transform_indices = #map1}, {transform_indices = #map1}, {transform_indices = #map1}, {transform_indices = #map2}]} {
    %mul3A = arith.constant 16 : i32
    %mul3A_0 = arith.muli %arg0, %mul3A : i32
    %add3A = arith.addi %mul3A_0, %arg1 : i32
    %dma_start3A = arith.constant 0 : i32
    %dma_start3A_1 = arith.constant 0 : i32
    %dma_start3A_2 = tpu.memref_slice %arg3[%add3A, %dma_start3A, %dma_start3A_1] : memref<32x80x125xi32, #tpu.memory_space<hbm>> -> memref<1x16x125xi32, #tpu.memory_space<hbm>>
    %dma_start3A_3 = tpu.memref_squeeze %dma_start3A_2 : memref<1x16x125xi32, #tpu.memory_space<hbm>> -> memref<16x125xi32, #tpu.memory_space<hbm>>
    %dma_start3A_4 = arith.constant 0 : i32
    %dma_start3A_5 = arith.constant 0 : i32
    %dma_start3A_6 = tpu.memref_slice %arg3[%add3A, %dma_start3A_4, %dma_start3A_5] : memref<32x80x125xi32, #tpu.memory_space<hbm>> -> memref<1x16x125xi32, #tpu.memory_space<hbm>>
    %dma_start3A_7 = tpu.memref_squeeze %dma_start3A_6 : memref<1x16x125xi32, #tpu.memory_space<hbm>> -> memref<16x125xi32, #tpu.memory_space<hbm>>
    tpu.enqueue_dma source(%dma_start3A_7 : memref<16x125xi32, #tpu.memory_space<hbm>>) target(%arg7 : memref<16x125xi32, #tpu.memory_space<vmem>>) target_semaphore(%arg17 : memref<!tpu.dma_semaphore, #tpu.memory_space<semaphore_mem>>)
    %dma_start3A_8 = arith.constant 0 : i32
    %dma_start3A_9 = arith.constant 0 : i32
    %dma_start3A_10 = tpu.memref_slice %arg4[%add3A, %dma_start3A_8, %dma_start3A_9] : memref<32x80x125xi32, #tpu.memory_space<hbm>> -> memref<1x16x125xi32, #tpu.memory_space<hbm>>
    %dma_start3A_11 = tpu.memref_squeeze %dma_start3A_10 : memref<1x16x125xi32, #tpu.memory_space<hbm>> -> memref<16x125xi32, #tpu.memory_space<hbm>>
    %dma_start3A_12 = arith.constant 0 : i32
    %dma_start3A_13 = arith.constant 0 : i32
    %dma_start3A_14 = tpu.memref_slice %arg4[%add3A, %dma_start3A_12, %dma_start3A_13] : memref<32x80x125xi32, #tpu.memory_space<hbm>> -> memref<1x16x125xi32, #tpu.memory_space<hbm>>
    %dma_start3A_15 = tpu.memref_squeeze %dma_start3A_14 : memref<1x16x125xi32, #tpu.memory_space<hbm>> -> memref<16x125xi32, #tpu.memory_space<hbm>>
    tpu.enqueue_dma source(%dma_start3A_15 : memref<16x125xi32, #tpu.memory_space<hbm>>) target(%arg8 : memref<16x125xi32, #tpu.memory_space<vmem>>) target_semaphore(%arg18 : memref<!tpu.dma_semaphore, #tpu.memory_space<semaphore_mem>>)
    %scan3A = arith.constant 0 : i32
    %scan3A_16 = arith.constant 0 : i32
    %scan3A_17 = arith.constant 125 : i32
    %scan3A_18 = arith.addi %scan3A_16, %scan3A_17 : i32
    %scan3A_19 = arith.constant 1 : i32
    scf.for %scan3A_407 = %scan3A_16 to %scan3A_18 step %scan3A_19  : i32 {
      %broadcast_in_dim3A_408 = arith.constant 0.000000e+00 : f32
      %broadcast_in_dim3A_409 = vector.broadcast %broadcast_in_dim3A_408 : f32 to vector<16xf32>
      %swap3A_410 = arith.index_cast %scan3A_407 : i32 to index
      %swap3A_411 = arith.constant 0 : index
      %swap3A_412 = tpu.vector_load %arg11[%swap3A_410, %swap3A_411] {strides = array<i32>} : memref<125x128xf32, #tpu.memory_space<vmem>>, vector<1x16xf32>,
      %swap3A_413 = vector.shape_cast %swap3A_412 : vector<1x16xf32> to vector<16xf32>
      %swap3A_414 = vector.shape_cast %broadcast_in_dim3A_409 : vector<16xf32> to vector<1x16xf32>
      tpu.vector_store %arg11[%swap3A_410, %swap3A_411], %swap3A_414 {strides = array<i32>} : memref<125x128xf32, #tpu.memory_space<vmem>>, vector<1x16xf32>,
      %broadcast_in_dim3A_415 = arith.constant 0.000000e+00 : f32
      %broadcast_in_dim3A_416 = vector.broadcast %broadcast_in_dim3A_415 : f32 to vector<16xf32>
      %swap3A_417 = arith.index_cast %scan3A_407 : i32 to index
      %swap3A_418 = arith.constant 16 : index
      %swap3A_419 = tpu.vector_load %arg11[%swap3A_417, %swap3A_418] {strides = array<i32>} : memref<125x128xf32, #tpu.memory_space<vmem>>, vector<1x16xf32>,
      %swap3A_420 = vector.shape_cast %swap3A_419 : vector<1x16xf32> to vector<16xf32>
      %swap3A_421 = vector.shape_cast %broadcast_in_dim3A_416 : vector<16xf32> to vector<1x16xf32>
      tpu.vector_store %arg11[%swap3A_417, %swap3A_418], %swap3A_421 {strides = array<i32>} : memref<125x128xf32, #tpu.memory_space<vmem>>, vector<1x16xf32>,
      %broadcast_in_dim3A_422 = arith.constant 0.000000e+00 : f32
      %broadcast_in_dim3A_423 = vector.broadcast %broadcast_in_dim3A_422 : f32 to vector<16xf32>
      %swap3A_424 = arith.index_cast %scan3A_407 : i32 to index
      %swap3A_425 = arith.constant 32 : index
      %swap3A_426 = tpu.vector_load %arg11[%swap3A_424, %swap3A_425] {strides = array<i32>} : memref<125x128xf32, #tpu.memory_space<vmem>>, vector<1x16xf32>,
      %swap3A_427 = vector.shape_cast %swap3A_426 : vector<1x16xf32> to vector<16xf32>
      %swap3A_428 = vector.shape_cast %broadcast_in_dim3A_423 : vector<16xf32> to vector<1x16xf32>
      tpu.vector_store %arg11[%swap3A_424, %swap3A_425], %swap3A_428 {strides = array<i32>} : memref<125x128xf32, #tpu.memory_space<vmem>>, vector<1x16xf32>,
      %broadcast_in_dim3A_429 = arith.constant 0.000000e+00 : f32
      %broadcast_in_dim3A_430 = vector.broadcast %broadcast_in_dim3A_429 : f32 to vector<16xf32>
      %swap3A_431 = arith.index_cast %scan3A_407 : i32 to index
      %swap3A_432 = arith.constant 48 : index
      %swap3A_433 = tpu.vector_load %arg11[%swap3A_431, %swap3A_432] {strides = array<i32>} : memref<125x128xf32, #tpu.memory_space<vmem>>, vector<1x16xf32>,
      %swap3A_434 = vector.shape_cast %swap3A_433 : vector<1x16xf32> to vector<16xf32>
      %swap3A_435 = vector.shape_cast %broadcast_in_dim3A_430 : vector<16xf32> to vector<1x16xf32>
      tpu.vector_store %arg11[%swap3A_431, %swap3A_432], %swap3A_435 {strides = array<i32>} : memref<125x128xf32, #tpu.memory_space<vmem>>, vector<1x16xf32>,
      %broadcast_in_dim3A_436 = arith.constant 0.000000e+00 : f32
      %broadcast_in_dim3A_437 = vector.broadcast %broadcast_in_dim3A_436 : f32 to vector<16xf32>
      %swap3A_438 = arith.index_cast %scan3A_407 : i32 to index
      %swap3A_439 = arith.constant 64 : index
      %swap3A_440 = tpu.vector_load %arg11[%swap3A_438, %swap3A_439] {strides = array<i32>} : memref<125x128xf32, #tpu.memory_space<vmem>>, vector<1x16xf32>,
      %swap3A_441 = vector.shape_cast %swap3A_440 : vector<1x16xf32> to vector<16xf32>
      %swap3A_442 = vector.shape_cast %broadcast_in_dim3A_437 : vector<16xf32> to vector<1x16xf32>
      tpu.vector_store %arg11[%swap3A_438, %swap3A_439], %swap3A_442 {strides = array<i32>} : memref<125x128xf32, #tpu.memory_space<vmem>>, vector<1x16xf32>,
      %broadcast_in_dim3A_443 = arith.constant 0.000000e+00 : f32
      %broadcast_in_dim3A_444 = vector.broadcast %broadcast_in_dim3A_443 : f32 to vector<16xf32>
      %swap3A_445 = arith.index_cast %scan3A_407 : i32 to index
      %swap3A_446 = arith.constant 80 : index
      %swap3A_447 = tpu.vector_load %arg11[%swap3A_445, %swap3A_446] {strides = array<i32>} : memref<125x128xf32, #tpu.memory_space<vmem>>, vector<1x16xf32>,
      %swap3A_448 = vector.shape_cast %swap3A_447 : vector<1x16xf32> to vector<16xf32>
      %swap3A_449 = vector.shape_cast %broadcast_in_dim3A_444 : vector<16xf32> to vector<1x16xf32>
      tpu.vector_store %arg11[%swap3A_445, %swap3A_446], %swap3A_449 {strides = array<i32>} : memref<125x128xf32, #tpu.memory_space<vmem>>, vector<1x16xf32>,
      %broadcast_in_dim3A_450 = arith.constant 0.000000e+00 : f32
      %broadcast_in_dim3A_451 = vector.broadcast %broadcast_in_dim3A_450 : f32 to vector<16xf32>
      %swap3A_452 = arith.index_cast %scan3A_407 : i32 to index
      %swap3A_453 = arith.constant 96 : index
      %swap3A_454 = tpu.vector_load %arg11[%swap3A_452, %swap3A_453] {strides = array<i32>} : memref<125x128xf32, #tpu.memory_space<vmem>>, vector<1x16xf32>,
      %swap3A_455 = vector.shape_cast %swap3A_454 : vector<1x16xf32> to vector<16xf32>
      %swap3A_456 = vector.shape_cast %broadcast_in_dim3A_451 : vector<16xf32> to vector<1x16xf32>
      tpu.vector_store %arg11[%swap3A_452, %swap3A_453], %swap3A_456 {strides = array<i32>} : memref<125x128xf32, #tpu.memory_space<vmem>>, vector<1x16xf32>,
      %broadcast_in_dim3A_457 = arith.constant 0.000000e+00 : f32
      %broadcast_in_dim3A_458 = vector.broadcast %broadcast_in_dim3A_457 : f32 to vector<16xf32>
      %swap3A_459 = arith.index_cast %scan3A_407 : i32 to index
      %swap3A_460 = arith.constant 112 : index
      %swap3A_461 = tpu.vector_load %arg11[%swap3A_459, %swap3A_460] {strides = array<i32>} : memref<125x128xf32, #tpu.memory_space<vmem>>, vector<1x16xf32>,
      %swap3A_462 = vector.shape_cast %swap3A_461 : vector<1x16xf32> to vector<16xf32>
      %swap3A_463 = vector.shape_cast %broadcast_in_dim3A_458 : vector<16xf32> to vector<1x16xf32>
      tpu.vector_store %arg11[%swap3A_459, %swap3A_460], %swap3A_463 {strides = array<i32>} : memref<125x128xf32, #tpu.memory_space<vmem>>, vector<1x16xf32>,
    }
    %scan3A_20 = arith.constant 125 : i32
    %scan3A_21 = arith.constant 0 : i32
    %scan3A_22 = arith.constant 0 : i32
    %scan3A_23 = arith.constant 64 : i32
    %scan3A_24 = arith.addi %scan3A_22, %scan3A_23 : i32
    %scan3A_25 = arith.constant 1 : i32
    scf.for %scan3A_407 = %scan3A_22 to %scan3A_24 step %scan3A_25  : i32 {
      %broadcast_in_dim3A_408 = arith.constant 0.000000e+00 : f32
      %broadcast_in_dim3A_409 = vector.broadcast %broadcast_in_dim3A_408 : f32 to vector<16xf32>
      %mul3A_410 = arith.constant 16 : i32
      %mul3A_411 = arith.muli %scan3A_407, %mul3A_410 : i32
      %swap3A_412 = arith.index_cast %mul3A_411 : i32 to index
      %swap3A_413 = tpu.vector_load %arg14[%swap3A_412] {strides = array<i32>} : memref<1024xf32, #tpu.memory_space<vmem>>, vector<16xf32>,
      %swap3A_414 = vector.shape_cast %swap3A_413 : vector<16xf32> to vector<16xf32>
      %swap3A_415 = vector.shape_cast %broadcast_in_dim3A_409 : vector<16xf32> to vector<16xf32>
      tpu.vector_store %arg14[%swap3A_412], %swap3A_415 {strides = array<i32>} : memref<1024xf32, #tpu.memory_space<vmem>>, vector<16xf32>,
    }
    %scan3A_26 = arith.constant 64 : i32
    %broadcast_in_dim3A = arith.constant 1.000000e+00 : f32
    %broadcast_in_dim3A_27 = vector.broadcast %broadcast_in_dim3A : f32 to vector<16xf32>
    %swap3A = arith.constant 0 : index
    %swap3A_28 = tpu.vector_load %arg13[%swap3A] {strides = array<i32>} : memref<128xf32, #tpu.memory_space<vmem>>, vector<16xf32>,
    %swap3A_29 = vector.shape_cast %swap3A_28 : vector<16xf32> to vector<16xf32>
    %swap3A_30 = vector.shape_cast %broadcast_in_dim3A_27 : vector<16xf32> to vector<16xf32>
    tpu.vector_store %arg13[%swap3A], %swap3A_30 {strides = array<i32>} : memref<128xf32, #tpu.memory_space<vmem>>, vector<16xf32>,
    %broadcast_in_dim3A_31 = arith.constant 1.000000e+00 : f32
    %broadcast_in_dim3A_32 = vector.broadcast %broadcast_in_dim3A_31 : f32 to vector<16xf32>
    %swap3A_33 = arith.constant 16 : index
    %swap3A_34 = tpu.vector_load %arg13[%swap3A_33] {strides = array<i32>} : memref<128xf32, #tpu.memory_space<vmem>>, vector<16xf32>,
    %swap3A_35 = vector.shape_cast %swap3A_34 : vector<16xf32> to vector<16xf32>
    %swap3A_36 = vector.shape_cast %broadcast_in_dim3A_32 : vector<16xf32> to vector<16xf32>
    tpu.vector_store %arg13[%swap3A_33], %swap3A_36 {strides = array<i32>} : memref<128xf32, #tpu.memory_space<vmem>>, vector<16xf32>,
    %broadcast_in_dim3A_37 = arith.constant 1.000000e+00 : f32
    %broadcast_in_dim3A_38 = vector.broadcast %broadcast_in_dim3A_37 : f32 to vector<16xf32>
    %swap3A_39 = arith.constant 32 : index
    %swap3A_40 = tpu.vector_load %arg13[%swap3A_39] {strides = array<i32>} : memref<128xf32, #tpu.memory_space<vmem>>, vector<16xf32>,
    %swap3A_41 = vector.shape_cast %swap3A_40 : vector<16xf32> to vector<16xf32>
    %swap3A_42 = vector.shape_cast %broadcast_in_dim3A_38 : vector<16xf32> to vector<16xf32>
    tpu.vector_store %arg13[%swap3A_39], %swap3A_42 {strides = array<i32>} : memref<128xf32, #tpu.memory_space<vmem>>, vector<16xf32>,
    %broadcast_in_dim3A_43 = arith.constant 1.000000e+00 : f32
    %broadcast_in_dim3A_44 = vector.broadcast %broadcast_in_dim3A_43 : f32 to vector<16xf32>
    %swap3A_45 = arith.constant 48 : index
    %swap3A_46 = tpu.vector_load %arg13[%swap3A_45] {strides = array<i32>} : memref<128xf32, #tpu.memory_space<vmem>>, vector<16xf32>,
    %swap3A_47 = vector.shape_cast %swap3A_46 : vector<16xf32> to vector<16xf32>
    %swap3A_48 = vector.shape_cast %broadcast_in_dim3A_44 : vector<16xf32> to vector<16xf32>
    tpu.vector_store %arg13[%swap3A_45], %swap3A_48 {strides = array<i32>} : memref<128xf32, #tpu.memory_space<vmem>>, vector<16xf32>,
    %broadcast_in_dim3A_49 = arith.constant 1.000000e+00 : f32
    %broadcast_in_dim3A_50 = vector.broadcast %broadcast_in_dim3A_49 : f32 to vector<16xf32>
    %swap3A_51 = arith.constant 64 : index
    %swap3A_52 = tpu.vector_load %arg13[%swap3A_51] {strides = array<i32>} : memref<128xf32, #tpu.memory_space<vmem>>, vector<16xf32>,
    %swap3A_53 = vector.shape_cast %swap3A_52 : vector<16xf32> to vector<16xf32>
    %swap3A_54 = vector.shape_cast %broadcast_in_dim3A_50 : vector<16xf32> to vector<16xf32>
    tpu.vector_store %arg13[%swap3A_51], %swap3A_54 {strides = array<i32>} : memref<128xf32, #tpu.memory_space<vmem>>, vector<16xf32>,
    %broadcast_in_dim3A_55 = arith.constant 1.000000e+00 : f32
    %broadcast_in_dim3A_56 = vector.broadcast %broadcast_in_dim3A_55 : f32 to vector<16xf32>
    %swap3A_57 = arith.constant 80 : index
    %swap3A_58 = tpu.vector_load %arg13[%swap3A_57] {strides = array<i32>} : memref<128xf32, #tpu.memory_space<vmem>>, vector<16xf32>,
    %swap3A_59 = vector.shape_cast %swap3A_58 : vector<16xf32> to vector<16xf32>
    %swap3A_60 = vector.shape_cast %broadcast_in_dim3A_56 : vector<16xf32> to vector<16xf32>
    tpu.vector_store %arg13[%swap3A_57], %swap3A_60 {strides = array<i32>} : memref<128xf32, #tpu.memory_space<vmem>>, vector<16xf32>,
    %broadcast_in_dim3A_61 = arith.constant 1.000000e+00 : f32
    %broadcast_in_dim3A_62 = vector.broadcast %broadcast_in_dim3A_61 : f32 to vector<16xf32>
    %swap3A_63 = arith.constant 96 : index
    %swap3A_64 = tpu.vector_load %arg13[%swap3A_63] {strides = array<i32>} : memref<128xf32, #tpu.memory_space<vmem>>, vector<16xf32>,
    %swap3A_65 = vector.shape_cast %swap3A_64 : vector<16xf32> to vector<16xf32>
    %swap3A_66 = vector.shape_cast %broadcast_in_dim3A_62 : vector<16xf32> to vector<16xf32>
    tpu.vector_store %arg13[%swap3A_63], %swap3A_66 {strides = array<i32>} : memref<128xf32, #tpu.memory_space<vmem>>, vector<16xf32>,
    %broadcast_in_dim3A_67 = arith.constant 1.000000e+00 : f32
    %broadcast_in_dim3A_68 = vector.broadcast %broadcast_in_dim3A_67 : f32 to vector<16xf32>
    %swap3A_69 = arith.constant 112 : index
    %swap3A_70 = tpu.vector_load %arg13[%swap3A_69] {strides = array<i32>} : memref<128xf32, #tpu.memory_space<vmem>>, vector<16xf32>,
    %swap3A_71 = vector.shape_cast %swap3A_70 : vector<16xf32> to vector<16xf32>
    %swap3A_72 = vector.shape_cast %broadcast_in_dim3A_68 : vector<16xf32> to vector<16xf32>
    tpu.vector_store %arg13[%swap3A_69], %swap3A_72 {strides = array<i32>} : memref<128xf32, #tpu.memory_space<vmem>>, vector<16xf32>,
    %mul3A_73 = arith.constant 624 : i32
    %mul3A_74 = arith.muli %arg1, %mul3A_73 : i32
    %add3A_75 = arith.constant 0 : i32
    %add3A_76 = arith.addi %mul3A_74, %add3A_75 : i32
    "tpu.region"() ({
      %run_scoped3A = tpu.sem_alloc : memref<!tpu.dma_semaphore, #tpu.memory_space<semaphore_mem>>
      %dma_start3A_407 = arith.constant 0 : i32
      %dma_start3A_408 = tpu.memref_slice %arg15[%add3A_76, %dma_start3A_407] : memref<10000x128xf32, #tpu.memory_space<vmem_shared>> -> memref<125x128xf32, #tpu.memory_space<vmem_shared>>
      %dma_start3A_409 = arith.constant 0 : i32
      %dma_start3A_410 = tpu.memref_slice %arg15[%add3A_76, %dma_start3A_409] : memref<10000x128xf32, #tpu.memory_space<vmem_shared>> -> memref<125x128xf32, #tpu.memory_space<vmem_shared>>
      tpu.enqueue_dma source(%arg11 : memref<125x128xf32, #tpu.memory_space<vmem>>) target(%dma_start3A_410 : memref<125x128xf32, #tpu.memory_space<vmem_shared>>) target_semaphore(%run_scoped3A : memref<!tpu.dma_semaphore, #tpu.memory_space<semaphore_mem>>)
      %dma_wait3A_411 = arith.constant 0 : i32
      %dma_wait3A_412 = tpu.memref_slice %arg15[%add3A_76, %dma_wait3A_411] : memref<10000x128xf32, #tpu.memory_space<vmem_shared>> -> memref<125x128xf32, #tpu.memory_space<vmem_shared>>
      %dma_wait3A_413 = arith.constant 0 : i32
      %dma_wait3A_414 = tpu.memref_slice %arg15[%add3A_76, %dma_wait3A_413] : memref<10000x128xf32, #tpu.memory_space<vmem_shared>> -> memref<125x128xf32, #tpu.memory_space<vmem_shared>>
      tpu.wait_dma2 semaphore(%run_scoped3A : memref<!tpu.dma_semaphore, #tpu.memory_space<semaphore_mem>>) src(%arg11 : memref<125x128xf32, #tpu.memory_space<vmem>>) dst(%dma_wait3A_414 : memref<125x128xf32, #tpu.memory_space<vmem_shared>>)
      tpu.yield
    }) : () -> ()
    %add3A_77 = arith.constant 125 : i32
    %add3A_78 = arith.addi %mul3A_74, %add3A_77 : i32
    "tpu.region"() ({
      %run_scoped3A = tpu.sem_alloc : memref<!tpu.dma_semaphore, #tpu.memory_space<semaphore_mem>>
      %dma_start3A_407 = arith.constant 0 : i32
      %dma_start3A_408 = tpu.memref_slice %arg15[%add3A_78, %dma_start3A_407] : memref<10000x128xf32, #tpu.memory_space<vmem_shared>> -> memref<125x128xf32, #tpu.memory_space<vmem_shared>>
      %dma_start3A_409 = arith.constant 0 : i32
      %dma_start3A_410 = tpu.memref_slice %arg15[%add3A_78, %dma_start3A_409] : memref<10000x128xf32, #tpu.memory_space<vmem_shared>> -> memref<125x128xf32, #tpu.memory_space<vmem_shared>>
      tpu.enqueue_dma source(%arg11 : memref<125x128xf32, #tpu.memory_space<vmem>>) target(%dma_start3A_410 : memref<125x128xf32, #tpu.memory_space<vmem_shared>>) target_semaphore(%run_scoped3A : memref<!tpu.dma_semaphore, #tpu.memory_space<semaphore_mem>>)
      %dma_wait3A_411 = arith.constant 0 : i32
      %dma_wait3A_412 = tpu.memref_slice %arg15[%add3A_78, %dma_wait3A_411] : memref<10000x128xf32, #tpu.memory_space<vmem_shared>> -> memref<125x128xf32, #tpu.memory_space<vmem_shared>>
      %dma_wait3A_413 = arith.constant 0 : i32
      %dma_wait3A_414 = tpu.memref_slice %arg15[%add3A_78, %dma_wait3A_413] : memref<10000x128xf32, #tpu.memory_space<vmem_shared>> -> memref<125x128xf32, #tpu.memory_space<vmem_shared>>
      tpu.wait_dma2 semaphore(%run_scoped3A : memref<!tpu.dma_semaphore, #tpu.memory_space<semaphore_mem>>) src(%arg11 : memref<125x128xf32, #tpu.memory_space<vmem>>) dst(%dma_wait3A_414 : memref<125x128xf32, #tpu.memory_space<vmem_shared>>)
      tpu.yield
    }) : () -> ()
    %add3A_79 = arith.constant 250 : i32
    %add3A_80 = arith.addi %mul3A_74, %add3A_79 : i32
    "tpu.region"() ({
      %run_scoped3A = tpu.sem_alloc : memref<!tpu.dma_semaphore, #tpu.memory_space<semaphore_mem>>
      %dma_start3A_407 = arith.constant 0 : i32
      %dma_start3A_408 = tpu.memref_slice %arg15[%add3A_80, %dma_start3A_407] : memref<10000x128xf32, #tpu.memory_space<vmem_shared>> -> memref<125x128xf32, #tpu.memory_space<vmem_shared>>
      %dma_start3A_409 = arith.constant 0 : i32
      %dma_start3A_410 = tpu.memref_slice %arg15[%add3A_80, %dma_start3A_409] : memref<10000x128xf32, #tpu.memory_space<vmem_shared>> -> memref<125x128xf32, #tpu.memory_space<vmem_shared>>
      tpu.enqueue_dma source(%arg11 : memref<125x128xf32, #tpu.memory_space<vmem>>) target(%dma_start3A_410 : memref<125x128xf32, #tpu.memory_space<vmem_shared>>) target_semaphore(%run_scoped3A : memref<!tpu.dma_semaphore, #tpu.memory_space<semaphore_mem>>)
      %dma_wait3A_411 = arith.constant 0 : i32
      %dma_wait3A_412 = tpu.memref_slice %arg15[%add3A_80, %dma_wait3A_411] : memref<10000x128xf32, #tpu.memory_space<vmem_shared>> -> memref<125x128xf32, #tpu.memory_space<vmem_shared>>
      %dma_wait3A_413 = arith.constant 0 : i32
      %dma_wait3A_414 = tpu.memref_slice %arg15[%add3A_80, %dma_wait3A_413] : memref<10000x128xf32, #tpu.memory_space<vmem_shared>> -> memref<125x128xf32, #tpu.memory_space<vmem_shared>>
      tpu.wait_dma2 semaphore(%run_scoped3A : memref<!tpu.dma_semaphore, #tpu.memory_space<semaphore_mem>>) src(%arg11 : memref<125x128xf32, #tpu.memory_space<vmem>>) dst(%dma_wait3A_414 : memref<125x128xf32, #tpu.memory_space<vmem_shared>>)
      tpu.yield
    }) : () -> ()
    %add3A_81 = arith.constant 375 : i32
    %add3A_82 = arith.addi %mul3A_74, %add3A_81 : i32
    "tpu.region"() ({
      %run_scoped3A = tpu.sem_alloc : memref<!tpu.dma_semaphore, #tpu.memory_space<semaphore_mem>>
      %dma_start3A_407 = arith.constant 0 : i32
      %dma_start3A_408 = tpu.memref_slice %arg15[%add3A_82, %dma_start3A_407] : memref<10000x128xf32, #tpu.memory_space<vmem_shared>> -> memref<125x128xf32, #tpu.memory_space<vmem_shared>>
      %dma_start3A_409 = arith.constant 0 : i32
      %dma_start3A_410 = tpu.memref_slice %arg15[%add3A_82, %dma_start3A_409] : memref<10000x128xf32, #tpu.memory_space<vmem_shared>> -> memref<125x128xf32, #tpu.memory_space<vmem_shared>>
      tpu.enqueue_dma source(%arg11 : memref<125x128xf32, #tpu.memory_space<vmem>>) target(%dma_start3A_410 : memref<125x128xf32, #tpu.memory_space<vmem_shared>>) target_semaphore(%run_scoped3A : memref<!tpu.dma_semaphore, #tpu.memory_space<semaphore_mem>>)
      %dma_wait3A_411 = arith.constant 0 : i32
      %dma_wait3A_412 = tpu.memref_slice %arg15[%add3A_82, %dma_wait3A_411] : memref<10000x128xf32, #tpu.memory_space<vmem_shared>> -> memref<125x128xf32, #tpu.memory_space<vmem_shared>>
      %dma_wait3A_413 = arith.constant 0 : i32
      %dma_wait3A_414 = tpu.memref_slice %arg15[%add3A_82, %dma_wait3A_413] : memref<10000x128xf32, #tpu.memory_space<vmem_shared>> -> memref<125x128xf32, #tpu.memory_space<vmem_shared>>
      tpu.wait_dma2 semaphore(%run_scoped3A : memref<!tpu.dma_semaphore, #tpu.memory_space<semaphore_mem>>) src(%arg11 : memref<125x128xf32, #tpu.memory_space<vmem>>) dst(%dma_wait3A_414 : memref<125x128xf32, #tpu.memory_space<vmem_shared>>)
      tpu.yield
    }) : () -> ()
    %add3A_83 = arith.constant 624 : i32
    %add3A_84 = arith.addi %mul3A_74, %add3A_83 : i32
    %sub3A = arith.constant 124 : i32
    %sub3A_85 = arith.subi %add3A_84, %sub3A : i32
    "tpu.region"() ({
      %run_scoped3A = tpu.sem_alloc : memref<!tpu.dma_semaphore, #tpu.memory_space<semaphore_mem>>
      %dma_start3A_407 = arith.constant 0 : i32
      %dma_start3A_408 = arith.constant 0 : i32
      %dma_start3A_409 = tpu.memref_slice %arg11[%dma_start3A_407, %dma_start3A_408] : memref<125x128xf32, #tpu.memory_space<vmem>> -> memref<124x128xf32, #tpu.memory_space<vmem>>
      %dma_start3A_410 = arith.constant 0 : i32
      %dma_start3A_411 = tpu.memref_slice %arg15[%sub3A_85, %dma_start3A_410] : memref<10000x128xf32, #tpu.memory_space<vmem_shared>> -> memref<124x128xf32, #tpu.memory_space<vmem_shared>>
      %dma_start3A_412 = arith.constant 0 : i32
      %dma_start3A_413 = tpu.memref_slice %arg15[%sub3A_85, %dma_start3A_412] : memref<10000x128xf32, #tpu.memory_space<vmem_shared>> -> memref<124x128xf32, #tpu.memory_space<vmem_shared>>
      %dma_start3A_414 = arith.constant 0 : i32
      %dma_start3A_415 = arith.constant 0 : i32
      %dma_start3A_416 = tpu.memref_slice %arg11[%dma_start3A_414, %dma_start3A_415] : memref<125x128xf32, #tpu.memory_space<vmem>> -> memref<124x128xf32, #tpu.memory_space<vmem>>
      tpu.enqueue_dma source(%dma_start3A_416 : memref<124x128xf32, #tpu.memory_space<vmem>>) target(%dma_start3A_413 : memref<124x128xf32, #tpu.memory_space<vmem_shared>>) target_semaphore(%run_scoped3A : memref<!tpu.dma_semaphore, #tpu.memory_space<semaphore_mem>>)
      %dma_wait3A_417 = arith.constant 0 : i32
      %dma_wait3A_418 = arith.constant 0 : i32
      %dma_wait3A_419 = tpu.memref_slice %arg11[%dma_wait3A_417, %dma_wait3A_418] : memref<125x128xf32, #tpu.memory_space<vmem>> -> memref<124x128xf32, #tpu.memory_space<vmem>>
      %dma_wait3A_420 = arith.constant 0 : i32
      %dma_wait3A_421 = tpu.memref_slice %arg15[%sub3A_85, %dma_wait3A_420] : memref<10000x128xf32, #tpu.memory_space<vmem_shared>> -> memref<124x128xf32, #tpu.memory_space<vmem_shared>>
      %dma_wait3A_422 = arith.constant 0 : i32
      %dma_wait3A_423 = tpu.memref_slice %arg15[%sub3A_85, %dma_wait3A_422] : memref<10000x128xf32, #tpu.memory_space<vmem_shared>> -> memref<124x128xf32, #tpu.memory_space<vmem_shared>>
      %dma_wait3A_424 = arith.constant 0 : i32
      %dma_wait3A_425 = arith.constant 0 : i32
      %dma_wait3A_426 = tpu.memref_slice %arg11[%dma_wait3A_424, %dma_wait3A_425] : memref<125x128xf32, #tpu.memory_space<vmem>> -> memref<124x128xf32, #tpu.memory_space<vmem>>
      tpu.wait_dma2 semaphore(%run_scoped3A : memref<!tpu.dma_semaphore, #tpu.memory_space<semaphore_mem>>) src(%dma_wait3A_426 : memref<124x128xf32, #tpu.memory_space<vmem>>) dst(%dma_wait3A_423 : memref<124x128xf32, #tpu.memory_space<vmem_shared>>)
      tpu.yield
    }) : () -> ()
    %eq3A = arith.constant 15 : i32
    %eq3A_86 = arith.cmpi eq, %arg1, %eq3A : i32
    %convert_element_type3A = arith.extui %eq3A_86 : i1 to i32
    %cond3A = arith.constant 0 : i32
    %cond3A_87 = arith.cmpi ne, %convert_element_type3A, %cond3A : i32
    scf.if %cond3A_87 {
      "tpu.region"() ({
        %run_scoped3A = tpu.sem_alloc : memref<!tpu.dma_semaphore, #tpu.memory_space<semaphore_mem>>
        %dma_start3A_407 = arith.constant 0 : i32
        %dma_start3A_408 = arith.constant 0 : i32
        %dma_start3A_409 = tpu.memref_slice %arg11[%dma_start3A_407, %dma_start3A_408] : memref<125x128xf32, #tpu.memory_space<vmem>> -> memref<16x128xf32, #tpu.memory_space<vmem>>
        %dma_start3A_410 = arith.constant 9984 : i32
        %dma_start3A_411 = arith.constant 0 : i32
        %dma_start3A_412 = tpu.memref_slice %arg15[%dma_start3A_410, %dma_start3A_411] : memref<10000x128xf32, #tpu.memory_space<vmem_shared>> -> memref<16x128xf32, #tpu.memory_space<vmem_shared>>
        %dma_start3A_413 = arith.constant 9984 : i32
        %dma_start3A_414 = arith.constant 0 : i32
        %dma_start3A_415 = tpu.memref_slice %arg15[%dma_start3A_413, %dma_start3A_414] : memref<10000x128xf32, #tpu.memory_space<vmem_shared>> -> memref<16x128xf32, #tpu.memory_space<vmem_shared>>
        %dma_start3A_416 = arith.constant 0 : i32
        %dma_start3A_417 = arith.constant 0 : i32
        %dma_start3A_418 = tpu.memref_slice %arg11[%dma_start3A_416, %dma_start3A_417] : memref<125x128xf32, #tpu.memory_space<vmem>> -> memref<16x128xf32, #tpu.memory_space<vmem>>
        tpu.enqueue_dma source(%dma_start3A_418 : memref<16x128xf32, #tpu.memory_space<vmem>>) target(%dma_start3A_415 : memref<16x128xf32, #tpu.memory_space<vmem_shared>>) target_semaphore(%run_scoped3A : memref<!tpu.dma_semaphore, #tpu.memory_space<semaphore_mem>>)
        %dma_wait3A_419 = arith.constant 0 : i32
        %dma_wait3A_420 = arith.constant 0 : i32
        %dma_wait3A_421 = tpu.memref_slice %arg11[%dma_wait3A_419, %dma_wait3A_420] : memref<125x128xf32, #tpu.memory_space<vmem>> -> memref<16x128xf32, #tpu.memory_space<vmem>>
        %dma_wait3A_422 = arith.constant 9984 : i32
        %dma_wait3A_423 = arith.constant 0 : i32
        %dma_wait3A_424 = tpu.memref_slice %arg15[%dma_wait3A_422, %dma_wait3A_423] : memref<10000x128xf32, #tpu.memory_space<vmem_shared>> -> memref<16x128xf32, #tpu.memory_space<vmem_shared>>
        %dma_wait3A_425 = arith.constant 9984 : i32
        %dma_wait3A_426 = arith.constant 0 : i32
        %dma_wait3A_427 = tpu.memref_slice %arg15[%dma_wait3A_425, %dma_wait3A_426] : memref<10000x128xf32, #tpu.memory_space<vmem_shared>> -> memref<16x128xf32, #tpu.memory_space<vmem_shared>>
        %dma_wait3A_428 = arith.constant 0 : i32
        %dma_wait3A_429 = arith.constant 0 : i32
        %dma_wait3A_430 = tpu.memref_slice %arg11[%dma_wait3A_428, %dma_wait3A_429] : memref<125x128xf32, #tpu.memory_space<vmem>> -> memref<16x128xf32, #tpu.memory_space<vmem>>
        tpu.wait_dma2 semaphore(%run_scoped3A : memref<!tpu.dma_semaphore, #tpu.memory_space<semaphore_mem>>) src(%dma_wait3A_430 : memref<16x128xf32, #tpu.memory_space<vmem>>) dst(%dma_wait3A_427 : memref<16x128xf32, #tpu.memory_space<vmem_shared>>)
        tpu.yield
      }) : () -> ()
    } else {
    }
    %eq3A_88 = arith.constant 0 : i32
    %eq3A_89 = arith.cmpi eq, %arg1, %eq3A_88 : i32
    %convert_element_type3A_90 = arith.extui %eq3A_89 : i1 to i32
    %cond3A_91 = arith.constant 0 : i32
    %cond3A_92 = arith.cmpi ne, %convert_element_type3A_90, %cond3A_91 : i32
    scf.if %cond3A_92 {
      "tpu.region"() ({
        %run_scoped3A = tpu.sem_alloc : memref<!tpu.dma_semaphore, #tpu.memory_space<semaphore_mem>>
        %dma_start3A_407 = arith.constant 0 : i32
        %dma_start3A_408 = tpu.memref_slice %arg16[%dma_start3A_407] : memref<10240xf32, #tpu.memory_space<vmem_shared>> -> memref<1024xf32, #tpu.memory_space<vmem_shared>>
        %dma_start3A_409 = arith.constant 0 : i32
        %dma_start3A_410 = tpu.memref_slice %arg16[%dma_start3A_409] : memref<10240xf32, #tpu.memory_space<vmem_shared>> -> memref<1024xf32, #tpu.memory_space<vmem_shared>>
        tpu.enqueue_dma source(%arg14 : memref<1024xf32, #tpu.memory_space<vmem>>) target(%dma_start3A_410 : memref<1024xf32, #tpu.memory_space<vmem_shared>>) target_semaphore(%run_scoped3A : memref<!tpu.dma_semaphore, #tpu.memory_space<semaphore_mem>>)
        %dma_wait3A_411 = arith.constant 0 : i32
        %dma_wait3A_412 = tpu.memref_slice %arg16[%dma_wait3A_411] : memref<10240xf32, #tpu.memory_space<vmem_shared>> -> memref<1024xf32, #tpu.memory_space<vmem_shared>>
        %dma_wait3A_413 = arith.constant 0 : i32
        %dma_wait3A_414 = tpu.memref_slice %arg16[%dma_wait3A_413] : memref<10240xf32, #tpu.memory_space<vmem_shared>> -> memref<1024xf32, #tpu.memory_space<vmem_shared>>
        tpu.wait_dma2 semaphore(%run_scoped3A : memref<!tpu.dma_semaphore, #tpu.memory_space<semaphore_mem>>) src(%arg14 : memref<1024xf32, #tpu.memory_space<vmem>>) dst(%dma_wait3A_414 : memref<1024xf32, #tpu.memory_space<vmem_shared>>)
        tpu.yield
      }) : () -> ()
      "tpu.region"() ({
        %run_scoped3A = tpu.sem_alloc : memref<!tpu.dma_semaphore, #tpu.memory_space<semaphore_mem>>
        %dma_start3A_407 = arith.constant 1024 : i32
        %dma_start3A_408 = tpu.memref_slice %arg16[%dma_start3A_407] : memref<10240xf32, #tpu.memory_space<vmem_shared>> -> memref<1024xf32, #tpu.memory_space<vmem_shared>>
        %dma_start3A_409 = arith.constant 1024 : i32
        %dma_start3A_410 = tpu.memref_slice %arg16[%dma_start3A_409] : memref<10240xf32, #tpu.memory_space<vmem_shared>> -> memref<1024xf32, #tpu.memory_space<vmem_shared>>
        tpu.enqueue_dma source(%arg14 : memref<1024xf32, #tpu.memory_space<vmem>>) target(%dma_start3A_410 : memref<1024xf32, #tpu.memory_space<vmem_shared>>) target_semaphore(%run_scoped3A : memref<!tpu.dma_semaphore, #tpu.memory_space<semaphore_mem>>)
        %dma_wait3A_411 = arith.constant 1024 : i32
        %dma_wait3A_412 = tpu.memref_slice %arg16[%dma_wait3A_411] : memref<10240xf32, #tpu.memory_space<vmem_shared>> -> memref<1024xf32, #tpu.memory_space<vmem_shared>>
        %dma_wait3A_413 = arith.constant 1024 : i32
        %dma_wait3A_414 = tpu.memref_slice %arg16[%dma_wait3A_413] : memref<10240xf32, #tpu.memory_space<vmem_shared>> -> memref<1024xf32, #tpu.memory_space<vmem_shared>>
        tpu.wait_dma2 semaphore(%run_scoped3A : memref<!tpu.dma_semaphore, #tpu.memory_space<semaphore_mem>>) src(%arg14 : memref<1024xf32, #tpu.memory_space<vmem>>) dst(%dma_wait3A_414 : memref<1024xf32, #tpu.memory_space<vmem_shared>>)
        tpu.yield
      }) : () -> ()
      "tpu.region"() ({
        %run_scoped3A = tpu.sem_alloc : memref<!tpu.dma_semaphore, #tpu.memory_space<semaphore_mem>>
        %dma_start3A_407 = arith.constant 2048 : i32
        %dma_start3A_408 = tpu.memref_slice %arg16[%dma_start3A_407] : memref<10240xf32, #tpu.memory_space<vmem_shared>> -> memref<1024xf32, #tpu.memory_space<vmem_shared>>
        %dma_start3A_409 = arith.constant 2048 : i32
        %dma_start3A_410 = tpu.memref_slice %arg16[%dma_start3A_409] : memref<10240xf32, #tpu.memory_space<vmem_shared>> -> memref<1024xf32, #tpu.memory_space<vmem_shared>>
        tpu.enqueue_dma source(%arg14 : memref<1024xf32, #tpu.memory_space<vmem>>) target(%dma_start3A_410 : memref<1024xf32, #tpu.memory_space<vmem_shared>>) target_semaphore(%run_scoped3A : memref<!tpu.dma_semaphore, #tpu.memory_space<semaphore_mem>>)
        %dma_wait3A_411 = arith.constant 2048 : i32
        %dma_wait3A_412 = tpu.memref_slice %arg16[%dma_wait3A_411] : memref<10240xf32, #tpu.memory_space<vmem_shared>> -> memref<1024xf32, #tpu.memory_space<vmem_shared>>
        %dma_wait3A_413 = arith.constant 2048 : i32
        %dma_wait3A_414 = tpu.memref_slice %arg16[%dma_wait3A_413] : memref<10240xf32, #tpu.memory_space<vmem_shared>> -> memref<1024xf32, #tpu.memory_space<vmem_shared>>
        tpu.wait_dma2 semaphore(%run_scoped3A : memref<!tpu.dma_semaphore, #tpu.memory_space<semaphore_mem>>) src(%arg14 : memref<1024xf32, #tpu.memory_space<vmem>>) dst(%dma_wait3A_414 : memref<1024xf32, #tpu.memory_space<vmem_shared>>)
        tpu.yield
      }) : () -> ()
      "tpu.region"() ({
        %run_scoped3A = tpu.sem_alloc : memref<!tpu.dma_semaphore, #tpu.memory_space<semaphore_mem>>
        %dma_start3A_407 = arith.constant 3072 : i32
        %dma_start3A_408 = tpu.memref_slice %arg16[%dma_start3A_407] : memref<10240xf32, #tpu.memory_space<vmem_shared>> -> memref<1024xf32, #tpu.memory_space<vmem_shared>>
        %dma_start3A_409 = arith.constant 3072 : i32
        %dma_start3A_410 = tpu.memref_slice %arg16[%dma_start3A_409] : memref<10240xf32, #tpu.memory_space<vmem_shared>> -> memref<1024xf32, #tpu.memory_space<vmem_shared>>
        tpu.enqueue_dma source(%arg14 : memref<1024xf32, #tpu.memory_space<vmem>>) target(%dma_start3A_410 : memref<1024xf32, #tpu.memory_space<vmem_shared>>) target_semaphore(%run_scoped3A : memref<!tpu.dma_semaphore, #tpu.memory_space<semaphore_mem>>)
        %dma_wait3A_411 = arith.constant 3072 : i32
        %dma_wait3A_412 = tpu.memref_slice %arg16[%dma_wait3A_411] : memref<10240xf32, #tpu.memory_space<vmem_shared>> -> memref<1024xf32, #tpu.memory_space<vmem_shared>>
        %dma_wait3A_413 = arith.constant 3072 : i32
        %dma_wait3A_414 = tpu.memref_slice %arg16[%dma_wait3A_413] : memref<10240xf32, #tpu.memory_space<vmem_shared>> -> memref<1024xf32, #tpu.memory_space<vmem_shared>>
        tpu.wait_dma2 semaphore(%run_scoped3A : memref<!tpu.dma_semaphore, #tpu.memory_space<semaphore_mem>>) src(%arg14 : memref<1024xf32, #tpu.memory_space<vmem>>) dst(%dma_wait3A_414 : memref<1024xf32, #tpu.memory_space<vmem_shared>>)
        tpu.yield
      }) : () -> ()
      "tpu.region"() ({
        %run_scoped3A = tpu.sem_alloc : memref<!tpu.dma_semaphore, #tpu.memory_space<semaphore_mem>>
        %dma_start3A_407 = arith.constant 4096 : i32
        %dma_start3A_408 = tpu.memref_slice %arg16[%dma_start3A_407] : memref<10240xf32, #tpu.memory_space<vmem_shared>> -> memref<1024xf32, #tpu.memory_space<vmem_shared>>
        %dma_start3A_409 = arith.constant 4096 : i32
        %dma_start3A_410 = tpu.memref_slice %arg16[%dma_start3A_409] : memref<10240xf32, #tpu.memory_space<vmem_shared>> -> memref<1024xf32, #tpu.memory_space<vmem_shared>>
        tpu.enqueue_dma source(%arg14 : memref<1024xf32, #tpu.memory_space<vmem>>) target(%dma_start3A_410 : memref<1024xf32, #tpu.memory_space<vmem_shared>>) target_semaphore(%run_scoped3A : memref<!tpu.dma_semaphore, #tpu.memory_space<semaphore_mem>>)
        %dma_wait3A_411 = arith.constant 4096 : i32
        %dma_wait3A_412 = tpu.memref_slice %arg16[%dma_wait3A_411] : memref<10240xf32, #tpu.memory_space<vmem_shared>> -> memref<1024xf32, #tpu.memory_space<vmem_shared>>
        %dma_wait3A_413 = arith.constant 4096 : i32
        %dma_wait3A_414 = tpu.memref_slice %arg16[%dma_wait3A_413] : memref<10240xf32, #tpu.memory_space<vmem_shared>> -> memref<1024xf32, #tpu.memory_space<vmem_shared>>
        tpu.wait_dma2 semaphore(%run_scoped3A : memref<!tpu.dma_semaphore, #tpu.memory_space<semaphore_mem>>) src(%arg14 : memref<1024xf32, #tpu.memory_space<vmem>>) dst(%dma_wait3A_414 : memref<1024xf32, #tpu.memory_space<vmem_shared>>)
        tpu.yield
      }) : () -> ()
      "tpu.region"() ({
        %run_scoped3A = tpu.sem_alloc : memref<!tpu.dma_semaphore, #tpu.memory_space<semaphore_mem>>
        %dma_start3A_407 = arith.constant 5120 : i32
        %dma_start3A_408 = tpu.memref_slice %arg16[%dma_start3A_407] : memref<10240xf32, #tpu.memory_space<vmem_shared>> -> memref<1024xf32, #tpu.memory_space<vmem_shared>>
        %dma_start3A_409 = arith.constant 5120 : i32
        %dma_start3A_410 = tpu.memref_slice %arg16[%dma_start3A_409] : memref<10240xf32, #tpu.memory_space<vmem_shared>> -> memref<1024xf32, #tpu.memory_space<vmem_shared>>
        tpu.enqueue_dma source(%arg14 : memref<1024xf32, #tpu.memory_space<vmem>>) target(%dma_start3A_410 : memref<1024xf32, #tpu.memory_space<vmem_shared>>) target_semaphore(%run_scoped3A : memref<!tpu.dma_semaphore, #tpu.memory_space<semaphore_mem>>)
        %dma_wait3A_411 = arith.constant 5120 : i32
        %dma_wait3A_412 = tpu.memref_slice %arg16[%dma_wait3A_411] : memref<10240xf32, #tpu.memory_space<vmem_shared>> -> memref<1024xf32, #tpu.memory_space<vmem_shared>>
        %dma_wait3A_413 = arith.constant 5120 : i32
        %dma_wait3A_414 = tpu.memref_slice %arg16[%dma_wait3A_413] : memref<10240xf32, #tpu.memory_space<vmem_shared>> -> memref<1024xf32, #tpu.memory_space<vmem_shared>>
        tpu.wait_dma2 semaphore(%run_scoped3A : memref<!tpu.dma_semaphore, #tpu.memory_space<semaphore_mem>>) src(%arg14 : memref<1024xf32, #tpu.memory_space<vmem>>) dst(%dma_wait3A_414 : memref<1024xf32, #tpu.memory_space<vmem_shared>>)
        tpu.yield
      }) : () -> ()
      "tpu.region"() ({
        %run_scoped3A = tpu.sem_alloc : memref<!tpu.dma_semaphore, #tpu.memory_space<semaphore_mem>>
        %dma_start3A_407 = arith.constant 6144 : i32
        %dma_start3A_408 = tpu.memref_slice %arg16[%dma_start3A_407] : memref<10240xf32, #tpu.memory_space<vmem_shared>> -> memref<1024xf32, #tpu.memory_space<vmem_shared>>
        %dma_start3A_409 = arith.constant 6144 : i32
        %dma_start3A_410 = tpu.memref_slice %arg16[%dma_start3A_409] : memref<10240xf32, #tpu.memory_space<vmem_shared>> -> memref<1024xf32, #tpu.memory_space<vmem_shared>>
        tpu.enqueue_dma source(%arg14 : memref<1024xf32, #tpu.memory_space<vmem>>) target(%dma_start3A_410 : memref<1024xf32, #tpu.memory_space<vmem_shared>>) target_semaphore(%run_scoped3A : memref<!tpu.dma_semaphore, #tpu.memory_space<semaphore_mem>>)
        %dma_wait3A_411 = arith.constant 6144 : i32
        %dma_wait3A_412 = tpu.memref_slice %arg16[%dma_wait3A_411] : memref<10240xf32, #tpu.memory_space<vmem_shared>> -> memref<1024xf32, #tpu.memory_space<vmem_shared>>
        %dma_wait3A_413 = arith.constant 6144 : i32
        %dma_wait3A_414 = tpu.memref_slice %arg16[%dma_wait3A_413] : memref<10240xf32, #tpu.memory_space<vmem_shared>> -> memref<1024xf32, #tpu.memory_space<vmem_shared>>
        tpu.wait_dma2 semaphore(%run_scoped3A : memref<!tpu.dma_semaphore, #tpu.memory_space<semaphore_mem>>) src(%arg14 : memref<1024xf32, #tpu.memory_space<vmem>>) dst(%dma_wait3A_414 : memref<1024xf32, #tpu.memory_space<vmem_shared>>)
        tpu.yield
      }) : () -> ()
      "tpu.region"() ({
        %run_scoped3A = tpu.sem_alloc : memref<!tpu.dma_semaphore, #tpu.memory_space<semaphore_mem>>
        %dma_start3A_407 = arith.constant 7168 : i32
        %dma_start3A_408 = tpu.memref_slice %arg16[%dma_start3A_407] : memref<10240xf32, #tpu.memory_space<vmem_shared>> -> memref<1024xf32, #tpu.memory_space<vmem_shared>>
        %dma_start3A_409 = arith.constant 7168 : i32
        %dma_start3A_410 = tpu.memref_slice %arg16[%dma_start3A_409] : memref<10240xf32, #tpu.memory_space<vmem_shared>> -> memref<1024xf32, #tpu.memory_space<vmem_shared>>
        tpu.enqueue_dma source(%arg14 : memref<1024xf32, #tpu.memory_space<vmem>>) target(%dma_start3A_410 : memref<1024xf32, #tpu.memory_space<vmem_shared>>) target_semaphore(%run_scoped3A : memref<!tpu.dma_semaphore, #tpu.memory_space<semaphore_mem>>)
        %dma_wait3A_411 = arith.constant 7168 : i32
        %dma_wait3A_412 = tpu.memref_slice %arg16[%dma_wait3A_411] : memref<10240xf32, #tpu.memory_space<vmem_shared>> -> memref<1024xf32, #tpu.memory_space<vmem_shared>>
        %dma_wait3A_413 = arith.constant 7168 : i32
        %dma_wait3A_414 = tpu.memref_slice %arg16[%dma_wait3A_413] : memref<10240xf32, #tpu.memory_space<vmem_shared>> -> memref<1024xf32, #tpu.memory_space<vmem_shared>>
        tpu.wait_dma2 semaphore(%run_scoped3A : memref<!tpu.dma_semaphore, #tpu.memory_space<semaphore_mem>>) src(%arg14 : memref<1024xf32, #tpu.memory_space<vmem>>) dst(%dma_wait3A_414 : memref<1024xf32, #tpu.memory_space<vmem_shared>>)
        tpu.yield
      }) : () -> ()
      "tpu.region"() ({
        %run_scoped3A = tpu.sem_alloc : memref<!tpu.dma_semaphore, #tpu.memory_space<semaphore_mem>>
        %dma_start3A_407 = arith.constant 8192 : i32
        %dma_start3A_408 = tpu.memref_slice %arg16[%dma_start3A_407] : memref<10240xf32, #tpu.memory_space<vmem_shared>> -> memref<1024xf32, #tpu.memory_space<vmem_shared>>
        %dma_start3A_409 = arith.constant 8192 : i32
        %dma_start3A_410 = tpu.memref_slice %arg16[%dma_start3A_409] : memref<10240xf32, #tpu.memory_space<vmem_shared>> -> memref<1024xf32, #tpu.memory_space<vmem_shared>>
        tpu.enqueue_dma source(%arg14 : memref<1024xf32, #tpu.memory_space<vmem>>) target(%dma_start3A_410 : memref<1024xf32, #tpu.memory_space<vmem_shared>>) target_semaphore(%run_scoped3A : memref<!tpu.dma_semaphore, #tpu.memory_space<semaphore_mem>>)
        %dma_wait3A_411 = arith.constant 8192 : i32
        %dma_wait3A_412 = tpu.memref_slice %arg16[%dma_wait3A_411] : memref<10240xf32, #tpu.memory_space<vmem_shared>> -> memref<1024xf32, #tpu.memory_space<vmem_shared>>
        %dma_wait3A_413 = arith.constant 8192 : i32
        %dma_wait3A_414 = tpu.memref_slice %arg16[%dma_wait3A_413] : memref<10240xf32, #tpu.memory_space<vmem_shared>> -> memref<1024xf32, #tpu.memory_space<vmem_shared>>
        tpu.wait_dma2 semaphore(%run_scoped3A : memref<!tpu.dma_semaphore, #tpu.memory_space<semaphore_mem>>) src(%arg14 : memref<1024xf32, #tpu.memory_space<vmem>>) dst(%dma_wait3A_414 : memref<1024xf32, #tpu.memory_space<vmem_shared>>)
        tpu.yield
      }) : () -> ()
      "tpu.region"() ({
        %run_scoped3A = tpu.sem_alloc : memref<!tpu.dma_semaphore, #tpu.memory_space<semaphore_mem>>
        %dma_start3A_407 = arith.constant 9216 : i32
        %dma_start3A_408 = tpu.memref_slice %arg16[%dma_start3A_407] : memref<10240xf32, #tpu.memory_space<vmem_shared>> -> memref<1024xf32, #tpu.memory_space<vmem_shared>>
        %dma_start3A_409 = arith.constant 9216 : i32
        %dma_start3A_410 = tpu.memref_slice %arg16[%dma_start3A_409] : memref<10240xf32, #tpu.memory_space<vmem_shared>> -> memref<1024xf32, #tpu.memory_space<vmem_shared>>
        tpu.enqueue_dma source(%arg14 : memref<1024xf32, #tpu.memory_space<vmem>>) target(%dma_start3A_410 : memref<1024xf32, #tpu.memory_space<vmem_shared>>) target_semaphore(%run_scoped3A : memref<!tpu.dma_semaphore, #tpu.memory_space<semaphore_mem>>)
        %dma_wait3A_411 = arith.constant 9216 : i32
        %dma_wait3A_412 = tpu.memref_slice %arg16[%dma_wait3A_411] : memref<10240xf32, #tpu.memory_space<vmem_shared>> -> memref<1024xf32, #tpu.memory_space<vmem_shared>>
        %dma_wait3A_413 = arith.constant 9216 : i32
        %dma_wait3A_414 = tpu.memref_slice %arg16[%dma_wait3A_413] : memref<10240xf32, #tpu.memory_space<vmem_shared>> -> memref<1024xf32, #tpu.memory_space<vmem_shared>>
        tpu.wait_dma2 semaphore(%run_scoped3A : memref<!tpu.dma_semaphore, #tpu.memory_space<semaphore_mem>>) src(%arg14 : memref<1024xf32, #tpu.memory_space<vmem>>) dst(%dma_wait3A_414 : memref<1024xf32, #tpu.memory_space<vmem_shared>>)
        tpu.yield
      }) : () -> ()
    } else {
    }
    %barrier3A = arith.constant 0 : index
    tpu.barrier barrier_id(%barrier3A)
    %dma_start3A_93 = arith.constant 16 : i32
    %dma_start3A_94 = arith.constant 0 : i32
    %dma_start3A_95 = tpu.memref_slice %arg3[%add3A, %dma_start3A_93, %dma_start3A_94] : memref<32x80x125xi32, #tpu.memory_space<hbm>> -> memref<1x16x125xi32, #tpu.memory_space<hbm>>
    %dma_start3A_96 = tpu.memref_squeeze %dma_start3A_95 : memref<1x16x125xi32, #tpu.memory_space<hbm>> -> memref<16x125xi32, #tpu.memory_space<hbm>>
    %dma_start3A_97 = arith.constant 16 : i32
    %dma_start3A_98 = arith.constant 0 : i32
    %dma_start3A_99 = tpu.memref_slice %arg3[%add3A, %dma_start3A_97, %dma_start3A_98] : memref<32x80x125xi32, #tpu.memory_space<hbm>> -> memref<1x16x125xi32, #tpu.memory_space<hbm>>
    %dma_start3A_100 = tpu.memref_squeeze %dma_start3A_99 : memref<1x16x125xi32, #tpu.memory_space<hbm>> -> memref<16x125xi32, #tpu.memory_space<hbm>>
    tpu.enqueue_dma source(%dma_start3A_100 : memref<16x125xi32, #tpu.memory_space<hbm>>) target(%arg9 : memref<16x125xi32, #tpu.memory_space<vmem>>) target_semaphore(%arg19 : memref<!tpu.dma_semaphore, #tpu.memory_space<semaphore_mem>>)
    %dma_start3A_101 = arith.constant 16 : i32
    %dma_start3A_102 = arith.constant 0 : i32
    %dma_start3A_103 = tpu.memref_slice %arg4[%add3A, %dma_start3A_101, %dma_start3A_102] : memref<32x80x125xi32, #tpu.memory_space<hbm>> -> memref<1x16x125xi32, #tpu.memory_space<hbm>>
    %dma_start3A_104 = tpu.memref_squeeze %dma_start3A_103 : memref<1x16x125xi32, #tpu.memory_space<hbm>> -> memref<16x125xi32, #tpu.memory_space<hbm>>
    %dma_start3A_105 = arith.constant 16 : i32
    %dma_start3A_106 = arith.constant 0 : i32
    %dma_start3A_107 = tpu.memref_slice %arg4[%add3A, %dma_start3A_105, %dma_start3A_106] : memref<32x80x125xi32, #tpu.memory_space<hbm>> -> memref<1x16x125xi32, #tpu.memory_space<hbm>>
    %dma_start3A_108 = tpu.memref_squeeze %dma_start3A_107 : memref<1x16x125xi32, #tpu.memory_space<hbm>> -> memref<16x125xi32, #tpu.memory_space<hbm>>
    tpu.enqueue_dma source(%dma_start3A_108 : memref<16x125xi32, #tpu.memory_space<hbm>>) target(%arg10 : memref<16x125xi32, #tpu.memory_space<vmem>>) target_semaphore(%arg20 : memref<!tpu.dma_semaphore, #tpu.memory_space<semaphore_mem>>)
    %dma_wait3A = arith.constant 0 : i32
    %dma_wait3A_109 = arith.constant 0 : i32
    %dma_wait3A_110 = tpu.memref_slice %arg3[%add3A, %dma_wait3A, %dma_wait3A_109] : memref<32x80x125xi32, #tpu.memory_space<hbm>> -> memref<1x16x125xi32, #tpu.memory_space<hbm>>
    %dma_wait3A_111 = tpu.memref_squeeze %dma_wait3A_110 : memref<1x16x125xi32, #tpu.memory_space<hbm>> -> memref<16x125xi32, #tpu.memory_space<hbm>>
    %dma_wait3A_112 = arith.constant 0 : i32
    %dma_wait3A_113 = arith.constant 0 : i32
    %dma_wait3A_114 = tpu.memref_slice %arg3[%add3A, %dma_wait3A_112, %dma_wait3A_113] : memref<32x80x125xi32, #tpu.memory_space<hbm>> -> memref<1x16x125xi32, #tpu.memory_space<hbm>>
    %dma_wait3A_115 = tpu.memref_squeeze %dma_wait3A_114 : memref<1x16x125xi32, #tpu.memory_space<hbm>> -> memref<16x125xi32, #tpu.memory_space<hbm>>
    tpu.wait_dma2 semaphore(%arg17 : memref<!tpu.dma_semaphore, #tpu.memory_space<semaphore_mem>>) src(%dma_wait3A_115 : memref<16x125xi32, #tpu.memory_space<hbm>>) dst(%arg7 : memref<16x125xi32, #tpu.memory_space<vmem>>)
    %dma_wait3A_116 = arith.constant 0 : i32
    %dma_wait3A_117 = arith.constant 0 : i32
    %dma_wait3A_118 = tpu.memref_slice %arg4[%add3A, %dma_wait3A_116, %dma_wait3A_117] : memref<32x80x125xi32, #tpu.memory_space<hbm>> -> memref<1x16x125xi32, #tpu.memory_space<hbm>>
    %dma_wait3A_119 = tpu.memref_squeeze %dma_wait3A_118 : memref<1x16x125xi32, #tpu.memory_space<hbm>> -> memref<16x125xi32, #tpu.memory_space<hbm>>
    %dma_wait3A_120 = arith.constant 0 : i32
    %dma_wait3A_121 = arith.constant 0 : i32
    %dma_wait3A_122 = tpu.memref_slice %arg4[%add3A, %dma_wait3A_120, %dma_wait3A_121] : memref<32x80x125xi32, #tpu.memory_space<hbm>> -> memref<1x16x125xi32, #tpu.memory_space<hbm>>
    %dma_wait3A_123 = tpu.memref_squeeze %dma_wait3A_122 : memref<1x16x125xi32, #tpu.memory_space<hbm>> -> memref<16x125xi32, #tpu.memory_space<hbm>>
    tpu.wait_dma2 semaphore(%arg18 : memref<!tpu.dma_semaphore, #tpu.memory_space<semaphore_mem>>) src(%dma_wait3A_123 : memref<16x125xi32, #tpu.memory_space<hbm>>) dst(%arg8 : memref<16x125xi32, #tpu.memory_space<vmem>>)
    %dma_start3A_124 = arith.constant 0 : i32
    %dma_start3A_125 = arith.constant 0 : i32
    %dma_start3A_126 = tpu.memref_slice %arg7[%dma_start3A_124, %dma_start3A_125] : memref<16x125xi32, #tpu.memory_space<vmem>> -> memref<1x125xi32, #tpu.memory_space<vmem>>
    %dma_start3A_127 = tpu.memref_squeeze %dma_start3A_126 : memref<1x125xi32, #tpu.memory_space<vmem>> -> memref<125xi32, #tpu.memory_space<vmem>>
    %dma_start3A_128 = arith.constant 0 : i32
    %dma_start3A_129 = arith.constant 0 : i32
    %dma_start3A_130 = tpu.memref_slice %arg2[%dma_start3A_128, %dma_start3A_129] : memref<10000x128xf32, #tpu.memory_space<hbm>> -> memref<10000x128xf32, #tpu.memory_space<hbm>>
    tpu.enqueue_indirect_dma source(%dma_start3A_130 : memref<10000x128xf32, #tpu.memory_space<hbm>>) target(%arg11 : memref<125x128xf32, #tpu.memory_space<vmem>>) offsets(%dma_start3A_127 : memref<125xi32, #tpu.memory_space<vmem>>) semaphore(%arg21 : memref<!tpu.dma_semaphore, #tpu.memory_space<semaphore_mem>>)
    %scan3A_131 = arith.constant 0 : i32
    %scan3A_132 = arith.constant 0 : i32
    %scan3A_133 = arith.constant 16 : i32
    %scan3A_134 = arith.addi %scan3A_132, %scan3A_133 : i32
    %scan3A_135 = arith.constant 1 : i32
    scf.for %scan3A_407 = %scan3A_132 to %scan3A_134 step %scan3A_135  : i32 {
      %dma_start3A_408 = arith.constant 0 : i32
      %dma_start3A_409 = tpu.memref_slice %arg13[%dma_start3A_408] : memref<128xf32, #tpu.memory_space<vmem>> -> memref<125xf32, #tpu.memory_space<vmem>>
      %dma_start3A_410 = arith.constant 0 : i32
      %dma_start3A_411 = tpu.memref_slice %arg8[%scan3A_407, %dma_start3A_410] : memref<16x125xi32, #tpu.memory_space<vmem>> -> memref<1x125xi32, #tpu.memory_space<vmem>>
      %dma_start3A_412 = tpu.memref_squeeze %dma_start3A_411 : memref<1x125xi32, #tpu.memory_space<vmem>> -> memref<125xi32, #tpu.memory_space<vmem>>
      %dma_start3A_413 = arith.constant 0 : i32
      %dma_start3A_414 = tpu.memref_slice %arg16[%dma_start3A_413] : memref<10240xf32, #tpu.memory_space<vmem_shared>> -> memref<10240xf32, #tpu.memory_space<vmem_shared>>
      tpu.enqueue_indirect_dma source(%dma_start3A_409 : memref<125xf32, #tpu.memory_space<vmem>>) target(%dma_start3A_414 : memref<10240xf32, #tpu.memory_space<vmem_shared>>) offsets(%dma_start3A_412 : memref<125xi32, #tpu.memory_space<vmem>>) semaphore(%arg23 : memref<!tpu.dma_semaphore, #tpu.memory_space<semaphore_mem>>) {add = true}
    }
    %scan3A_136 = arith.constant 16 : i32
    %scan3A_137 = arith.constant 0 : i32
    %scan3A_138 = arith.constant 0 : i32
    %scan3A_139 = arith.constant 8 : i32
    %scan3A_140 = arith.addi %scan3A_138, %scan3A_139 : i32
    %scan3A_141 = arith.constant 1 : i32
    scf.for %scan3A_407 = %scan3A_138 to %scan3A_140 step %scan3A_141  : i32 {
      %mul3A_408 = arith.constant 2 : i32
      %mul3A_409 = arith.muli %scan3A_407, %mul3A_408 : i32
      %add3A_410 = arith.constant 1 : i32
      %add3A_411 = arith.addi %mul3A_409, %add3A_410 : i32
      %dma_start3A_412 = arith.constant 0 : i32
      %dma_start3A_413 = tpu.memref_slice %arg7[%add3A_411, %dma_start3A_412] : memref<16x125xi32, #tpu.memory_space<vmem>> -> memref<1x125xi32, #tpu.memory_space<vmem>>
      %dma_start3A_414 = tpu.memref_squeeze %dma_start3A_413 : memref<1x125xi32, #tpu.memory_space<vmem>> -> memref<125xi32, #tpu.memory_space<vmem>>
      %dma_start3A_415 = arith.constant 0 : i32
      %dma_start3A_416 = arith.constant 0 : i32
      %dma_start3A_417 = tpu.memref_slice %arg2[%dma_start3A_415, %dma_start3A_416] : memref<10000x128xf32, #tpu.memory_space<hbm>> -> memref<10000x128xf32, #tpu.memory_space<hbm>>
      tpu.enqueue_indirect_dma source(%dma_start3A_417 : memref<10000x128xf32, #tpu.memory_space<hbm>>) target(%arg12 : memref<125x128xf32, #tpu.memory_space<vmem>>) offsets(%dma_start3A_414 : memref<125xi32, #tpu.memory_space<vmem>>) semaphore(%arg22 : memref<!tpu.dma_semaphore, #tpu.memory_space<semaphore_mem>>)
      %dma_wait3A_418 = arith.constant 0 : i32
      %dma_wait3A_419 = tpu.memref_slice %arg7[%mul3A_409, %dma_wait3A_418] : memref<16x125xi32, #tpu.memory_space<vmem>> -> memref<1x125xi32, #tpu.memory_space<vmem>>
      %dma_wait3A_420 = tpu.memref_squeeze %dma_wait3A_419 : memref<1x125xi32, #tpu.memory_space<vmem>> -> memref<125xi32, #tpu.memory_space<vmem>>
      %dma_wait3A_421 = arith.constant 0 : i32
      %dma_wait3A_422 = arith.constant 0 : i32
      %dma_wait3A_423 = tpu.memref_slice %arg2[%dma_wait3A_421, %dma_wait3A_422] : memref<10000x128xf32, #tpu.memory_space<hbm>> -> memref<10000x128xf32, #tpu.memory_space<hbm>>
      tpu.wait_indirect_dma semaphore(%arg21 : memref<!tpu.dma_semaphore, #tpu.memory_space<semaphore_mem>>) src(%dma_wait3A_423 : memref<10000x128xf32, #tpu.memory_space<hbm>>) dst(%arg11 : memref<125x128xf32, #tpu.memory_space<vmem>>)
      "tpu.region"() ({
        %run_scoped3A = tpu.sem_alloc : memref<!tpu.dma_semaphore, #tpu.memory_space<semaphore_mem>>
        %dma_start3A_443 = arith.constant 0 : i32
        %dma_start3A_444 = tpu.memref_slice %arg8[%mul3A_409, %dma_start3A_443] : memref<16x125xi32, #tpu.memory_space<vmem>> -> memref<1x125xi32, #tpu.memory_space<vmem>>
        %dma_start3A_445 = tpu.memref_squeeze %dma_start3A_444 : memref<1x125xi32, #tpu.memory_space<vmem>> -> memref<125xi32, #tpu.memory_space<vmem>>
        %dma_start3A_446 = arith.constant 0 : i32
        %dma_start3A_447 = arith.constant 0 : i32
        %dma_start3A_448 = tpu.memref_slice %arg15[%dma_start3A_446, %dma_start3A_447] : memref<10000x128xf32, #tpu.memory_space<vmem_shared>> -> memref<10000x128xf32, #tpu.memory_space<vmem_shared>>
        tpu.enqueue_indirect_dma source(%arg11 : memref<125x128xf32, #tpu.memory_space<vmem>>) target(%dma_start3A_448 : memref<10000x128xf32, #tpu.memory_space<vmem_shared>>) offsets(%dma_start3A_445 : memref<125xi32, #tpu.memory_space<vmem>>) semaphore(%run_scoped3A : memref<!tpu.dma_semaphore, #tpu.memory_space<semaphore_mem>>) {add = true}
        %dma_wait3A_449 = arith.constant 0 : i32
        %dma_wait3A_450 = tpu.memref_slice %arg8[%mul3A_409, %dma_wait3A_449] : memref<16x125xi32, #tpu.memory_space<vmem>> -> memref<1x125xi32, #tpu.memory_space<vmem>>
        %dma_wait3A_451 = tpu.memref_squeeze %dma_wait3A_450 : memref<1x125xi32, #tpu.memory_space<vmem>> -> memref<125xi32, #tpu.memory_space<vmem>>
        %dma_wait3A_452 = arith.constant 0 : i32
        %dma_wait3A_453 = arith.constant 0 : i32
        %dma_wait3A_454 = tpu.memref_slice %arg15[%dma_wait3A_452, %dma_wait3A_453] : memref<10000x128xf32, #tpu.memory_space<vmem_shared>> -> memref<10000x128xf32, #tpu.memory_space<vmem_shared>>
        tpu.wait_indirect_dma semaphore(%run_scoped3A : memref<!tpu.dma_semaphore, #tpu.memory_space<semaphore_mem>>) src(%arg11 : memref<125x128xf32, #tpu.memory_space<vmem>>) dst(%dma_wait3A_454 : memref<10000x128xf32, #tpu.memory_space<vmem_shared>>)
        tpu.yield
      }) : () -> ()
      %add3A_424 = arith.constant 2 : i32
      %add3A_425 = arith.addi %mul3A_409, %add3A_424 : i32
      %min3A = arith.constant 15 : i32
      %min3A_426 = arith.minsi %add3A_425, %min3A : i32
      %dma_start3A_427 = arith.constant 0 : i32
      %dma_start3A_428 = tpu.memref_slice %arg7[%min3A_426, %dma_start3A_427] : memref<16x125xi32, #tpu.memory_space<vmem>> -> memref<1x125xi32, #tpu.memory_space<vmem>>
      %dma_start3A_429 = tpu.memref_squeeze %dma_start3A_428 : memref<1x125xi32, #tpu.memory_space<vmem>> -> memref<125xi32, #tpu.memory_space<vmem>>
      %dma_start3A_430 = arith.constant 0 : i32
      %dma_start3A_431 = arith.constant 0 : i32
      %dma_start3A_432 = tpu.memref_slice %arg2[%dma_start3A_430, %dma_start3A_431] : memref<10000x128xf32, #tpu.memory_space<hbm>> -> memref<10000x128xf32, #tpu.memory_space<hbm>>
      tpu.enqueue_indirect_dma source(%dma_start3A_432 : memref<10000x128xf32, #tpu.memory_space<hbm>>) target(%arg11 : memref<125x128xf32, #tpu.memory_space<vmem>>) offsets(%dma_start3A_429 : memref<125xi32, #tpu.memory_space<vmem>>) semaphore(%arg21 : memref<!tpu.dma_semaphore, #tpu.memory_space<semaphore_mem>>)
      %add3A_433 = arith.constant 1 : i32
      %add3A_434 = arith.addi %mul3A_409, %add3A_433 : i32
      %dma_wait3A_435 = arith.constant 0 : i32
      %dma_wait3A_436 = tpu.memref_slice %arg7[%add3A_434, %dma_wait3A_435] : memref<16x125xi32, #tpu.memory_space<vmem>> -> memref<1x125xi32, #tpu.memory_space<vmem>>
      %dma_wait3A_437 = tpu.memref_squeeze %dma_wait3A_436 : memref<1x125xi32, #tpu.memory_space<vmem>> -> memref<125xi32, #tpu.memory_space<vmem>>
      %dma_wait3A_438 = arith.constant 0 : i32
      %dma_wait3A_439 = arith.constant 0 : i32
      %dma_wait3A_440 = tpu.memref_slice %arg2[%dma_wait3A_438, %dma_wait3A_439] : memref<10000x128xf32, #tpu.memory_space<hbm>> -> memref<10000x128xf32, #tpu.memory_space<hbm>>
      tpu.wait_indirect_dma semaphore(%arg22 : memref<!tpu.dma_semaphore, #tpu.memory_space<semaphore_mem>>) src(%dma_wait3A_440 : memref<10000x128xf32, #tpu.memory_space<hbm>>) dst(%arg12 : memref<125x128xf32, #tpu.memory_space<vmem>>)
      %add3A_441 = arith.constant 1 : i32
      %add3A_442 = arith.addi %mul3A_409, %add3A_441 : i32
      "tpu.region"() ({
        %run_scoped3A = tpu.sem_alloc : memref<!tpu.dma_semaphore, #tpu.memory_space<semaphore_mem>>
        %dma_start3A_443 = arith.constant 0 : i32
        %dma_start3A_444 = tpu.memref_slice %arg8[%add3A_442, %dma_start3A_443] : memref<16x125xi32, #tpu.memory_space<vmem>> -> memref<1x125xi32, #tpu.memory_space<vmem>>
        %dma_start3A_445 = tpu.memref_squeeze %dma_start3A_444 : memref<1x125xi32, #tpu.memory_space<vmem>> -> memref<125xi32, #tpu.memory_space<vmem>>
        %dma_start3A_446 = arith.constant 0 : i32
        %dma_start3A_447 = arith.constant 0 : i32
        %dma_start3A_448 = tpu.memref_slice %arg15[%dma_start3A_446, %dma_start3A_447] : memref<10000x128xf32, #tpu.memory_space<vmem_shared>> -> memref<10000x128xf32, #tpu.memory_space<vmem_shared>>
        tpu.enqueue_indirect_dma source(%arg12 : memref<125x128xf32, #tpu.memory_space<vmem>>) target(%dma_start3A_448 : memref<10000x128xf32, #tpu.memory_space<vmem_shared>>) offsets(%dma_start3A_445 : memref<125xi32, #tpu.memory_space<vmem>>) semaphore(%run_scoped3A : memref<!tpu.dma_semaphore, #tpu.memory_space<semaphore_mem>>) {add = true}
        %dma_wait3A_449 = arith.constant 0 : i32
        %dma_wait3A_450 = tpu.memref_slice %arg8[%add3A_442, %dma_wait3A_449] : memref<16x125xi32, #tpu.memory_space<vmem>> -> memref<1x125xi32, #tpu.memory_space<vmem>>
        %dma_wait3A_451 = tpu.memref_squeeze %dma_wait3A_450 : memref<1x125xi32, #tpu.memory_space<vmem>> -> memref<125xi32, #tpu.memory_space<vmem>>
        %dma_wait3A_452 = arith.constant 0 : i32
        %dma_wait3A_453 = arith.constant 0 : i32
        %dma_wait3A_454 = tpu.memref_slice %arg15[%dma_wait3A_452, %dma_wait3A_453] : memref<10000x128xf32, #tpu.memory_space<vmem_shared>> -> memref<10000x128xf32, #tpu.memory_space<vmem_shared>>
        tpu.wait_indirect_dma semaphore(%run_scoped3A : memref<!tpu.dma_semaphore, #tpu.memory_space<semaphore_mem>>) src(%arg12 : memref<125x128xf32, #tpu.memory_space<vmem>>) dst(%dma_wait3A_454 : memref<10000x128xf32, #tpu.memory_space<vmem_shared>>)
        tpu.yield
      }) : () -> ()
    }
    %scan3A_142 = arith.constant 8 : i32
    %dma_wait3A_143 = arith.constant 15 : i32
    %dma_wait3A_144 = arith.constant 0 : i32
    %dma_wait3A_145 = tpu.memref_slice %arg7[%dma_wait3A_143, %dma_wait3A_144] : memref<16x125xi32, #tpu.memory_space<vmem>> -> memref<1x125xi32, #tpu.memory_space<vmem>>
    %dma_wait3A_146 = tpu.memref_squeeze %dma_wait3A_145 : memref<1x125xi32, #tpu.memory_space<vmem>> -> memref<125xi32, #tpu.memory_space<vmem>>
    %dma_wait3A_147 = arith.constant 0 : i32
    %dma_wait3A_148 = arith.constant 0 : i32
    %dma_wait3A_149 = tpu.memref_slice %arg2[%dma_wait3A_147, %dma_wait3A_148] : memref<10000x128xf32, #tpu.memory_space<hbm>> -> memref<10000x128xf32, #tpu.memory_space<hbm>>
    tpu.wait_indirect_dma semaphore(%arg21 : memref<!tpu.dma_semaphore, #tpu.memory_space<semaphore_mem>>) src(%dma_wait3A_149 : memref<10000x128xf32, #tpu.memory_space<hbm>>) dst(%arg11 : memref<125x128xf32, #tpu.memory_space<vmem>>)
    %scan3A_150 = arith.constant 0 : i32
    %scan3A_151 = arith.constant 0 : i32
    %scan3A_152 = arith.constant 16 : i32
    %scan3A_153 = arith.addi %scan3A_151, %scan3A_152 : i32
    %scan3A_154 = arith.constant 1 : i32
    scf.for %scan3A_407 = %scan3A_151 to %scan3A_153 step %scan3A_154  : i32 {
      %dma_wait3A_408 = arith.constant 0 : i32
      %dma_wait3A_409 = arith.constant 0 : i32
      %dma_wait3A_410 = tpu.memref_slice %arg13[%dma_wait3A_409] : memref<128xf32, #tpu.memory_space<vmem>> -> memref<125xf32, #tpu.memory_space<vmem>>
      %dma_wait3A_411 = arith.constant 0 : i32
      %dma_wait3A_412 = tpu.memref_slice %arg8[%dma_wait3A_408, %dma_wait3A_411] : memref<16x125xi32, #tpu.memory_space<vmem>> -> memref<1x125xi32, #tpu.memory_space<vmem>>
      %dma_wait3A_413 = tpu.memref_squeeze %dma_wait3A_412 : memref<1x125xi32, #tpu.memory_space<vmem>> -> memref<125xi32, #tpu.memory_space<vmem>>
      %dma_wait3A_414 = arith.constant 0 : i32
      %dma_wait3A_415 = tpu.memref_slice %arg16[%dma_wait3A_414] : memref<10240xf32, #tpu.memory_space<vmem_shared>> -> memref<10240xf32, #tpu.memory_space<vmem_shared>>
      tpu.wait_indirect_dma semaphore(%arg23 : memref<!tpu.dma_semaphore, #tpu.memory_space<semaphore_mem>>) src(%dma_wait3A_410 : memref<125xf32, #tpu.memory_space<vmem>>) dst(%dma_wait3A_415 : memref<10240xf32, #tpu.memory_space<vmem_shared>>)
    }
    %scan3A_155 = arith.constant 16 : i32
    %dma_start3A_156 = arith.constant 32 : i32
    %dma_start3A_157 = arith.constant 0 : i32
    %dma_start3A_158 = tpu.memref_slice %arg3[%add3A, %dma_start3A_156, %dma_start3A_157] : memref<32x80x125xi32, #tpu.memory_space<hbm>> -> memref<1x16x125xi32, #tpu.memory_space<hbm>>
    %dma_start3A_159 = tpu.memref_squeeze %dma_start3A_158 : memref<1x16x125xi32, #tpu.memory_space<hbm>> -> memref<16x125xi32, #tpu.memory_space<hbm>>
    %dma_start3A_160 = arith.constant 32 : i32
    %dma_start3A_161 = arith.constant 0 : i32
    %dma_start3A_162 = tpu.memref_slice %arg3[%add3A, %dma_start3A_160, %dma_start3A_161] : memref<32x80x125xi32, #tpu.memory_space<hbm>> -> memref<1x16x125xi32, #tpu.memory_space<hbm>>
    %dma_start3A_163 = tpu.memref_squeeze %dma_start3A_162 : memref<1x16x125xi32, #tpu.memory_space<hbm>> -> memref<16x125xi32, #tpu.memory_space<hbm>>
    tpu.enqueue_dma source(%dma_start3A_163 : memref<16x125xi32, #tpu.memory_space<hbm>>) target(%arg7 : memref<16x125xi32, #tpu.memory_space<vmem>>) target_semaphore(%arg17 : memref<!tpu.dma_semaphore, #tpu.memory_space<semaphore_mem>>)
    %dma_start3A_164 = arith.constant 32 : i32
    %dma_start3A_165 = arith.constant 0 : i32
    %dma_start3A_166 = tpu.memref_slice %arg4[%add3A, %dma_start3A_164, %dma_start3A_165] : memref<32x80x125xi32, #tpu.memory_space<hbm>> -> memref<1x16x125xi32, #tpu.memory_space<hbm>>
    %dma_start3A_167 = tpu.memref_squeeze %dma_start3A_166 : memref<1x16x125xi32, #tpu.memory_space<hbm>> -> memref<16x125xi32, #tpu.memory_space<hbm>>
    %dma_start3A_168 = arith.constant 32 : i32
    %dma_start3A_169 = arith.constant 0 : i32
    %dma_start3A_170 = tpu.memref_slice %arg4[%add3A, %dma_start3A_168, %dma_start3A_169] : memref<32x80x125xi32, #tpu.memory_space<hbm>> -> memref<1x16x125xi32, #tpu.memory_space<hbm>>
    %dma_start3A_171 = tpu.memref_squeeze %dma_start3A_170 : memref<1x16x125xi32, #tpu.memory_space<hbm>> -> memref<16x125xi32, #tpu.memory_space<hbm>>
    tpu.enqueue_dma source(%dma_start3A_171 : memref<16x125xi32, #tpu.memory_space<hbm>>) target(%arg8 : memref<16x125xi32, #tpu.memory_space<vmem>>) target_semaphore(%arg18 : memref<!tpu.dma_semaphore, #tpu.memory_space<semaphore_mem>>)
    %dma_wait3A_172 = arith.constant 16 : i32
    %dma_wait3A_173 = arith.constant 0 : i32
    %dma_wait3A_174 = tpu.memref_slice %arg3[%add3A, %dma_wait3A_172, %dma_wait3A_173] : memref<32x80x125xi32, #tpu.memory_space<hbm>> -> memref<1x16x125xi32, #tpu.memory_space<hbm>>
    %dma_wait3A_175 = tpu.memref_squeeze %dma_wait3A_174 : memref<1x16x125xi32, #tpu.memory_space<hbm>> -> memref<16x125xi32, #tpu.memory_space<hbm>>
    %dma_wait3A_176 = arith.constant 16 : i32
    %dma_wait3A_177 = arith.constant 0 : i32
    %dma_wait3A_178 = tpu.memref_slice %arg3[%add3A, %dma_wait3A_176, %dma_wait3A_177] : memref<32x80x125xi32, #tpu.memory_space<hbm>> -> memref<1x16x125xi32, #tpu.memory_space<hbm>>
    %dma_wait3A_179 = tpu.memref_squeeze %dma_wait3A_178 : memref<1x16x125xi32, #tpu.memory_space<hbm>> -> memref<16x125xi32, #tpu.memory_space<hbm>>
    tpu.wait_dma2 semaphore(%arg19 : memref<!tpu.dma_semaphore, #tpu.memory_space<semaphore_mem>>) src(%dma_wait3A_179 : memref<16x125xi32, #tpu.memory_space<hbm>>) dst(%arg9 : memref<16x125xi32, #tpu.memory_space<vmem>>)
    %dma_wait3A_180 = arith.constant 16 : i32
    %dma_wait3A_181 = arith.constant 0 : i32
    %dma_wait3A_182 = tpu.memref_slice %arg4[%add3A, %dma_wait3A_180, %dma_wait3A_181] : memref<32x80x125xi32, #tpu.memory_space<hbm>> -> memref<1x16x125xi32, #tpu.memory_space<hbm>>
    %dma_wait3A_183 = tpu.memref_squeeze %dma_wait3A_182 : memref<1x16x125xi32, #tpu.memory_space<hbm>> -> memref<16x125xi32, #tpu.memory_space<hbm>>
    %dma_wait3A_184 = arith.constant 16 : i32
    %dma_wait3A_185 = arith.constant 0 : i32
    %dma_wait3A_186 = tpu.memref_slice %arg4[%add3A, %dma_wait3A_184, %dma_wait3A_185] : memref<32x80x125xi32, #tpu.memory_space<hbm>> -> memref<1x16x125xi32, #tpu.memory_space<hbm>>
    %dma_wait3A_187 = tpu.memref_squeeze %dma_wait3A_186 : memref<1x16x125xi32, #tpu.memory_space<hbm>> -> memref<16x125xi32, #tpu.memory_space<hbm>>
    tpu.wait_dma2 semaphore(%arg20 : memref<!tpu.dma_semaphore, #tpu.memory_space<semaphore_mem>>) src(%dma_wait3A_187 : memref<16x125xi32, #tpu.memory_space<hbm>>) dst(%arg10 : memref<16x125xi32, #tpu.memory_space<vmem>>)
    %dma_start3A_188 = arith.constant 0 : i32
    %dma_start3A_189 = arith.constant 0 : i32
    %dma_start3A_190 = tpu.memref_slice %arg9[%dma_start3A_188, %dma_start3A_189] : memref<16x125xi32, #tpu.memory_space<vmem>> -> memref<1x125xi32, #tpu.memory_space<vmem>>
    %dma_start3A_191 = tpu.memref_squeeze %dma_start3A_190 : memref<1x125xi32, #tpu.memory_space<vmem>> -> memref<125xi32, #tpu.memory_space<vmem>>
    %dma_start3A_192 = arith.constant 0 : i32
    %dma_start3A_193 = arith.constant 0 : i32
    %dma_start3A_194 = tpu.memref_slice %arg2[%dma_start3A_192, %dma_start3A_193] : memref<10000x128xf32, #tpu.memory_space<hbm>> -> memref<10000x128xf32, #tpu.memory_space<hbm>>
    tpu.enqueue_indirect_dma source(%dma_start3A_194 : memref<10000x128xf32, #tpu.memory_space<hbm>>) target(%arg11 : memref<125x128xf32, #tpu.memory_space<vmem>>) offsets(%dma_start3A_191 : memref<125xi32, #tpu.memory_space<vmem>>) semaphore(%arg21 : memref<!tpu.dma_semaphore, #tpu.memory_space<semaphore_mem>>)
    %scan3A_195 = arith.constant 0 : i32
    %scan3A_196 = arith.constant 0 : i32
    %scan3A_197 = arith.constant 16 : i32
    %scan3A_198 = arith.addi %scan3A_196, %scan3A_197 : i32
    %scan3A_199 = arith.constant 1 : i32
    scf.for %scan3A_407 = %scan3A_196 to %scan3A_198 step %scan3A_199  : i32 {
      %dma_start3A_408 = arith.constant 0 : i32
      %dma_start3A_409 = tpu.memref_slice %arg13[%dma_start3A_408] : memref<128xf32, #tpu.memory_space<vmem>> -> memref<125xf32, #tpu.memory_space<vmem>>
      %dma_start3A_410 = arith.constant 0 : i32
      %dma_start3A_411 = tpu.memref_slice %arg10[%scan3A_407, %dma_start3A_410] : memref<16x125xi32, #tpu.memory_space<vmem>> -> memref<1x125xi32, #tpu.memory_space<vmem>>
      %dma_start3A_412 = tpu.memref_squeeze %dma_start3A_411 : memref<1x125xi32, #tpu.memory_space<vmem>> -> memref<125xi32, #tpu.memory_space<vmem>>
      %dma_start3A_413 = arith.constant 0 : i32
      %dma_start3A_414 = tpu.memref_slice %arg16[%dma_start3A_413] : memref<10240xf32, #tpu.memory_space<vmem_shared>> -> memref<10240xf32, #tpu.memory_space<vmem_shared>>
      tpu.enqueue_indirect_dma source(%dma_start3A_409 : memref<125xf32, #tpu.memory_space<vmem>>) target(%dma_start3A_414 : memref<10240xf32, #tpu.memory_space<vmem_shared>>) offsets(%dma_start3A_412 : memref<125xi32, #tpu.memory_space<vmem>>) semaphore(%arg23 : memref<!tpu.dma_semaphore, #tpu.memory_space<semaphore_mem>>) {add = true}
    }
    %scan3A_200 = arith.constant 16 : i32
    %scan3A_201 = arith.constant 0 : i32
    %scan3A_202 = arith.constant 0 : i32
    %scan3A_203 = arith.constant 8 : i32
    %scan3A_204 = arith.addi %scan3A_202, %scan3A_203 : i32
    %scan3A_205 = arith.constant 1 : i32
    scf.for %scan3A_407 = %scan3A_202 to %scan3A_204 step %scan3A_205  : i32 {
      %mul3A_408 = arith.constant 2 : i32
      %mul3A_409 = arith.muli %scan3A_407, %mul3A_408 : i32
      %add3A_410 = arith.constant 1 : i32
      %add3A_411 = arith.addi %mul3A_409, %add3A_410 : i32
      %dma_start3A_412 = arith.constant 0 : i32
      %dma_start3A_413 = tpu.memref_slice %arg9[%add3A_411, %dma_start3A_412] : memref<16x125xi32, #tpu.memory_space<vmem>> -> memref<1x125xi32, #tpu.memory_space<vmem>>
      %dma_start3A_414 = tpu.memref_squeeze %dma_start3A_413 : memref<1x125xi32, #tpu.memory_space<vmem>> -> memref<125xi32, #tpu.memory_space<vmem>>
      %dma_start3A_415 = arith.constant 0 : i32
      %dma_start3A_416 = arith.constant 0 : i32
      %dma_start3A_417 = tpu.memref_slice %arg2[%dma_start3A_415, %dma_start3A_416] : memref<10000x128xf32, #tpu.memory_space<hbm>> -> memref<10000x128xf32, #tpu.memory_space<hbm>>
      tpu.enqueue_indirect_dma source(%dma_start3A_417 : memref<10000x128xf32, #tpu.memory_space<hbm>>) target(%arg12 : memref<125x128xf32, #tpu.memory_space<vmem>>) offsets(%dma_start3A_414 : memref<125xi32, #tpu.memory_space<vmem>>) semaphore(%arg22 : memref<!tpu.dma_semaphore, #tpu.memory_space<semaphore_mem>>)
      %dma_wait3A_418 = arith.constant 0 : i32
      %dma_wait3A_419 = tpu.memref_slice %arg9[%mul3A_409, %dma_wait3A_418] : memref<16x125xi32, #tpu.memory_space<vmem>> -> memref<1x125xi32, #tpu.memory_space<vmem>>
      %dma_wait3A_420 = tpu.memref_squeeze %dma_wait3A_419 : memref<1x125xi32, #tpu.memory_space<vmem>> -> memref<125xi32, #tpu.memory_space<vmem>>
      %dma_wait3A_421 = arith.constant 0 : i32
      %dma_wait3A_422 = arith.constant 0 : i32
      %dma_wait3A_423 = tpu.memref_slice %arg2[%dma_wait3A_421, %dma_wait3A_422] : memref<10000x128xf32, #tpu.memory_space<hbm>> -> memref<10000x128xf32, #tpu.memory_space<hbm>>
      tpu.wait_indirect_dma semaphore(%arg21 : memref<!tpu.dma_semaphore, #tpu.memory_space<semaphore_mem>>) src(%dma_wait3A_423 : memref<10000x128xf32, #tpu.memory_space<hbm>>) dst(%arg11 : memref<125x128xf32, #tpu.memory_space<vmem>>)
      "tpu.region"() ({
        %run_scoped3A = tpu.sem_alloc : memref<!tpu.dma_semaphore, #tpu.memory_space<semaphore_mem>>
        %dma_start3A_443 = arith.constant 0 : i32
        %dma_start3A_444 = tpu.memref_slice %arg10[%mul3A_409, %dma_start3A_443] : memref<16x125xi32, #tpu.memory_space<vmem>> -> memref<1x125xi32, #tpu.memory_space<vmem>>
        %dma_start3A_445 = tpu.memref_squeeze %dma_start3A_444 : memref<1x125xi32, #tpu.memory_space<vmem>> -> memref<125xi32, #tpu.memory_space<vmem>>
        %dma_start3A_446 = arith.constant 0 : i32
        %dma_start3A_447 = arith.constant 0 : i32
        %dma_start3A_448 = tpu.memref_slice %arg15[%dma_start3A_446, %dma_start3A_447] : memref<10000x128xf32, #tpu.memory_space<vmem_shared>> -> memref<10000x128xf32, #tpu.memory_space<vmem_shared>>
        tpu.enqueue_indirect_dma source(%arg11 : memref<125x128xf32, #tpu.memory_space<vmem>>) target(%dma_start3A_448 : memref<10000x128xf32, #tpu.memory_space<vmem_shared>>) offsets(%dma_start3A_445 : memref<125xi32, #tpu.memory_space<vmem>>) semaphore(%run_scoped3A : memref<!tpu.dma_semaphore, #tpu.memory_space<semaphore_mem>>) {add = true}
        %dma_wait3A_449 = arith.constant 0 : i32
        %dma_wait3A_450 = tpu.memref_slice %arg10[%mul3A_409, %dma_wait3A_449] : memref<16x125xi32, #tpu.memory_space<vmem>> -> memref<1x125xi32, #tpu.memory_space<vmem>>
        %dma_wait3A_451 = tpu.memref_squeeze %dma_wait3A_450 : memref<1x125xi32, #tpu.memory_space<vmem>> -> memref<125xi32, #tpu.memory_space<vmem>>
        %dma_wait3A_452 = arith.constant 0 : i32
        %dma_wait3A_453 = arith.constant 0 : i32
        %dma_wait3A_454 = tpu.memref_slice %arg15[%dma_wait3A_452, %dma_wait3A_453] : memref<10000x128xf32, #tpu.memory_space<vmem_shared>> -> memref<10000x128xf32, #tpu.memory_space<vmem_shared>>
        tpu.wait_indirect_dma semaphore(%run_scoped3A : memref<!tpu.dma_semaphore, #tpu.memory_space<semaphore_mem>>) src(%arg11 : memref<125x128xf32, #tpu.memory_space<vmem>>) dst(%dma_wait3A_454 : memref<10000x128xf32, #tpu.memory_space<vmem_shared>>)
        tpu.yield
      }) : () -> ()
      %add3A_424 = arith.constant 2 : i32
      %add3A_425 = arith.addi %mul3A_409, %add3A_424 : i32
      %min3A = arith.constant 15 : i32
      %min3A_426 = arith.minsi %add3A_425, %min3A : i32
      %dma_start3A_427 = arith.constant 0 : i32
      %dma_start3A_428 = tpu.memref_slice %arg9[%min3A_426, %dma_start3A_427] : memref<16x125xi32, #tpu.memory_space<vmem>> -> memref<1x125xi32, #tpu.memory_space<vmem>>
      %dma_start3A_429 = tpu.memref_squeeze %dma_start3A_428 : memref<1x125xi32, #tpu.memory_space<vmem>> -> memref<125xi32, #tpu.memory_space<vmem>>
      %dma_start3A_430 = arith.constant 0 : i32
      %dma_start3A_431 = arith.constant 0 : i32
      %dma_start3A_432 = tpu.memref_slice %arg2[%dma_start3A_430, %dma_start3A_431] : memref<10000x128xf32, #tpu.memory_space<hbm>> -> memref<10000x128xf32, #tpu.memory_space<hbm>>
      tpu.enqueue_indirect_dma source(%dma_start3A_432 : memref<10000x128xf32, #tpu.memory_space<hbm>>) target(%arg11 : memref<125x128xf32, #tpu.memory_space<vmem>>) offsets(%dma_start3A_429 : memref<125xi32, #tpu.memory_space<vmem>>) semaphore(%arg21 : memref<!tpu.dma_semaphore, #tpu.memory_space<semaphore_mem>>)
      %add3A_433 = arith.constant 1 : i32
      %add3A_434 = arith.addi %mul3A_409, %add3A_433 : i32
      %dma_wait3A_435 = arith.constant 0 : i32
      %dma_wait3A_436 = tpu.memref_slice %arg9[%add3A_434, %dma_wait3A_435] : memref<16x125xi32, #tpu.memory_space<vmem>> -> memref<1x125xi32, #tpu.memory_space<vmem>>
      %dma_wait3A_437 = tpu.memref_squeeze %dma_wait3A_436 : memref<1x125xi32, #tpu.memory_space<vmem>> -> memref<125xi32, #tpu.memory_space<vmem>>
      %dma_wait3A_438 = arith.constant 0 : i32
      %dma_wait3A_439 = arith.constant 0 : i32
      %dma_wait3A_440 = tpu.memref_slice %arg2[%dma_wait3A_438, %dma_wait3A_439] : memref<10000x128xf32, #tpu.memory_space<hbm>> -> memref<10000x128xf32, #tpu.memory_space<hbm>>
      tpu.wait_indirect_dma semaphore(%arg22 : memref<!tpu.dma_semaphore, #tpu.memory_space<semaphore_mem>>) src(%dma_wait3A_440 : memref<10000x128xf32, #tpu.memory_space<hbm>>) dst(%arg12 : memref<125x128xf32, #tpu.memory_space<vmem>>)
      %add3A_441 = arith.constant 1 : i32
      %add3A_442 = arith.addi %mul3A_409, %add3A_441 : i32
      "tpu.region"() ({
        %run_scoped3A = tpu.sem_alloc : memref<!tpu.dma_semaphore, #tpu.memory_space<semaphore_mem>>
        %dma_start3A_443 = arith.constant 0 : i32
        %dma_start3A_444 = tpu.memref_slice %arg10[%add3A_442, %dma_start3A_443] : memref<16x125xi32, #tpu.memory_space<vmem>> -> memref<1x125xi32, #tpu.memory_space<vmem>>
        %dma_start3A_445 = tpu.memref_squeeze %dma_start3A_444 : memref<1x125xi32, #tpu.memory_space<vmem>> -> memref<125xi32, #tpu.memory_space<vmem>>
        %dma_start3A_446 = arith.constant 0 : i32
        %dma_start3A_447 = arith.constant 0 : i32
        %dma_start3A_448 = tpu.memref_slice %arg15[%dma_start3A_446, %dma_start3A_447] : memref<10000x128xf32, #tpu.memory_space<vmem_shared>> -> memref<10000x128xf32, #tpu.memory_space<vmem_shared>>
        tpu.enqueue_indirect_dma source(%arg12 : memref<125x128xf32, #tpu.memory_space<vmem>>) target(%dma_start3A_448 : memref<10000x128xf32, #tpu.memory_space<vmem_shared>>) offsets(%dma_start3A_445 : memref<125xi32, #tpu.memory_space<vmem>>) semaphore(%run_scoped3A : memref<!tpu.dma_semaphore, #tpu.memory_space<semaphore_mem>>) {add = true}
        %dma_wait3A_449 = arith.constant 0 : i32
        %dma_wait3A_450 = tpu.memref_slice %arg10[%add3A_442, %dma_wait3A_449] : memref<16x125xi32, #tpu.memory_space<vmem>> -> memref<1x125xi32, #tpu.memory_space<vmem>>
        %dma_wait3A_451 = tpu.memref_squeeze %dma_wait3A_450 : memref<1x125xi32, #tpu.memory_space<vmem>> -> memref<125xi32, #tpu.memory_space<vmem>>
        %dma_wait3A_452 = arith.constant 0 : i32
        %dma_wait3A_453 = arith.constant 0 : i32
        %dma_wait3A_454 = tpu.memref_slice %arg15[%dma_wait3A_452, %dma_wait3A_453] : memref<10000x128xf32, #tpu.memory_space<vmem_shared>> -> memref<10000x128xf32, #tpu.memory_space<vmem_shared>>
        tpu.wait_indirect_dma semaphore(%run_scoped3A : memref<!tpu.dma_semaphore, #tpu.memory_space<semaphore_mem>>) src(%arg12 : memref<125x128xf32, #tpu.memory_space<vmem>>) dst(%dma_wait3A_454 : memref<10000x128xf32, #tpu.memory_space<vmem_shared>>)
        tpu.yield
      }) : () -> ()
    }
    %scan3A_206 = arith.constant 8 : i32
    %dma_wait3A_207 = arith.constant 15 : i32
    %dma_wait3A_208 = arith.constant 0 : i32
    %dma_wait3A_209 = tpu.memref_slice %arg9[%dma_wait3A_207, %dma_wait3A_208] : memref<16x125xi32, #tpu.memory_space<vmem>> -> memref<1x125xi32, #tpu.memory_space<vmem>>
    %dma_wait3A_210 = tpu.memref_squeeze %dma_wait3A_209 : memref<1x125xi32, #tpu.memory_space<vmem>> -> memref<125xi32, #tpu.memory_space<vmem>>
    %dma_wait3A_211 = arith.constant 0 : i32
    %dma_wait3A_212 = arith.constant 0 : i32
    %dma_wait3A_213 = tpu.memref_slice %arg2[%dma_wait3A_211, %dma_wait3A_212] : memref<10000x128xf32, #tpu.memory_space<hbm>> -> memref<10000x128xf32, #tpu.memory_space<hbm>>
    tpu.wait_indirect_dma semaphore(%arg21 : memref<!tpu.dma_semaphore, #tpu.memory_space<semaphore_mem>>) src(%dma_wait3A_213 : memref<10000x128xf32, #tpu.memory_space<hbm>>) dst(%arg11 : memref<125x128xf32, #tpu.memory_space<vmem>>)
    %scan3A_214 = arith.constant 0 : i32
    %scan3A_215 = arith.constant 0 : i32
    %scan3A_216 = arith.constant 16 : i32
    %scan3A_217 = arith.addi %scan3A_215, %scan3A_216 : i32
    %scan3A_218 = arith.constant 1 : i32
    scf.for %scan3A_407 = %scan3A_215 to %scan3A_217 step %scan3A_218  : i32 {
      %dma_wait3A_408 = arith.constant 0 : i32
      %dma_wait3A_409 = arith.constant 0 : i32
      %dma_wait3A_410 = tpu.memref_slice %arg13[%dma_wait3A_409] : memref<128xf32, #tpu.memory_space<vmem>> -> memref<125xf32, #tpu.memory_space<vmem>>
      %dma_wait3A_411 = arith.constant 0 : i32
      %dma_wait3A_412 = tpu.memref_slice %arg10[%dma_wait3A_408, %dma_wait3A_411] : memref<16x125xi32, #tpu.memory_space<vmem>> -> memref<1x125xi32, #tpu.memory_space<vmem>>
      %dma_wait3A_413 = tpu.memref_squeeze %dma_wait3A_412 : memref<1x125xi32, #tpu.memory_space<vmem>> -> memref<125xi32, #tpu.memory_space<vmem>>
      %dma_wait3A_414 = arith.constant 0 : i32
      %dma_wait3A_415 = tpu.memref_slice %arg16[%dma_wait3A_414] : memref<10240xf32, #tpu.memory_space<vmem_shared>> -> memref<10240xf32, #tpu.memory_space<vmem_shared>>
      tpu.wait_indirect_dma semaphore(%arg23 : memref<!tpu.dma_semaphore, #tpu.memory_space<semaphore_mem>>) src(%dma_wait3A_410 : memref<125xf32, #tpu.memory_space<vmem>>) dst(%dma_wait3A_415 : memref<10240xf32, #tpu.memory_space<vmem_shared>>)
    }
    %scan3A_219 = arith.constant 16 : i32
    %dma_start3A_220 = arith.constant 48 : i32
    %dma_start3A_221 = arith.constant 0 : i32
    %dma_start3A_222 = tpu.memref_slice %arg3[%add3A, %dma_start3A_220, %dma_start3A_221] : memref<32x80x125xi32, #tpu.memory_space<hbm>> -> memref<1x16x125xi32, #tpu.memory_space<hbm>>
    %dma_start3A_223 = tpu.memref_squeeze %dma_start3A_222 : memref<1x16x125xi32, #tpu.memory_space<hbm>> -> memref<16x125xi32, #tpu.memory_space<hbm>>
    %dma_start3A_224 = arith.constant 48 : i32
    %dma_start3A_225 = arith.constant 0 : i32
    %dma_start3A_226 = tpu.memref_slice %arg3[%add3A, %dma_start3A_224, %dma_start3A_225] : memref<32x80x125xi32, #tpu.memory_space<hbm>> -> memref<1x16x125xi32, #tpu.memory_space<hbm>>
    %dma_start3A_227 = tpu.memref_squeeze %dma_start3A_226 : memref<1x16x125xi32, #tpu.memory_space<hbm>> -> memref<16x125xi32, #tpu.memory_space<hbm>>
    tpu.enqueue_dma source(%dma_start3A_227 : memref<16x125xi32, #tpu.memory_space<hbm>>) target(%arg9 : memref<16x125xi32, #tpu.memory_space<vmem>>) target_semaphore(%arg19 : memref<!tpu.dma_semaphore, #tpu.memory_space<semaphore_mem>>)
    %dma_start3A_228 = arith.constant 48 : i32
    %dma_start3A_229 = arith.constant 0 : i32
    %dma_start3A_230 = tpu.memref_slice %arg4[%add3A, %dma_start3A_228, %dma_start3A_229] : memref<32x80x125xi32, #tpu.memory_space<hbm>> -> memref<1x16x125xi32, #tpu.memory_space<hbm>>
    %dma_start3A_231 = tpu.memref_squeeze %dma_start3A_230 : memref<1x16x125xi32, #tpu.memory_space<hbm>> -> memref<16x125xi32, #tpu.memory_space<hbm>>
    %dma_start3A_232 = arith.constant 48 : i32
    %dma_start3A_233 = arith.constant 0 : i32
    %dma_start3A_234 = tpu.memref_slice %arg4[%add3A, %dma_start3A_232, %dma_start3A_233] : memref<32x80x125xi32, #tpu.memory_space<hbm>> -> memref<1x16x125xi32, #tpu.memory_space<hbm>>
    %dma_start3A_235 = tpu.memref_squeeze %dma_start3A_234 : memref<1x16x125xi32, #tpu.memory_space<hbm>> -> memref<16x125xi32, #tpu.memory_space<hbm>>
    tpu.enqueue_dma source(%dma_start3A_235 : memref<16x125xi32, #tpu.memory_space<hbm>>) target(%arg10 : memref<16x125xi32, #tpu.memory_space<vmem>>) target_semaphore(%arg20 : memref<!tpu.dma_semaphore, #tpu.memory_space<semaphore_mem>>)
    %dma_wait3A_236 = arith.constant 32 : i32
    %dma_wait3A_237 = arith.constant 0 : i32
    %dma_wait3A_238 = tpu.memref_slice %arg3[%add3A, %dma_wait3A_236, %dma_wait3A_237] : memref<32x80x125xi32, #tpu.memory_space<hbm>> -> memref<1x16x125xi32, #tpu.memory_space<hbm>>
    %dma_wait3A_239 = tpu.memref_squeeze %dma_wait3A_238 : memref<1x16x125xi32, #tpu.memory_space<hbm>> -> memref<16x125xi32, #tpu.memory_space<hbm>>
    %dma_wait3A_240 = arith.constant 32 : i32
    %dma_wait3A_241 = arith.constant 0 : i32
    %dma_wait3A_242 = tpu.memref_slice %arg3[%add3A, %dma_wait3A_240, %dma_wait3A_241] : memref<32x80x125xi32, #tpu.memory_space<hbm>> -> memref<1x16x125xi32, #tpu.memory_space<hbm>>
    %dma_wait3A_243 = tpu.memref_squeeze %dma_wait3A_242 : memref<1x16x125xi32, #tpu.memory_space<hbm>> -> memref<16x125xi32, #tpu.memory_space<hbm>>
    tpu.wait_dma2 semaphore(%arg17 : memref<!tpu.dma_semaphore, #tpu.memory_space<semaphore_mem>>) src(%dma_wait3A_243 : memref<16x125xi32, #tpu.memory_space<hbm>>) dst(%arg7 : memref<16x125xi32, #tpu.memory_space<vmem>>)
    %dma_wait3A_244 = arith.constant 32 : i32
    %dma_wait3A_245 = arith.constant 0 : i32
    %dma_wait3A_246 = tpu.memref_slice %arg4[%add3A, %dma_wait3A_244, %dma_wait3A_245] : memref<32x80x125xi32, #tpu.memory_space<hbm>> -> memref<1x16x125xi32, #tpu.memory_space<hbm>>
    %dma_wait3A_247 = tpu.memref_squeeze %dma_wait3A_246 : memref<1x16x125xi32, #tpu.memory_space<hbm>> -> memref<16x125xi32, #tpu.memory_space<hbm>>
    %dma_wait3A_248 = arith.constant 32 : i32
    %dma_wait3A_249 = arith.constant 0 : i32
    %dma_wait3A_250 = tpu.memref_slice %arg4[%add3A, %dma_wait3A_248, %dma_wait3A_249] : memref<32x80x125xi32, #tpu.memory_space<hbm>> -> memref<1x16x125xi32, #tpu.memory_space<hbm>>
    %dma_wait3A_251 = tpu.memref_squeeze %dma_wait3A_250 : memref<1x16x125xi32, #tpu.memory_space<hbm>> -> memref<16x125xi32, #tpu.memory_space<hbm>>
    tpu.wait_dma2 semaphore(%arg18 : memref<!tpu.dma_semaphore, #tpu.memory_space<semaphore_mem>>) src(%dma_wait3A_251 : memref<16x125xi32, #tpu.memory_space<hbm>>) dst(%arg8 : memref<16x125xi32, #tpu.memory_space<vmem>>)
    %dma_start3A_252 = arith.constant 0 : i32
    %dma_start3A_253 = arith.constant 0 : i32
    %dma_start3A_254 = tpu.memref_slice %arg7[%dma_start3A_252, %dma_start3A_253] : memref<16x125xi32, #tpu.memory_space<vmem>> -> memref<1x125xi32, #tpu.memory_space<vmem>>
    %dma_start3A_255 = tpu.memref_squeeze %dma_start3A_254 : memref<1x125xi32, #tpu.memory_space<vmem>> -> memref<125xi32, #tpu.memory_space<vmem>>
    %dma_start3A_256 = arith.constant 0 : i32
    %dma_start3A_257 = arith.constant 0 : i32
    %dma_start3A_258 = tpu.memref_slice %arg2[%dma_start3A_256, %dma_start3A_257] : memref<10000x128xf32, #tpu.memory_space<hbm>> -> memref<10000x128xf32, #tpu.memory_space<hbm>>
    tpu.enqueue_indirect_dma source(%dma_start3A_258 : memref<10000x128xf32, #tpu.memory_space<hbm>>) target(%arg11 : memref<125x128xf32, #tpu.memory_space<vmem>>) offsets(%dma_start3A_255 : memref<125xi32, #tpu.memory_space<vmem>>) semaphore(%arg21 : memref<!tpu.dma_semaphore, #tpu.memory_space<semaphore_mem>>)
    %scan3A_259 = arith.constant 0 : i32
    %scan3A_260 = arith.constant 0 : i32
    %scan3A_261 = arith.constant 16 : i32
    %scan3A_262 = arith.addi %scan3A_260, %scan3A_261 : i32
    %scan3A_263 = arith.constant 1 : i32
    scf.for %scan3A_407 = %scan3A_260 to %scan3A_262 step %scan3A_263  : i32 {
      %dma_start3A_408 = arith.constant 0 : i32
      %dma_start3A_409 = tpu.memref_slice %arg13[%dma_start3A_408] : memref<128xf32, #tpu.memory_space<vmem>> -> memref<125xf32, #tpu.memory_space<vmem>>
      %dma_start3A_410 = arith.constant 0 : i32
      %dma_start3A_411 = tpu.memref_slice %arg8[%scan3A_407, %dma_start3A_410] : memref<16x125xi32, #tpu.memory_space<vmem>> -> memref<1x125xi32, #tpu.memory_space<vmem>>
      %dma_start3A_412 = tpu.memref_squeeze %dma_start3A_411 : memref<1x125xi32, #tpu.memory_space<vmem>> -> memref<125xi32, #tpu.memory_space<vmem>>
      %dma_start3A_413 = arith.constant 0 : i32
      %dma_start3A_414 = tpu.memref_slice %arg16[%dma_start3A_413] : memref<10240xf32, #tpu.memory_space<vmem_shared>> -> memref<10240xf32, #tpu.memory_space<vmem_shared>>
      tpu.enqueue_indirect_dma source(%dma_start3A_409 : memref<125xf32, #tpu.memory_space<vmem>>) target(%dma_start3A_414 : memref<10240xf32, #tpu.memory_space<vmem_shared>>) offsets(%dma_start3A_412 : memref<125xi32, #tpu.memory_space<vmem>>) semaphore(%arg23 : memref<!tpu.dma_semaphore, #tpu.memory_space<semaphore_mem>>) {add = true}
    }
    %scan3A_264 = arith.constant 16 : i32
    %scan3A_265 = arith.constant 0 : i32
    %scan3A_266 = arith.constant 0 : i32
    %scan3A_267 = arith.constant 8 : i32
    %scan3A_268 = arith.addi %scan3A_266, %scan3A_267 : i32
    %scan3A_269 = arith.constant 1 : i32
    scf.for %scan3A_407 = %scan3A_266 to %scan3A_268 step %scan3A_269  : i32 {
      %mul3A_408 = arith.constant 2 : i32
      %mul3A_409 = arith.muli %scan3A_407, %mul3A_408 : i32
      %add3A_410 = arith.constant 1 : i32
      %add3A_411 = arith.addi %mul3A_409, %add3A_410 : i32
      %dma_start3A_412 = arith.constant 0 : i32
      %dma_start3A_413 = tpu.memref_slice %arg7[%add3A_411, %dma_start3A_412] : memref<16x125xi32, #tpu.memory_space<vmem>> -> memref<1x125xi32, #tpu.memory_space<vmem>>
      %dma_start3A_414 = tpu.memref_squeeze %dma_start3A_413 : memref<1x125xi32, #tpu.memory_space<vmem>> -> memref<125xi32, #tpu.memory_space<vmem>>
      %dma_start3A_415 = arith.constant 0 : i32
      %dma_start3A_416 = arith.constant 0 : i32
      %dma_start3A_417 = tpu.memref_slice %arg2[%dma_start3A_415, %dma_start3A_416] : memref<10000x128xf32, #tpu.memory_space<hbm>> -> memref<10000x128xf32, #tpu.memory_space<hbm>>
      tpu.enqueue_indirect_dma source(%dma_start3A_417 : memref<10000x128xf32, #tpu.memory_space<hbm>>) target(%arg12 : memref<125x128xf32, #tpu.memory_space<vmem>>) offsets(%dma_start3A_414 : memref<125xi32, #tpu.memory_space<vmem>>) semaphore(%arg22 : memref<!tpu.dma_semaphore, #tpu.memory_space<semaphore_mem>>)
      %dma_wait3A_418 = arith.constant 0 : i32
      %dma_wait3A_419 = tpu.memref_slice %arg7[%mul3A_409, %dma_wait3A_418] : memref<16x125xi32, #tpu.memory_space<vmem>> -> memref<1x125xi32, #tpu.memory_space<vmem>>
      %dma_wait3A_420 = tpu.memref_squeeze %dma_wait3A_419 : memref<1x125xi32, #tpu.memory_space<vmem>> -> memref<125xi32, #tpu.memory_space<vmem>>
      %dma_wait3A_421 = arith.constant 0 : i32
      %dma_wait3A_422 = arith.constant 0 : i32
      %dma_wait3A_423 = tpu.memref_slice %arg2[%dma_wait3A_421, %dma_wait3A_422] : memref<10000x128xf32, #tpu.memory_space<hbm>> -> memref<10000x128xf32, #tpu.memory_space<hbm>>
      tpu.wait_indirect_dma semaphore(%arg21 : memref<!tpu.dma_semaphore, #tpu.memory_space<semaphore_mem>>) src(%dma_wait3A_423 : memref<10000x128xf32, #tpu.memory_space<hbm>>) dst(%arg11 : memref<125x128xf32, #tpu.memory_space<vmem>>)
      "tpu.region"() ({
        %run_scoped3A = tpu.sem_alloc : memref<!tpu.dma_semaphore, #tpu.memory_space<semaphore_mem>>
        %dma_start3A_443 = arith.constant 0 : i32
        %dma_start3A_444 = tpu.memref_slice %arg8[%mul3A_409, %dma_start3A_443] : memref<16x125xi32, #tpu.memory_space<vmem>> -> memref<1x125xi32, #tpu.memory_space<vmem>>
        %dma_start3A_445 = tpu.memref_squeeze %dma_start3A_444 : memref<1x125xi32, #tpu.memory_space<vmem>> -> memref<125xi32, #tpu.memory_space<vmem>>
        %dma_start3A_446 = arith.constant 0 : i32
        %dma_start3A_447 = arith.constant 0 : i32
        %dma_start3A_448 = tpu.memref_slice %arg15[%dma_start3A_446, %dma_start3A_447] : memref<10000x128xf32, #tpu.memory_space<vmem_shared>> -> memref<10000x128xf32, #tpu.memory_space<vmem_shared>>
        tpu.enqueue_indirect_dma source(%arg11 : memref<125x128xf32, #tpu.memory_space<vmem>>) target(%dma_start3A_448 : memref<10000x128xf32, #tpu.memory_space<vmem_shared>>) offsets(%dma_start3A_445 : memref<125xi32, #tpu.memory_space<vmem>>) semaphore(%run_scoped3A : memref<!tpu.dma_semaphore, #tpu.memory_space<semaphore_mem>>) {add = true}
        %dma_wait3A_449 = arith.constant 0 : i32
        %dma_wait3A_450 = tpu.memref_slice %arg8[%mul3A_409, %dma_wait3A_449] : memref<16x125xi32, #tpu.memory_space<vmem>> -> memref<1x125xi32, #tpu.memory_space<vmem>>
        %dma_wait3A_451 = tpu.memref_squeeze %dma_wait3A_450 : memref<1x125xi32, #tpu.memory_space<vmem>> -> memref<125xi32, #tpu.memory_space<vmem>>
        %dma_wait3A_452 = arith.constant 0 : i32
        %dma_wait3A_453 = arith.constant 0 : i32
        %dma_wait3A_454 = tpu.memref_slice %arg15[%dma_wait3A_452, %dma_wait3A_453] : memref<10000x128xf32, #tpu.memory_space<vmem_shared>> -> memref<10000x128xf32, #tpu.memory_space<vmem_shared>>
        tpu.wait_indirect_dma semaphore(%run_scoped3A : memref<!tpu.dma_semaphore, #tpu.memory_space<semaphore_mem>>) src(%arg11 : memref<125x128xf32, #tpu.memory_space<vmem>>) dst(%dma_wait3A_454 : memref<10000x128xf32, #tpu.memory_space<vmem_shared>>)
        tpu.yield
      }) : () -> ()
      %add3A_424 = arith.constant 2 : i32
      %add3A_425 = arith.addi %mul3A_409, %add3A_424 : i32
      %min3A = arith.constant 15 : i32
      %min3A_426 = arith.minsi %add3A_425, %min3A : i32
      %dma_start3A_427 = arith.constant 0 : i32
      %dma_start3A_428 = tpu.memref_slice %arg7[%min3A_426, %dma_start3A_427] : memref<16x125xi32, #tpu.memory_space<vmem>> -> memref<1x125xi32, #tpu.memory_space<vmem>>
      %dma_start3A_429 = tpu.memref_squeeze %dma_start3A_428 : memref<1x125xi32, #tpu.memory_space<vmem>> -> memref<125xi32, #tpu.memory_space<vmem>>
      %dma_start3A_430 = arith.constant 0 : i32
      %dma_start3A_431 = arith.constant 0 : i32
      %dma_start3A_432 = tpu.memref_slice %arg2[%dma_start3A_430, %dma_start3A_431] : memref<10000x128xf32, #tpu.memory_space<hbm>> -> memref<10000x128xf32, #tpu.memory_space<hbm>>
      tpu.enqueue_indirect_dma source(%dma_start3A_432 : memref<10000x128xf32, #tpu.memory_space<hbm>>) target(%arg11 : memref<125x128xf32, #tpu.memory_space<vmem>>) offsets(%dma_start3A_429 : memref<125xi32, #tpu.memory_space<vmem>>) semaphore(%arg21 : memref<!tpu.dma_semaphore, #tpu.memory_space<semaphore_mem>>)
      %add3A_433 = arith.constant 1 : i32
      %add3A_434 = arith.addi %mul3A_409, %add3A_433 : i32
      %dma_wait3A_435 = arith.constant 0 : i32
      %dma_wait3A_436 = tpu.memref_slice %arg7[%add3A_434, %dma_wait3A_435] : memref<16x125xi32, #tpu.memory_space<vmem>> -> memref<1x125xi32, #tpu.memory_space<vmem>>
      %dma_wait3A_437 = tpu.memref_squeeze %dma_wait3A_436 : memref<1x125xi32, #tpu.memory_space<vmem>> -> memref<125xi32, #tpu.memory_space<vmem>>
      %dma_wait3A_438 = arith.constant 0 : i32
      %dma_wait3A_439 = arith.constant 0 : i32
      %dma_wait3A_440 = tpu.memref_slice %arg2[%dma_wait3A_438, %dma_wait3A_439] : memref<10000x128xf32, #tpu.memory_space<hbm>> -> memref<10000x128xf32, #tpu.memory_space<hbm>>
      tpu.wait_indirect_dma semaphore(%arg22 : memref<!tpu.dma_semaphore, #tpu.memory_space<semaphore_mem>>) src(%dma_wait3A_440 : memref<10000x128xf32, #tpu.memory_space<hbm>>) dst(%arg12 : memref<125x128xf32, #tpu.memory_space<vmem>>)
      %add3A_441 = arith.constant 1 : i32
      %add3A_442 = arith.addi %mul3A_409, %add3A_441 : i32
      "tpu.region"() ({
        %run_scoped3A = tpu.sem_alloc : memref<!tpu.dma_semaphore, #tpu.memory_space<semaphore_mem>>
        %dma_start3A_443 = arith.constant 0 : i32
        %dma_start3A_444 = tpu.memref_slice %arg8[%add3A_442, %dma_start3A_443] : memref<16x125xi32, #tpu.memory_space<vmem>> -> memref<1x125xi32, #tpu.memory_space<vmem>>
        %dma_start3A_445 = tpu.memref_squeeze %dma_start3A_444 : memref<1x125xi32, #tpu.memory_space<vmem>> -> memref<125xi32, #tpu.memory_space<vmem>>
        %dma_start3A_446 = arith.constant 0 : i32
        %dma_start3A_447 = arith.constant 0 : i32
        %dma_start3A_448 = tpu.memref_slice %arg15[%dma_start3A_446, %dma_start3A_447] : memref<10000x128xf32, #tpu.memory_space<vmem_shared>> -> memref<10000x128xf32, #tpu.memory_space<vmem_shared>>
        tpu.enqueue_indirect_dma source(%arg12 : memref<125x128xf32, #tpu.memory_space<vmem>>) target(%dma_start3A_448 : memref<10000x128xf32, #tpu.memory_space<vmem_shared>>) offsets(%dma_start3A_445 : memref<125xi32, #tpu.memory_space<vmem>>) semaphore(%run_scoped3A : memref<!tpu.dma_semaphore, #tpu.memory_space<semaphore_mem>>) {add = true}
        %dma_wait3A_449 = arith.constant 0 : i32
        %dma_wait3A_450 = tpu.memref_slice %arg8[%add3A_442, %dma_wait3A_449] : memref<16x125xi32, #tpu.memory_space<vmem>> -> memref<1x125xi32, #tpu.memory_space<vmem>>
        %dma_wait3A_451 = tpu.memref_squeeze %dma_wait3A_450 : memref<1x125xi32, #tpu.memory_space<vmem>> -> memref<125xi32, #tpu.memory_space<vmem>>
        %dma_wait3A_452 = arith.constant 0 : i32
        %dma_wait3A_453 = arith.constant 0 : i32
        %dma_wait3A_454 = tpu.memref_slice %arg15[%dma_wait3A_452, %dma_wait3A_453] : memref<10000x128xf32, #tpu.memory_space<vmem_shared>> -> memref<10000x128xf32, #tpu.memory_space<vmem_shared>>
        tpu.wait_indirect_dma semaphore(%run_scoped3A : memref<!tpu.dma_semaphore, #tpu.memory_space<semaphore_mem>>) src(%arg12 : memref<125x128xf32, #tpu.memory_space<vmem>>) dst(%dma_wait3A_454 : memref<10000x128xf32, #tpu.memory_space<vmem_shared>>)
        tpu.yield
      }) : () -> ()
    }
    %scan3A_270 = arith.constant 8 : i32
    %dma_wait3A_271 = arith.constant 15 : i32
    %dma_wait3A_272 = arith.constant 0 : i32
    %dma_wait3A_273 = tpu.memref_slice %arg7[%dma_wait3A_271, %dma_wait3A_272] : memref<16x125xi32, #tpu.memory_space<vmem>> -> memref<1x125xi32, #tpu.memory_space<vmem>>
    %dma_wait3A_274 = tpu.memref_squeeze %dma_wait3A_273 : memref<1x125xi32, #tpu.memory_space<vmem>> -> memref<125xi32, #tpu.memory_space<vmem>>
    %dma_wait3A_275 = arith.constant 0 : i32
    %dma_wait3A_276 = arith.constant 0 : i32
    %dma_wait3A_277 = tpu.memref_slice %arg2[%dma_wait3A_275, %dma_wait3A_276] : memref<10000x128xf32, #tpu.memory_space<hbm>> -> memref<10000x128xf32, #tpu.memory_space<hbm>>
    tpu.wait_indirect_dma semaphore(%arg21 : memref<!tpu.dma_semaphore, #tpu.memory_space<semaphore_mem>>) src(%dma_wait3A_277 : memref<10000x128xf32, #tpu.memory_space<hbm>>) dst(%arg11 : memref<125x128xf32, #tpu.memory_space<vmem>>)
    %scan3A_278 = arith.constant 0 : i32
    %scan3A_279 = arith.constant 0 : i32
    %scan3A_280 = arith.constant 16 : i32
    %scan3A_281 = arith.addi %scan3A_279, %scan3A_280 : i32
    %scan3A_282 = arith.constant 1 : i32
    scf.for %scan3A_407 = %scan3A_279 to %scan3A_281 step %scan3A_282  : i32 {
      %dma_wait3A_408 = arith.constant 0 : i32
      %dma_wait3A_409 = arith.constant 0 : i32
      %dma_wait3A_410 = tpu.memref_slice %arg13[%dma_wait3A_409] : memref<128xf32, #tpu.memory_space<vmem>> -> memref<125xf32, #tpu.memory_space<vmem>>
      %dma_wait3A_411 = arith.constant 0 : i32
      %dma_wait3A_412 = tpu.memref_slice %arg8[%dma_wait3A_408, %dma_wait3A_411] : memref<16x125xi32, #tpu.memory_space<vmem>> -> memref<1x125xi32, #tpu.memory_space<vmem>>
      %dma_wait3A_413 = tpu.memref_squeeze %dma_wait3A_412 : memref<1x125xi32, #tpu.memory_space<vmem>> -> memref<125xi32, #tpu.memory_space<vmem>>
      %dma_wait3A_414 = arith.constant 0 : i32
      %dma_wait3A_415 = tpu.memref_slice %arg16[%dma_wait3A_414] : memref<10240xf32, #tpu.memory_space<vmem_shared>> -> memref<10240xf32, #tpu.memory_space<vmem_shared>>
      tpu.wait_indirect_dma semaphore(%arg23 : memref<!tpu.dma_semaphore, #tpu.memory_space<semaphore_mem>>) src(%dma_wait3A_410 : memref<125xf32, #tpu.memory_space<vmem>>) dst(%dma_wait3A_415 : memref<10240xf32, #tpu.memory_space<vmem_shared>>)
    }
    %scan3A_283 = arith.constant 16 : i32
    %dma_start3A_284 = arith.constant 64 : i32
    %dma_start3A_285 = arith.constant 0 : i32
    %dma_start3A_286 = tpu.memref_slice %arg3[%add3A, %dma_start3A_284, %dma_start3A_285] : memref<32x80x125xi32, #tpu.memory_space<hbm>> -> memref<1x16x125xi32, #tpu.memory_space<hbm>>
    %dma_start3A_287 = tpu.memref_squeeze %dma_start3A_286 : memref<1x16x125xi32, #tpu.memory_space<hbm>> -> memref<16x125xi32, #tpu.memory_space<hbm>>
    %dma_start3A_288 = arith.constant 64 : i32
    %dma_start3A_289 = arith.constant 0 : i32
    %dma_start3A_290 = tpu.memref_slice %arg3[%add3A, %dma_start3A_288, %dma_start3A_289] : memref<32x80x125xi32, #tpu.memory_space<hbm>> -> memref<1x16x125xi32, #tpu.memory_space<hbm>>
    %dma_start3A_291 = tpu.memref_squeeze %dma_start3A_290 : memref<1x16x125xi32, #tpu.memory_space<hbm>> -> memref<16x125xi32, #tpu.memory_space<hbm>>
    tpu.enqueue_dma source(%dma_start3A_291 : memref<16x125xi32, #tpu.memory_space<hbm>>) target(%arg7 : memref<16x125xi32, #tpu.memory_space<vmem>>) target_semaphore(%arg17 : memref<!tpu.dma_semaphore, #tpu.memory_space<semaphore_mem>>)
    %dma_start3A_292 = arith.constant 64 : i32
    %dma_start3A_293 = arith.constant 0 : i32
    %dma_start3A_294 = tpu.memref_slice %arg4[%add3A, %dma_start3A_292, %dma_start3A_293] : memref<32x80x125xi32, #tpu.memory_space<hbm>> -> memref<1x16x125xi32, #tpu.memory_space<hbm>>
    %dma_start3A_295 = tpu.memref_squeeze %dma_start3A_294 : memref<1x16x125xi32, #tpu.memory_space<hbm>> -> memref<16x125xi32, #tpu.memory_space<hbm>>
    %dma_start3A_296 = arith.constant 64 : i32
    %dma_start3A_297 = arith.constant 0 : i32
    %dma_start3A_298 = tpu.memref_slice %arg4[%add3A, %dma_start3A_296, %dma_start3A_297] : memref<32x80x125xi32, #tpu.memory_space<hbm>> -> memref<1x16x125xi32, #tpu.memory_space<hbm>>
    %dma_start3A_299 = tpu.memref_squeeze %dma_start3A_298 : memref<1x16x125xi32, #tpu.memory_space<hbm>> -> memref<16x125xi32, #tpu.memory_space<hbm>>
    tpu.enqueue_dma source(%dma_start3A_299 : memref<16x125xi32, #tpu.memory_space<hbm>>) target(%arg8 : memref<16x125xi32, #tpu.memory_space<vmem>>) target_semaphore(%arg18 : memref<!tpu.dma_semaphore, #tpu.memory_space<semaphore_mem>>)
    %dma_wait3A_300 = arith.constant 48 : i32
    %dma_wait3A_301 = arith.constant 0 : i32
    %dma_wait3A_302 = tpu.memref_slice %arg3[%add3A, %dma_wait3A_300, %dma_wait3A_301] : memref<32x80x125xi32, #tpu.memory_space<hbm>> -> memref<1x16x125xi32, #tpu.memory_space<hbm>>
    %dma_wait3A_303 = tpu.memref_squeeze %dma_wait3A_302 : memref<1x16x125xi32, #tpu.memory_space<hbm>> -> memref<16x125xi32, #tpu.memory_space<hbm>>
    %dma_wait3A_304 = arith.constant 48 : i32
    %dma_wait3A_305 = arith.constant 0 : i32
    %dma_wait3A_306 = tpu.memref_slice %arg3[%add3A, %dma_wait3A_304, %dma_wait3A_305] : memref<32x80x125xi32, #tpu.memory_space<hbm>> -> memref<1x16x125xi32, #tpu.memory_space<hbm>>
    %dma_wait3A_307 = tpu.memref_squeeze %dma_wait3A_306 : memref<1x16x125xi32, #tpu.memory_space<hbm>> -> memref<16x125xi32, #tpu.memory_space<hbm>>
    tpu.wait_dma2 semaphore(%arg19 : memref<!tpu.dma_semaphore, #tpu.memory_space<semaphore_mem>>) src(%dma_wait3A_307 : memref<16x125xi32, #tpu.memory_space<hbm>>) dst(%arg9 : memref<16x125xi32, #tpu.memory_space<vmem>>)
    %dma_wait3A_308 = arith.constant 48 : i32
    %dma_wait3A_309 = arith.constant 0 : i32
    %dma_wait3A_310 = tpu.memref_slice %arg4[%add3A, %dma_wait3A_308, %dma_wait3A_309] : memref<32x80x125xi32, #tpu.memory_space<hbm>> -> memref<1x16x125xi32, #tpu.memory_space<hbm>>
    %dma_wait3A_311 = tpu.memref_squeeze %dma_wait3A_310 : memref<1x16x125xi32, #tpu.memory_space<hbm>> -> memref<16x125xi32, #tpu.memory_space<hbm>>
    %dma_wait3A_312 = arith.constant 48 : i32
    %dma_wait3A_313 = arith.constant 0 : i32
    %dma_wait3A_314 = tpu.memref_slice %arg4[%add3A, %dma_wait3A_312, %dma_wait3A_313] : memref<32x80x125xi32, #tpu.memory_space<hbm>> -> memref<1x16x125xi32, #tpu.memory_space<hbm>>
    %dma_wait3A_315 = tpu.memref_squeeze %dma_wait3A_314 : memref<1x16x125xi32, #tpu.memory_space<hbm>> -> memref<16x125xi32, #tpu.memory_space<hbm>>
    tpu.wait_dma2 semaphore(%arg20 : memref<!tpu.dma_semaphore, #tpu.memory_space<semaphore_mem>>) src(%dma_wait3A_315 : memref<16x125xi32, #tpu.memory_space<hbm>>) dst(%arg10 : memref<16x125xi32, #tpu.memory_space<vmem>>)
    %dma_start3A_316 = arith.constant 0 : i32
    %dma_start3A_317 = arith.constant 0 : i32
    %dma_start3A_318 = tpu.memref_slice %arg9[%dma_start3A_316, %dma_start3A_317] : memref<16x125xi32, #tpu.memory_space<vmem>> -> memref<1x125xi32, #tpu.memory_space<vmem>>
    %dma_start3A_319 = tpu.memref_squeeze %dma_start3A_318 : memref<1x125xi32, #tpu.memory_space<vmem>> -> memref<125xi32, #tpu.memory_space<vmem>>
    %dma_start3A_320 = arith.constant 0 : i32
    %dma_start3A_321 = arith.constant 0 : i32
    %dma_start3A_322 = tpu.memref_slice %arg2[%dma_start3A_320, %dma_start3A_321] : memref<10000x128xf32, #tpu.memory_space<hbm>> -> memref<10000x128xf32, #tpu.memory_space<hbm>>
    tpu.enqueue_indirect_dma source(%dma_start3A_322 : memref<10000x128xf32, #tpu.memory_space<hbm>>) target(%arg11 : memref<125x128xf32, #tpu.memory_space<vmem>>) offsets(%dma_start3A_319 : memref<125xi32, #tpu.memory_space<vmem>>) semaphore(%arg21 : memref<!tpu.dma_semaphore, #tpu.memory_space<semaphore_mem>>)
    %scan3A_323 = arith.constant 0 : i32
    %scan3A_324 = arith.constant 0 : i32
    %scan3A_325 = arith.constant 16 : i32
    %scan3A_326 = arith.addi %scan3A_324, %scan3A_325 : i32
    %scan3A_327 = arith.constant 1 : i32
    scf.for %scan3A_407 = %scan3A_324 to %scan3A_326 step %scan3A_327  : i32 {
      %dma_start3A_408 = arith.constant 0 : i32
      %dma_start3A_409 = tpu.memref_slice %arg13[%dma_start3A_408] : memref<128xf32, #tpu.memory_space<vmem>> -> memref<125xf32, #tpu.memory_space<vmem>>
      %dma_start3A_410 = arith.constant 0 : i32
      %dma_start3A_411 = tpu.memref_slice %arg10[%scan3A_407, %dma_start3A_410] : memref<16x125xi32, #tpu.memory_space<vmem>> -> memref<1x125xi32, #tpu.memory_space<vmem>>
      %dma_start3A_412 = tpu.memref_squeeze %dma_start3A_411 : memref<1x125xi32, #tpu.memory_space<vmem>> -> memref<125xi32, #tpu.memory_space<vmem>>
      %dma_start3A_413 = arith.constant 0 : i32
      %dma_start3A_414 = tpu.memref_slice %arg16[%dma_start3A_413] : memref<10240xf32, #tpu.memory_space<vmem_shared>> -> memref<10240xf32, #tpu.memory_space<vmem_shared>>
      tpu.enqueue_indirect_dma source(%dma_start3A_409 : memref<125xf32, #tpu.memory_space<vmem>>) target(%dma_start3A_414 : memref<10240xf32, #tpu.memory_space<vmem_shared>>) offsets(%dma_start3A_412 : memref<125xi32, #tpu.memory_space<vmem>>) semaphore(%arg23 : memref<!tpu.dma_semaphore, #tpu.memory_space<semaphore_mem>>) {add = true}
    }
    %scan3A_328 = arith.constant 16 : i32
    %scan3A_329 = arith.constant 0 : i32
    %scan3A_330 = arith.constant 0 : i32
    %scan3A_331 = arith.constant 8 : i32
    %scan3A_332 = arith.addi %scan3A_330, %scan3A_331 : i32
    %scan3A_333 = arith.constant 1 : i32
    scf.for %scan3A_407 = %scan3A_330 to %scan3A_332 step %scan3A_333  : i32 {
      %mul3A_408 = arith.constant 2 : i32
      %mul3A_409 = arith.muli %scan3A_407, %mul3A_408 : i32
      %add3A_410 = arith.constant 1 : i32
      %add3A_411 = arith.addi %mul3A_409, %add3A_410 : i32
      %dma_start3A_412 = arith.constant 0 : i32
      %dma_start3A_413 = tpu.memref_slice %arg9[%add3A_411, %dma_start3A_412] : memref<16x125xi32, #tpu.memory_space<vmem>> -> memref<1x125xi32, #tpu.memory_space<vmem>>
      %dma_start3A_414 = tpu.memref_squeeze %dma_start3A_413 : memref<1x125xi32, #tpu.memory_space<vmem>> -> memref<125xi32, #tpu.memory_space<vmem>>
      %dma_start3A_415 = arith.constant 0 : i32
      %dma_start3A_416 = arith.constant 0 : i32
      %dma_start3A_417 = tpu.memref_slice %arg2[%dma_start3A_415, %dma_start3A_416] : memref<10000x128xf32, #tpu.memory_space<hbm>> -> memref<10000x128xf32, #tpu.memory_space<hbm>>
      tpu.enqueue_indirect_dma source(%dma_start3A_417 : memref<10000x128xf32, #tpu.memory_space<hbm>>) target(%arg12 : memref<125x128xf32, #tpu.memory_space<vmem>>) offsets(%dma_start3A_414 : memref<125xi32, #tpu.memory_space<vmem>>) semaphore(%arg22 : memref<!tpu.dma_semaphore, #tpu.memory_space<semaphore_mem>>)
      %dma_wait3A_418 = arith.constant 0 : i32
      %dma_wait3A_419 = tpu.memref_slice %arg9[%mul3A_409, %dma_wait3A_418] : memref<16x125xi32, #tpu.memory_space<vmem>> -> memref<1x125xi32, #tpu.memory_space<vmem>>
      %dma_wait3A_420 = tpu.memref_squeeze %dma_wait3A_419 : memref<1x125xi32, #tpu.memory_space<vmem>> -> memref<125xi32, #tpu.memory_space<vmem>>
      %dma_wait3A_421 = arith.constant 0 : i32
      %dma_wait3A_422 = arith.constant 0 : i32
      %dma_wait3A_423 = tpu.memref_slice %arg2[%dma_wait3A_421, %dma_wait3A_422] : memref<10000x128xf32, #tpu.memory_space<hbm>> -> memref<10000x128xf32, #tpu.memory_space<hbm>>
      tpu.wait_indirect_dma semaphore(%arg21 : memref<!tpu.dma_semaphore, #tpu.memory_space<semaphore_mem>>) src(%dma_wait3A_423 : memref<10000x128xf32, #tpu.memory_space<hbm>>) dst(%arg11 : memref<125x128xf32, #tpu.memory_space<vmem>>)
      "tpu.region"() ({
        %run_scoped3A = tpu.sem_alloc : memref<!tpu.dma_semaphore, #tpu.memory_space<semaphore_mem>>
        %dma_start3A_443 = arith.constant 0 : i32
        %dma_start3A_444 = tpu.memref_slice %arg10[%mul3A_409, %dma_start3A_443] : memref<16x125xi32, #tpu.memory_space<vmem>> -> memref<1x125xi32, #tpu.memory_space<vmem>>
        %dma_start3A_445 = tpu.memref_squeeze %dma_start3A_444 : memref<1x125xi32, #tpu.memory_space<vmem>> -> memref<125xi32, #tpu.memory_space<vmem>>
        %dma_start3A_446 = arith.constant 0 : i32
        %dma_start3A_447 = arith.constant 0 : i32
        %dma_start3A_448 = tpu.memref_slice %arg15[%dma_start3A_446, %dma_start3A_447] : memref<10000x128xf32, #tpu.memory_space<vmem_shared>> -> memref<10000x128xf32, #tpu.memory_space<vmem_shared>>
        tpu.enqueue_indirect_dma source(%arg11 : memref<125x128xf32, #tpu.memory_space<vmem>>) target(%dma_start3A_448 : memref<10000x128xf32, #tpu.memory_space<vmem_shared>>) offsets(%dma_start3A_445 : memref<125xi32, #tpu.memory_space<vmem>>) semaphore(%run_scoped3A : memref<!tpu.dma_semaphore, #tpu.memory_space<semaphore_mem>>) {add = true}
        %dma_wait3A_449 = arith.constant 0 : i32
        %dma_wait3A_450 = tpu.memref_slice %arg10[%mul3A_409, %dma_wait3A_449] : memref<16x125xi32, #tpu.memory_space<vmem>> -> memref<1x125xi32, #tpu.memory_space<vmem>>
        %dma_wait3A_451 = tpu.memref_squeeze %dma_wait3A_450 : memref<1x125xi32, #tpu.memory_space<vmem>> -> memref<125xi32, #tpu.memory_space<vmem>>
        %dma_wait3A_452 = arith.constant 0 : i32
        %dma_wait3A_453 = arith.constant 0 : i32
        %dma_wait3A_454 = tpu.memref_slice %arg15[%dma_wait3A_452, %dma_wait3A_453] : memref<10000x128xf32, #tpu.memory_space<vmem_shared>> -> memref<10000x128xf32, #tpu.memory_space<vmem_shared>>
        tpu.wait_indirect_dma semaphore(%run_scoped3A : memref<!tpu.dma_semaphore, #tpu.memory_space<semaphore_mem>>) src(%arg11 : memref<125x128xf32, #tpu.memory_space<vmem>>) dst(%dma_wait3A_454 : memref<10000x128xf32, #tpu.memory_space<vmem_shared>>)
        tpu.yield
      }) : () -> ()
      %add3A_424 = arith.constant 2 : i32
      %add3A_425 = arith.addi %mul3A_409, %add3A_424 : i32
      %min3A = arith.constant 15 : i32
      %min3A_426 = arith.minsi %add3A_425, %min3A : i32
      %dma_start3A_427 = arith.constant 0 : i32
      %dma_start3A_428 = tpu.memref_slice %arg9[%min3A_426, %dma_start3A_427] : memref<16x125xi32, #tpu.memory_space<vmem>> -> memref<1x125xi32, #tpu.memory_space<vmem>>
      %dma_start3A_429 = tpu.memref_squeeze %dma_start3A_428 : memref<1x125xi32, #tpu.memory_space<vmem>> -> memref<125xi32, #tpu.memory_space<vmem>>
      %dma_start3A_430 = arith.constant 0 : i32
      %dma_start3A_431 = arith.constant 0 : i32
      %dma_start3A_432 = tpu.memref_slice %arg2[%dma_start3A_430, %dma_start3A_431] : memref<10000x128xf32, #tpu.memory_space<hbm>> -> memref<10000x128xf32, #tpu.memory_space<hbm>>
      tpu.enqueue_indirect_dma source(%dma_start3A_432 : memref<10000x128xf32, #tpu.memory_space<hbm>>) target(%arg11 : memref<125x128xf32, #tpu.memory_space<vmem>>) offsets(%dma_start3A_429 : memref<125xi32, #tpu.memory_space<vmem>>) semaphore(%arg21 : memref<!tpu.dma_semaphore, #tpu.memory_space<semaphore_mem>>)
      %add3A_433 = arith.constant 1 : i32
      %add3A_434 = arith.addi %mul3A_409, %add3A_433 : i32
      %dma_wait3A_435 = arith.constant 0 : i32
      %dma_wait3A_436 = tpu.memref_slice %arg9[%add3A_434, %dma_wait3A_435] : memref<16x125xi32, #tpu.memory_space<vmem>> -> memref<1x125xi32, #tpu.memory_space<vmem>>
      %dma_wait3A_437 = tpu.memref_squeeze %dma_wait3A_436 : memref<1x125xi32, #tpu.memory_space<vmem>> -> memref<125xi32, #tpu.memory_space<vmem>>
      %dma_wait3A_438 = arith.constant 0 : i32
      %dma_wait3A_439 = arith.constant 0 : i32
      %dma_wait3A_440 = tpu.memref_slice %arg2[%dma_wait3A_438, %dma_wait3A_439] : memref<10000x128xf32, #tpu.memory_space<hbm>> -> memref<10000x128xf32, #tpu.memory_space<hbm>>
      tpu.wait_indirect_dma semaphore(%arg22 : memref<!tpu.dma_semaphore, #tpu.memory_space<semaphore_mem>>) src(%dma_wait3A_440 : memref<10000x128xf32, #tpu.memory_space<hbm>>) dst(%arg12 : memref<125x128xf32, #tpu.memory_space<vmem>>)
      %add3A_441 = arith.constant 1 : i32
      %add3A_442 = arith.addi %mul3A_409, %add3A_441 : i32
      "tpu.region"() ({
        %run_scoped3A = tpu.sem_alloc : memref<!tpu.dma_semaphore, #tpu.memory_space<semaphore_mem>>
        %dma_start3A_443 = arith.constant 0 : i32
        %dma_start3A_444 = tpu.memref_slice %arg10[%add3A_442, %dma_start3A_443] : memref<16x125xi32, #tpu.memory_space<vmem>> -> memref<1x125xi32, #tpu.memory_space<vmem>>
        %dma_start3A_445 = tpu.memref_squeeze %dma_start3A_444 : memref<1x125xi32, #tpu.memory_space<vmem>> -> memref<125xi32, #tpu.memory_space<vmem>>
        %dma_start3A_446 = arith.constant 0 : i32
        %dma_start3A_447 = arith.constant 0 : i32
        %dma_start3A_448 = tpu.memref_slice %arg15[%dma_start3A_446, %dma_start3A_447] : memref<10000x128xf32, #tpu.memory_space<vmem_shared>> -> memref<10000x128xf32, #tpu.memory_space<vmem_shared>>
        tpu.enqueue_indirect_dma source(%arg12 : memref<125x128xf32, #tpu.memory_space<vmem>>) target(%dma_start3A_448 : memref<10000x128xf32, #tpu.memory_space<vmem_shared>>) offsets(%dma_start3A_445 : memref<125xi32, #tpu.memory_space<vmem>>) semaphore(%run_scoped3A : memref<!tpu.dma_semaphore, #tpu.memory_space<semaphore_mem>>) {add = true}
        %dma_wait3A_449 = arith.constant 0 : i32
        %dma_wait3A_450 = tpu.memref_slice %arg10[%add3A_442, %dma_wait3A_449] : memref<16x125xi32, #tpu.memory_space<vmem>> -> memref<1x125xi32, #tpu.memory_space<vmem>>
        %dma_wait3A_451 = tpu.memref_squeeze %dma_wait3A_450 : memref<1x125xi32, #tpu.memory_space<vmem>> -> memref<125xi32, #tpu.memory_space<vmem>>
        %dma_wait3A_452 = arith.constant 0 : i32
        %dma_wait3A_453 = arith.constant 0 : i32
        %dma_wait3A_454 = tpu.memref_slice %arg15[%dma_wait3A_452, %dma_wait3A_453] : memref<10000x128xf32, #tpu.memory_space<vmem_shared>> -> memref<10000x128xf32, #tpu.memory_space<vmem_shared>>
        tpu.wait_indirect_dma semaphore(%run_scoped3A : memref<!tpu.dma_semaphore, #tpu.memory_space<semaphore_mem>>) src(%arg12 : memref<125x128xf32, #tpu.memory_space<vmem>>) dst(%dma_wait3A_454 : memref<10000x128xf32, #tpu.memory_space<vmem_shared>>)
        tpu.yield
      }) : () -> ()
    }
    %scan3A_334 = arith.constant 8 : i32
    %dma_wait3A_335 = arith.constant 15 : i32
    %dma_wait3A_336 = arith.constant 0 : i32
    %dma_wait3A_337 = tpu.memref_slice %arg9[%dma_wait3A_335, %dma_wait3A_336] : memref<16x125xi32, #tpu.memory_space<vmem>> -> memref<1x125xi32, #tpu.memory_space<vmem>>
    %dma_wait3A_338 = tpu.memref_squeeze %dma_wait3A_337 : memref<1x125xi32, #tpu.memory_space<vmem>> -> memref<125xi32, #tpu.memory_space<vmem>>
    %dma_wait3A_339 = arith.constant 0 : i32
    %dma_wait3A_340 = arith.constant 0 : i32
    %dma_wait3A_341 = tpu.memref_slice %arg2[%dma_wait3A_339, %dma_wait3A_340] : memref<10000x128xf32, #tpu.memory_space<hbm>> -> memref<10000x128xf32, #tpu.memory_space<hbm>>
    tpu.wait_indirect_dma semaphore(%arg21 : memref<!tpu.dma_semaphore, #tpu.memory_space<semaphore_mem>>) src(%dma_wait3A_341 : memref<10000x128xf32, #tpu.memory_space<hbm>>) dst(%arg11 : memref<125x128xf32, #tpu.memory_space<vmem>>)
    %scan3A_342 = arith.constant 0 : i32
    %scan3A_343 = arith.constant 0 : i32
    %scan3A_344 = arith.constant 16 : i32
    %scan3A_345 = arith.addi %scan3A_343, %scan3A_344 : i32
    %scan3A_346 = arith.constant 1 : i32
    scf.for %scan3A_407 = %scan3A_343 to %scan3A_345 step %scan3A_346  : i32 {
      %dma_wait3A_408 = arith.constant 0 : i32
      %dma_wait3A_409 = arith.constant 0 : i32
      %dma_wait3A_410 = tpu.memref_slice %arg13[%dma_wait3A_409] : memref<128xf32, #tpu.memory_space<vmem>> -> memref<125xf32, #tpu.memory_space<vmem>>
      %dma_wait3A_411 = arith.constant 0 : i32
      %dma_wait3A_412 = tpu.memref_slice %arg10[%dma_wait3A_408, %dma_wait3A_411] : memref<16x125xi32, #tpu.memory_space<vmem>> -> memref<1x125xi32, #tpu.memory_space<vmem>>
      %dma_wait3A_413 = tpu.memref_squeeze %dma_wait3A_412 : memref<1x125xi32, #tpu.memory_space<vmem>> -> memref<125xi32, #tpu.memory_space<vmem>>
      %dma_wait3A_414 = arith.constant 0 : i32
      %dma_wait3A_415 = tpu.memref_slice %arg16[%dma_wait3A_414] : memref<10240xf32, #tpu.memory_space<vmem_shared>> -> memref<10240xf32, #tpu.memory_space<vmem_shared>>
      tpu.wait_indirect_dma semaphore(%arg23 : memref<!tpu.dma_semaphore, #tpu.memory_space<semaphore_mem>>) src(%dma_wait3A_410 : memref<125xf32, #tpu.memory_space<vmem>>) dst(%dma_wait3A_415 : memref<10240xf32, #tpu.memory_space<vmem_shared>>)
    }
    %scan3A_347 = arith.constant 16 : i32
    %dma_wait3A_348 = arith.constant 64 : i32
    %dma_wait3A_349 = arith.constant 0 : i32
    %dma_wait3A_350 = tpu.memref_slice %arg3[%add3A, %dma_wait3A_348, %dma_wait3A_349] : memref<32x80x125xi32, #tpu.memory_space<hbm>> -> memref<1x16x125xi32, #tpu.memory_space<hbm>>
    %dma_wait3A_351 = tpu.memref_squeeze %dma_wait3A_350 : memref<1x16x125xi32, #tpu.memory_space<hbm>> -> memref<16x125xi32, #tpu.memory_space<hbm>>
    %dma_wait3A_352 = arith.constant 64 : i32
    %dma_wait3A_353 = arith.constant 0 : i32
    %dma_wait3A_354 = tpu.memref_slice %arg3[%add3A, %dma_wait3A_352, %dma_wait3A_353] : memref<32x80x125xi32, #tpu.memory_space<hbm>> -> memref<1x16x125xi32, #tpu.memory_space<hbm>>
    %dma_wait3A_355 = tpu.memref_squeeze %dma_wait3A_354 : memref<1x16x125xi32, #tpu.memory_space<hbm>> -> memref<16x125xi32, #tpu.memory_space<hbm>>
    tpu.wait_dma2 semaphore(%arg17 : memref<!tpu.dma_semaphore, #tpu.memory_space<semaphore_mem>>) src(%dma_wait3A_355 : memref<16x125xi32, #tpu.memory_space<hbm>>) dst(%arg7 : memref<16x125xi32, #tpu.memory_space<vmem>>)
    %dma_wait3A_356 = arith.constant 64 : i32
    %dma_wait3A_357 = arith.constant 0 : i32
    %dma_wait3A_358 = tpu.memref_slice %arg4[%add3A, %dma_wait3A_356, %dma_wait3A_357] : memref<32x80x125xi32, #tpu.memory_space<hbm>> -> memref<1x16x125xi32, #tpu.memory_space<hbm>>
    %dma_wait3A_359 = tpu.memref_squeeze %dma_wait3A_358 : memref<1x16x125xi32, #tpu.memory_space<hbm>> -> memref<16x125xi32, #tpu.memory_space<hbm>>
    %dma_wait3A_360 = arith.constant 64 : i32
    %dma_wait3A_361 = arith.constant 0 : i32
    %dma_wait3A_362 = tpu.memref_slice %arg4[%add3A, %dma_wait3A_360, %dma_wait3A_361] : memref<32x80x125xi32, #tpu.memory_space<hbm>> -> memref<1x16x125xi32, #tpu.memory_space<hbm>>
    %dma_wait3A_363 = tpu.memref_squeeze %dma_wait3A_362 : memref<1x16x125xi32, #tpu.memory_space<hbm>> -> memref<16x125xi32, #tpu.memory_space<hbm>>
    tpu.wait_dma2 semaphore(%arg18 : memref<!tpu.dma_semaphore, #tpu.memory_space<semaphore_mem>>) src(%dma_wait3A_363 : memref<16x125xi32, #tpu.memory_space<hbm>>) dst(%arg8 : memref<16x125xi32, #tpu.memory_space<vmem>>)
    %dma_start3A_364 = arith.constant 0 : i32
    %dma_start3A_365 = arith.constant 0 : i32
    %dma_start3A_366 = tpu.memref_slice %arg7[%dma_start3A_364, %dma_start3A_365] : memref<16x125xi32, #tpu.memory_space<vmem>> -> memref<1x125xi32, #tpu.memory_space<vmem>>
    %dma_start3A_367 = tpu.memref_squeeze %dma_start3A_366 : memref<1x125xi32, #tpu.memory_space<vmem>> -> memref<125xi32, #tpu.memory_space<vmem>>
    %dma_start3A_368 = arith.constant 0 : i32
    %dma_start3A_369 = arith.constant 0 : i32
    %dma_start3A_370 = tpu.memref_slice %arg2[%dma_start3A_368, %dma_start3A_369] : memref<10000x128xf32, #tpu.memory_space<hbm>> -> memref<10000x128xf32, #tpu.memory_space<hbm>>
    tpu.enqueue_indirect_dma source(%dma_start3A_370 : memref<10000x128xf32, #tpu.memory_space<hbm>>) target(%arg11 : memref<125x128xf32, #tpu.memory_space<vmem>>) offsets(%dma_start3A_367 : memref<125xi32, #tpu.memory_space<vmem>>) semaphore(%arg21 : memref<!tpu.dma_semaphore, #tpu.memory_space<semaphore_mem>>)
    %scan3A_371 = arith.constant 0 : i32
    %scan3A_372 = arith.constant 0 : i32
    %scan3A_373 = arith.constant 16 : i32
    %scan3A_374 = arith.addi %scan3A_372, %scan3A_373 : i32
    %scan3A_375 = arith.constant 1 : i32
    scf.for %scan3A_407 = %scan3A_372 to %scan3A_374 step %scan3A_375  : i32 {
      %dma_start3A_408 = arith.constant 0 : i32
      %dma_start3A_409 = tpu.memref_slice %arg13[%dma_start3A_408] : memref<128xf32, #tpu.memory_space<vmem>> -> memref<125xf32, #tpu.memory_space<vmem>>
      %dma_start3A_410 = arith.constant 0 : i32
      %dma_start3A_411 = tpu.memref_slice %arg8[%scan3A_407, %dma_start3A_410] : memref<16x125xi32, #tpu.memory_space<vmem>> -> memref<1x125xi32, #tpu.memory_space<vmem>>
      %dma_start3A_412 = tpu.memref_squeeze %dma_start3A_411 : memref<1x125xi32, #tpu.memory_space<vmem>> -> memref<125xi32, #tpu.memory_space<vmem>>
      %dma_start3A_413 = arith.constant 0 : i32
      %dma_start3A_414 = tpu.memref_slice %arg16[%dma_start3A_413] : memref<10240xf32, #tpu.memory_space<vmem_shared>> -> memref<10240xf32, #tpu.memory_space<vmem_shared>>
      tpu.enqueue_indirect_dma source(%dma_start3A_409 : memref<125xf32, #tpu.memory_space<vmem>>) target(%dma_start3A_414 : memref<10240xf32, #tpu.memory_space<vmem_shared>>) offsets(%dma_start3A_412 : memref<125xi32, #tpu.memory_space<vmem>>) semaphore(%arg23 : memref<!tpu.dma_semaphore, #tpu.memory_space<semaphore_mem>>) {add = true}
    }
    %scan3A_376 = arith.constant 16 : i32
    %scan3A_377 = arith.constant 0 : i32
    %scan3A_378 = arith.constant 0 : i32
    %scan3A_379 = arith.constant 8 : i32
    %scan3A_380 = arith.addi %scan3A_378, %scan3A_379 : i32
    %scan3A_381 = arith.constant 1 : i32
    scf.for %scan3A_407 = %scan3A_378 to %scan3A_380 step %scan3A_381  : i32 {
      %mul3A_408 = arith.constant 2 : i32
      %mul3A_409 = arith.muli %scan3A_407, %mul3A_408 : i32
      %add3A_410 = arith.constant 1 : i32
      %add3A_411 = arith.addi %mul3A_409, %add3A_410 : i32
      %dma_start3A_412 = arith.constant 0 : i32
      %dma_start3A_413 = tpu.memref_slice %arg7[%add3A_411, %dma_start3A_412] : memref<16x125xi32, #tpu.memory_space<vmem>> -> memref<1x125xi32, #tpu.memory_space<vmem>>
      %dma_start3A_414 = tpu.memref_squeeze %dma_start3A_413 : memref<1x125xi32, #tpu.memory_space<vmem>> -> memref<125xi32, #tpu.memory_space<vmem>>
      %dma_start3A_415 = arith.constant 0 : i32
      %dma_start3A_416 = arith.constant 0 : i32
      %dma_start3A_417 = tpu.memref_slice %arg2[%dma_start3A_415, %dma_start3A_416] : memref<10000x128xf32, #tpu.memory_space<hbm>> -> memref<10000x128xf32, #tpu.memory_space<hbm>>
      tpu.enqueue_indirect_dma source(%dma_start3A_417 : memref<10000x128xf32, #tpu.memory_space<hbm>>) target(%arg12 : memref<125x128xf32, #tpu.memory_space<vmem>>) offsets(%dma_start3A_414 : memref<125xi32, #tpu.memory_space<vmem>>) semaphore(%arg22 : memref<!tpu.dma_semaphore, #tpu.memory_space<semaphore_mem>>)
      %dma_wait3A_418 = arith.constant 0 : i32
      %dma_wait3A_419 = tpu.memref_slice %arg7[%mul3A_409, %dma_wait3A_418] : memref<16x125xi32, #tpu.memory_space<vmem>> -> memref<1x125xi32, #tpu.memory_space<vmem>>
      %dma_wait3A_420 = tpu.memref_squeeze %dma_wait3A_419 : memref<1x125xi32, #tpu.memory_space<vmem>> -> memref<125xi32, #tpu.memory_space<vmem>>
      %dma_wait3A_421 = arith.constant 0 : i32
      %dma_wait3A_422 = arith.constant 0 : i32
      %dma_wait3A_423 = tpu.memref_slice %arg2[%dma_wait3A_421, %dma_wait3A_422] : memref<10000x128xf32, #tpu.memory_space<hbm>> -> memref<10000x128xf32, #tpu.memory_space<hbm>>
      tpu.wait_indirect_dma semaphore(%arg21 : memref<!tpu.dma_semaphore, #tpu.memory_space<semaphore_mem>>) src(%dma_wait3A_423 : memref<10000x128xf32, #tpu.memory_space<hbm>>) dst(%arg11 : memref<125x128xf32, #tpu.memory_space<vmem>>)
      "tpu.region"() ({
        %run_scoped3A = tpu.sem_alloc : memref<!tpu.dma_semaphore, #tpu.memory_space<semaphore_mem>>
        %dma_start3A_443 = arith.constant 0 : i32
        %dma_start3A_444 = tpu.memref_slice %arg8[%mul3A_409, %dma_start3A_443] : memref<16x125xi32, #tpu.memory_space<vmem>> -> memref<1x125xi32, #tpu.memory_space<vmem>>
        %dma_start3A_445 = tpu.memref_squeeze %dma_start3A_444 : memref<1x125xi32, #tpu.memory_space<vmem>> -> memref<125xi32, #tpu.memory_space<vmem>>
        %dma_start3A_446 = arith.constant 0 : i32
        %dma_start3A_447 = arith.constant 0 : i32
        %dma_start3A_448 = tpu.memref_slice %arg15[%dma_start3A_446, %dma_start3A_447] : memref<10000x128xf32, #tpu.memory_space<vmem_shared>> -> memref<10000x128xf32, #tpu.memory_space<vmem_shared>>
        tpu.enqueue_indirect_dma source(%arg11 : memref<125x128xf32, #tpu.memory_space<vmem>>) target(%dma_start3A_448 : memref<10000x128xf32, #tpu.memory_space<vmem_shared>>) offsets(%dma_start3A_445 : memref<125xi32, #tpu.memory_space<vmem>>) semaphore(%run_scoped3A : memref<!tpu.dma_semaphore, #tpu.memory_space<semaphore_mem>>) {add = true}
        %dma_wait3A_449 = arith.constant 0 : i32
        %dma_wait3A_450 = tpu.memref_slice %arg8[%mul3A_409, %dma_wait3A_449] : memref<16x125xi32, #tpu.memory_space<vmem>> -> memref<1x125xi32, #tpu.memory_space<vmem>>
        %dma_wait3A_451 = tpu.memref_squeeze %dma_wait3A_450 : memref<1x125xi32, #tpu.memory_space<vmem>> -> memref<125xi32, #tpu.memory_space<vmem>>
        %dma_wait3A_452 = arith.constant 0 : i32
        %dma_wait3A_453 = arith.constant 0 : i32
        %dma_wait3A_454 = tpu.memref_slice %arg15[%dma_wait3A_452, %dma_wait3A_453] : memref<10000x128xf32, #tpu.memory_space<vmem_shared>> -> memref<10000x128xf32, #tpu.memory_space<vmem_shared>>
        tpu.wait_indirect_dma semaphore(%run_scoped3A : memref<!tpu.dma_semaphore, #tpu.memory_space<semaphore_mem>>) src(%arg11 : memref<125x128xf32, #tpu.memory_space<vmem>>) dst(%dma_wait3A_454 : memref<10000x128xf32, #tpu.memory_space<vmem_shared>>)
        tpu.yield
      }) : () -> ()
      %add3A_424 = arith.constant 2 : i32
      %add3A_425 = arith.addi %mul3A_409, %add3A_424 : i32
      %min3A = arith.constant 15 : i32
      %min3A_426 = arith.minsi %add3A_425, %min3A : i32
      %dma_start3A_427 = arith.constant 0 : i32
      %dma_start3A_428 = tpu.memref_slice %arg7[%min3A_426, %dma_start3A_427] : memref<16x125xi32, #tpu.memory_space<vmem>> -> memref<1x125xi32, #tpu.memory_space<vmem>>
      %dma_start3A_429 = tpu.memref_squeeze %dma_start3A_428 : memref<1x125xi32, #tpu.memory_space<vmem>> -> memref<125xi32, #tpu.memory_space<vmem>>
      %dma_start3A_430 = arith.constant 0 : i32
      %dma_start3A_431 = arith.constant 0 : i32
      %dma_start3A_432 = tpu.memref_slice %arg2[%dma_start3A_430, %dma_start3A_431] : memref<10000x128xf32, #tpu.memory_space<hbm>> -> memref<10000x128xf32, #tpu.memory_space<hbm>>
      tpu.enqueue_indirect_dma source(%dma_start3A_432 : memref<10000x128xf32, #tpu.memory_space<hbm>>) target(%arg11 : memref<125x128xf32, #tpu.memory_space<vmem>>) offsets(%dma_start3A_429 : memref<125xi32, #tpu.memory_space<vmem>>) semaphore(%arg21 : memref<!tpu.dma_semaphore, #tpu.memory_space<semaphore_mem>>)
      %add3A_433 = arith.constant 1 : i32
      %add3A_434 = arith.addi %mul3A_409, %add3A_433 : i32
      %dma_wait3A_435 = arith.constant 0 : i32
      %dma_wait3A_436 = tpu.memref_slice %arg7[%add3A_434, %dma_wait3A_435] : memref<16x125xi32, #tpu.memory_space<vmem>> -> memref<1x125xi32, #tpu.memory_space<vmem>>
      %dma_wait3A_437 = tpu.memref_squeeze %dma_wait3A_436 : memref<1x125xi32, #tpu.memory_space<vmem>> -> memref<125xi32, #tpu.memory_space<vmem>>
      %dma_wait3A_438 = arith.constant 0 : i32
      %dma_wait3A_439 = arith.constant 0 : i32
      %dma_wait3A_440 = tpu.memref_slice %arg2[%dma_wait3A_438, %dma_wait3A_439] : memref<10000x128xf32, #tpu.memory_space<hbm>> -> memref<10000x128xf32, #tpu.memory_space<hbm>>
      tpu.wait_indirect_dma semaphore(%arg22 : memref<!tpu.dma_semaphore, #tpu.memory_space<semaphore_mem>>) src(%dma_wait3A_440 : memref<10000x128xf32, #tpu.memory_space<hbm>>) dst(%arg12 : memref<125x128xf32, #tpu.memory_space<vmem>>)
      %add3A_441 = arith.constant 1 : i32
      %add3A_442 = arith.addi %mul3A_409, %add3A_441 : i32
      "tpu.region"() ({
        %run_scoped3A = tpu.sem_alloc : memref<!tpu.dma_semaphore, #tpu.memory_space<semaphore_mem>>
        %dma_start3A_443 = arith.constant 0 : i32
        %dma_start3A_444 = tpu.memref_slice %arg8[%add3A_442, %dma_start3A_443] : memref<16x125xi32, #tpu.memory_space<vmem>> -> memref<1x125xi32, #tpu.memory_space<vmem>>
        %dma_start3A_445 = tpu.memref_squeeze %dma_start3A_444 : memref<1x125xi32, #tpu.memory_space<vmem>> -> memref<125xi32, #tpu.memory_space<vmem>>
        %dma_start3A_446 = arith.constant 0 : i32
        %dma_start3A_447 = arith.constant 0 : i32
        %dma_start3A_448 = tpu.memref_slice %arg15[%dma_start3A_446, %dma_start3A_447] : memref<10000x128xf32, #tpu.memory_space<vmem_shared>> -> memref<10000x128xf32, #tpu.memory_space<vmem_shared>>
        tpu.enqueue_indirect_dma source(%arg12 : memref<125x128xf32, #tpu.memory_space<vmem>>) target(%dma_start3A_448 : memref<10000x128xf32, #tpu.memory_space<vmem_shared>>) offsets(%dma_start3A_445 : memref<125xi32, #tpu.memory_space<vmem>>) semaphore(%run_scoped3A : memref<!tpu.dma_semaphore, #tpu.memory_space<semaphore_mem>>) {add = true}
        %dma_wait3A_449 = arith.constant 0 : i32
        %dma_wait3A_450 = tpu.memref_slice %arg8[%add3A_442, %dma_wait3A_449] : memref<16x125xi32, #tpu.memory_space<vmem>> -> memref<1x125xi32, #tpu.memory_space<vmem>>
        %dma_wait3A_451 = tpu.memref_squeeze %dma_wait3A_450 : memref<1x125xi32, #tpu.memory_space<vmem>> -> memref<125xi32, #tpu.memory_space<vmem>>
        %dma_wait3A_452 = arith.constant 0 : i32
        %dma_wait3A_453 = arith.constant 0 : i32
        %dma_wait3A_454 = tpu.memref_slice %arg15[%dma_wait3A_452, %dma_wait3A_453] : memref<10000x128xf32, #tpu.memory_space<vmem_shared>> -> memref<10000x128xf32, #tpu.memory_space<vmem_shared>>
        tpu.wait_indirect_dma semaphore(%run_scoped3A : memref<!tpu.dma_semaphore, #tpu.memory_space<semaphore_mem>>) src(%arg12 : memref<125x128xf32, #tpu.memory_space<vmem>>) dst(%dma_wait3A_454 : memref<10000x128xf32, #tpu.memory_space<vmem_shared>>)
        tpu.yield
      }) : () -> ()
    }
    %scan3A_382 = arith.constant 8 : i32
    %dma_wait3A_383 = arith.constant 15 : i32
    %dma_wait3A_384 = arith.constant 0 : i32
    %dma_wait3A_385 = tpu.memref_slice %arg7[%dma_wait3A_383, %dma_wait3A_384] : memref<16x125xi32, #tpu.memory_space<vmem>> -> memref<1x125xi32, #tpu.memory_space<vmem>>
    %dma_wait3A_386 = tpu.memref_squeeze %dma_wait3A_385 : memref<1x125xi32, #tpu.memory_space<vmem>> -> memref<125xi32, #tpu.memory_space<vmem>>
    %dma_wait3A_387 = arith.constant 0 : i32
    %dma_wait3A_388 = arith.constant 0 : i32
    %dma_wait3A_389 = tpu.memref_slice %arg2[%dma_wait3A_387, %dma_wait3A_388] : memref<10000x128xf32, #tpu.memory_space<hbm>> -> memref<10000x128xf32, #tpu.memory_space<hbm>>
    tpu.wait_indirect_dma semaphore(%arg21 : memref<!tpu.dma_semaphore, #tpu.memory_space<semaphore_mem>>) src(%dma_wait3A_389 : memref<10000x128xf32, #tpu.memory_space<hbm>>) dst(%arg11 : memref<125x128xf32, #tpu.memory_space<vmem>>)
    %scan3A_390 = arith.constant 0 : i32
    %scan3A_391 = arith.constant 0 : i32
    %scan3A_392 = arith.constant 16 : i32
    %scan3A_393 = arith.addi %scan3A_391, %scan3A_392 : i32
    %scan3A_394 = arith.constant 1 : i32
    scf.for %scan3A_407 = %scan3A_391 to %scan3A_393 step %scan3A_394  : i32 {
      %dma_wait3A_408 = arith.constant 0 : i32
      %dma_wait3A_409 = arith.constant 0 : i32
      %dma_wait3A_410 = tpu.memref_slice %arg13[%dma_wait3A_409] : memref<128xf32, #tpu.memory_space<vmem>> -> memref<125xf32, #tpu.memory_space<vmem>>
      %dma_wait3A_411 = arith.constant 0 : i32
      %dma_wait3A_412 = tpu.memref_slice %arg8[%dma_wait3A_408, %dma_wait3A_411] : memref<16x125xi32, #tpu.memory_space<vmem>> -> memref<1x125xi32, #tpu.memory_space<vmem>>
      %dma_wait3A_413 = tpu.memref_squeeze %dma_wait3A_412 : memref<1x125xi32, #tpu.memory_space<vmem>> -> memref<125xi32, #tpu.memory_space<vmem>>
      %dma_wait3A_414 = arith.constant 0 : i32
      %dma_wait3A_415 = tpu.memref_slice %arg16[%dma_wait3A_414] : memref<10240xf32, #tpu.memory_space<vmem_shared>> -> memref<10240xf32, #tpu.memory_space<vmem_shared>>
      tpu.wait_indirect_dma semaphore(%arg23 : memref<!tpu.dma_semaphore, #tpu.memory_space<semaphore_mem>>) src(%dma_wait3A_410 : memref<125xf32, #tpu.memory_space<vmem>>) dst(%dma_wait3A_415 : memref<10240xf32, #tpu.memory_space<vmem_shared>>)
    }
    %scan3A_395 = arith.constant 16 : i32
    %barrier3A_396 = arith.constant 0 : index
    tpu.barrier barrier_id(%barrier3A_396)
    "tpu.region"() ({
      %run_scoped3A = tpu.sem_alloc : memref<!tpu.dma_semaphore, #tpu.memory_space<semaphore_mem>>
      %dma_start3A_407 = arith.constant 0 : i32
      %dma_start3A_408 = tpu.memref_slice %arg5[%arg0, %mul3A_74, %dma_start3A_407] : memref<2x10000x128xf32, #tpu.memory_space<hbm>> -> memref<1x624x128xf32, #tpu.memory_space<hbm>>
      %dma_start3A_409 = tpu.memref_squeeze %dma_start3A_408 : memref<1x624x128xf32, #tpu.memory_space<hbm>> -> memref<624x128xf32, #tpu.memory_space<hbm>>
      %dma_start3A_410 = arith.constant 0 : i32
      %dma_start3A_411 = tpu.memref_slice %arg15[%mul3A_74, %dma_start3A_410] : memref<10000x128xf32, #tpu.memory_space<vmem_shared>> -> memref<624x128xf32, #tpu.memory_space<vmem_shared>>
      tpu.enqueue_dma source(%dma_start3A_411 : memref<624x128xf32, #tpu.memory_space<vmem_shared>>) target(%dma_start3A_409 : memref<624x128xf32, #tpu.memory_space<hbm>>) target_semaphore(%run_scoped3A : memref<!tpu.dma_semaphore, #tpu.memory_space<semaphore_mem>>)
      %dma_wait3A_412 = arith.constant 0 : i32
      %dma_wait3A_413 = tpu.memref_slice %arg5[%arg0, %mul3A_74, %dma_wait3A_412] : memref<2x10000x128xf32, #tpu.memory_space<hbm>> -> memref<1x624x128xf32, #tpu.memory_space<hbm>>
      %dma_wait3A_414 = tpu.memref_squeeze %dma_wait3A_413 : memref<1x624x128xf32, #tpu.memory_space<hbm>> -> memref<624x128xf32, #tpu.memory_space<hbm>>
      %dma_wait3A_415 = arith.constant 0 : i32
      %dma_wait3A_416 = tpu.memref_slice %arg15[%mul3A_74, %dma_wait3A_415] : memref<10000x128xf32, #tpu.memory_space<vmem_shared>> -> memref<624x128xf32, #tpu.memory_space<vmem_shared>>
      tpu.wait_dma2 semaphore(%run_scoped3A : memref<!tpu.dma_semaphore, #tpu.memory_space<semaphore_mem>>) src(%dma_wait3A_416 : memref<624x128xf32, #tpu.memory_space<vmem_shared>>) dst(%dma_wait3A_414 : memref<624x128xf32, #tpu.memory_space<hbm>>)
      tpu.yield
    }) : () -> ()
    %eq3A_397 = arith.constant 15 : i32
    %eq3A_398 = arith.cmpi eq, %arg1, %eq3A_397 : i32
    %convert_element_type3A_399 = arith.extui %eq3A_398 : i1 to i32
    %cond3A_400 = arith.constant 0 : i32
    %cond3A_401 = arith.cmpi ne, %convert_element_type3A_399, %cond3A_400 : i32
    scf.if %cond3A_401 {
      "tpu.region"() ({
        %run_scoped3A = tpu.sem_alloc : memref<!tpu.dma_semaphore, #tpu.memory_space<semaphore_mem>>
        %dma_start3A_407 = arith.constant 9984 : i32
        %dma_start3A_408 = arith.constant 0 : i32
        %dma_start3A_409 = tpu.memref_slice %arg5[%arg0, %dma_start3A_407, %dma_start3A_408] : memref<2x10000x128xf32, #tpu.memory_space<hbm>> -> memref<1x16x128xf32, #tpu.memory_space<hbm>>
        %dma_start3A_410 = tpu.memref_squeeze %dma_start3A_409 : memref<1x16x128xf32, #tpu.memory_space<hbm>> -> memref<16x128xf32, #tpu.memory_space<hbm>>
        %dma_start3A_411 = arith.constant 9984 : i32
        %dma_start3A_412 = arith.constant 0 : i32
        %dma_start3A_413 = tpu.memref_slice %arg15[%dma_start3A_411, %dma_start3A_412] : memref<10000x128xf32, #tpu.memory_space<vmem_shared>> -> memref<16x128xf32, #tpu.memory_space<vmem_shared>>
        tpu.enqueue_dma source(%dma_start3A_413 : memref<16x128xf32, #tpu.memory_space<vmem_shared>>) target(%dma_start3A_410 : memref<16x128xf32, #tpu.memory_space<hbm>>) target_semaphore(%run_scoped3A : memref<!tpu.dma_semaphore, #tpu.memory_space<semaphore_mem>>)
        %dma_wait3A_414 = arith.constant 9984 : i32
        %dma_wait3A_415 = arith.constant 0 : i32
        %dma_wait3A_416 = tpu.memref_slice %arg5[%arg0, %dma_wait3A_414, %dma_wait3A_415] : memref<2x10000x128xf32, #tpu.memory_space<hbm>> -> memref<1x16x128xf32, #tpu.memory_space<hbm>>
        %dma_wait3A_417 = tpu.memref_squeeze %dma_wait3A_416 : memref<1x16x128xf32, #tpu.memory_space<hbm>> -> memref<16x128xf32, #tpu.memory_space<hbm>>
        %dma_wait3A_418 = arith.constant 9984 : i32
        %dma_wait3A_419 = arith.constant 0 : i32
        %dma_wait3A_420 = tpu.memref_slice %arg15[%dma_wait3A_418, %dma_wait3A_419] : memref<10000x128xf32, #tpu.memory_space<vmem_shared>> -> memref<16x128xf32, #tpu.memory_space<vmem_shared>>
        tpu.wait_dma2 semaphore(%run_scoped3A : memref<!tpu.dma_semaphore, #tpu.memory_space<semaphore_mem>>) src(%dma_wait3A_420 : memref<16x128xf32, #tpu.memory_space<vmem_shared>>) dst(%dma_wait3A_417 : memref<16x128xf32, #tpu.memory_space<hbm>>)
        tpu.yield
      }) : () -> ()
    } else {
    }
    %eq3A_402 = arith.constant 0 : i32
    %eq3A_403 = arith.cmpi eq, %arg1, %eq3A_402 : i32
    %convert_element_type3A_404 = arith.extui %eq3A_403 : i1 to i32
    %cond3A_405 = arith.constant 0 : i32
    %cond3A_406 = arith.cmpi ne, %convert_element_type3A_404, %cond3A_405 : i32
    scf.if %cond3A_406 {
      %mul3A_407 = arith.constant 10240 : i32
      %mul3A_408 = arith.muli %arg0, %mul3A_407 : i32
      "tpu.region"() ({
        %run_scoped3A = tpu.sem_alloc : memref<!tpu.dma_semaphore, #tpu.memory_space<semaphore_mem>>
        %dma_start3A_409 = tpu.memref_slice %arg6[%mul3A_408] : memref<20480xf32, #tpu.memory_space<hbm>> -> memref<10240xf32, #tpu.memory_space<hbm>>
        tpu.enqueue_dma source(%arg16 : memref<10240xf32, #tpu.memory_space<vmem_shared>>) target(%dma_start3A_409 : memref<10240xf32, #tpu.memory_space<hbm>>) target_semaphore(%run_scoped3A : memref<!tpu.dma_semaphore, #tpu.memory_space<semaphore_mem>>)
        %dma_wait3A_410 = tpu.memref_slice %arg6[%mul3A_408] : memref<20480xf32, #tpu.memory_space<hbm>> -> memref<10240xf32, #tpu.memory_space<hbm>>
        tpu.wait_dma2 semaphore(%run_scoped3A : memref<!tpu.dma_semaphore, #tpu.memory_space<semaphore_mem>>) src(%arg16 : memref<10240xf32, #tpu.memory_space<vmem_shared>>) dst(%dma_wait3A_410 : memref<10240xf32, #tpu.memory_space<hbm>>)
        tpu.yield
      }) : () -> ()
    } else {
    }
    return
  }
}

module attributes {stable_mosaic.version = 14 : i64} {
  func.func @_fused_body(%arg0: memref<2x10000x128xf32, #tpu.memory_space<vmem>>, %arg1: memref<2x10000x1xf32, #tpu.memory_space<vmem>>, %arg2: memref<10000x128xf32, #tpu.memory_space<vmem>>, %arg3: memref<128x128xf32, #tpu.memory_space<vmem>>, %arg4: memref<128x128xf32, #tpu.memory_space<vmem>>, %arg5: memref<1x128xf32, #tpu.memory_space<vmem>>, %arg6: memref<1x128xf32, #tpu.memory_space<vmem>>, %arg7: memref<1x128xf32, #tpu.memory_space<vmem>>, %arg8: memref<1x128xf32, #tpu.memory_space<vmem>>, %arg9: memref<10000x128xf32, #tpu.memory_space<vmem>>) attributes {dimension_semantics = [], scalar_prefetch = 0 : i64, scratch_operands = 0 : i64, tpu.core_type = #tpu.core_type<tc>} {
    %get3A = arith.constant 0 : index
    %get3A_0 = arith.constant 0 : index
    %get3A_1 = arith.constant 0 : index
    %get3A_2 = vector.load %arg0[%get3A, %get3A_0, %get3A_1] : memref<2x10000x128xf32, #tpu.memory_space<vmem>>, vector<1x10000x128xf32>
    %get3A_3 = vector.shape_cast %get3A_2 : vector<1x10000x128xf32> to vector<10000x128xf32>
    %get3A_4 = arith.constant 1 : index
    %get3A_5 = arith.constant 0 : index
    %get3A_6 = arith.constant 0 : index
    %get3A_7 = vector.load %arg0[%get3A_4, %get3A_5, %get3A_6] : memref<2x10000x128xf32, #tpu.memory_space<vmem>>, vector<1x10000x128xf32>
    %get3A_8 = vector.shape_cast %get3A_7 : vector<1x10000x128xf32> to vector<10000x128xf32>
    %add3A = arith.addf %get3A_3, %get3A_8 : vector<10000x128xf32>
    %get3A_9 = arith.constant 0 : index
    %get3A_10 = arith.constant 0 : index
    %get3A_11 = arith.constant 0 : index
    %get3A_12 = vector.load %arg1[%get3A_9, %get3A_10, %get3A_11] : memref<2x10000x1xf32, #tpu.memory_space<vmem>>, vector<1x10000x1xf32>
    %get3A_13 = vector.shape_cast %get3A_12 : vector<1x10000x1xf32> to vector<10000x1xf32>
    %get3A_14 = arith.constant 1 : index
    %get3A_15 = arith.constant 0 : index
    %get3A_16 = arith.constant 0 : index
    %get3A_17 = vector.load %arg1[%get3A_14, %get3A_15, %get3A_16] : memref<2x10000x1xf32, #tpu.memory_space<vmem>>, vector<1x10000x1xf32>
    %get3A_18 = vector.shape_cast %get3A_17 : vector<1x10000x1xf32> to vector<10000x1xf32>
    %add3A_19 = arith.addf %get3A_13, %get3A_18 : vector<10000x1xf32>
    %max3A = arith.constant 1.000000e+00 : f32
    %max3A_20 = vector.broadcast %max3A : f32 to vector<10000x1xf32>
    %max3A_21 = arith.maximumf %add3A_19, %max3A_20 : vector<10000x1xf32>
    %div3A = arith.constant 1.000000e+00 : f32
    %div3A_22 = vector.broadcast %div3A : f32 to vector<10000x1xf32>
    %div3A_23 = arith.divf %div3A_22, %max3A_21 : vector<10000x1xf32>
    %mul3A = vector.broadcast %div3A_23 : vector<10000x1xf32> to vector<10000x128xf32>
    %mul3A_24 = arith.mulf %add3A, %mul3A : vector<10000x128xf32>
    %get3A_25 = arith.constant 0 : index
    %get3A_26 = arith.constant 0 : index
    %get3A_27 = vector.load %arg2[%get3A_25, %get3A_26] : memref<10000x128xf32, #tpu.memory_space<vmem>>, vector<10000x128xf32>
    %get3A_28 = arith.constant 0 : index
    %get3A_29 = arith.constant 0 : index
    %get3A_30 = vector.load %arg3[%get3A_28, %get3A_29] : memref<128x128xf32, #tpu.memory_space<vmem>>, vector<128x128xf32>
    %dot_general3A = arith.constant dense<0.000000e+00> : vector<10000x128xf32>
    %dot_general3A_31 = tpu.matmul %mul3A_24, %get3A_30, %dot_general3A {dimension_numbers = #tpu.dot_dimension_numbers<[1], [1], [0], [0], [0, 0, 1, 0], [], []>, transpose_lhs_hint = false} : vector<10000x128xf32>, vector<128x128xf32>, vector<10000x128xf32> -> vector<10000x128xf32>
    %get3A_32 = arith.constant 0 : index
    %get3A_33 = arith.constant 0 : index
    %get3A_34 = vector.load %arg4[%get3A_32, %get3A_33] : memref<128x128xf32, #tpu.memory_space<vmem>>, vector<128x128xf32>
    %dot_general3A_35 = arith.constant dense<0.000000e+00> : vector<10000x128xf32>
    %dot_general3A_36 = tpu.matmul %get3A_27, %get3A_34, %dot_general3A_35 {dimension_numbers = #tpu.dot_dimension_numbers<[1], [1], [0], [0], [0, 0, 1, 0], [], []>, transpose_lhs_hint = false} : vector<10000x128xf32>, vector<128x128xf32>, vector<10000x128xf32> -> vector<10000x128xf32>
    %add3A_37 = arith.addf %dot_general3A_31, %dot_general3A_36 : vector<10000x128xf32>
    %get3A_38 = arith.constant 0 : index
    %get3A_39 = arith.constant 0 : index
    %get3A_40 = vector.load %arg5[%get3A_38, %get3A_39] : memref<1x128xf32, #tpu.memory_space<vmem>>, vector<1x128xf32>
    %add3A_41 = vector.broadcast %get3A_40 : vector<1x128xf32> to vector<10000x128xf32>
    %add3A_42 = arith.addf %add3A_37, %add3A_41 : vector<10000x128xf32>
    %reduce_sum3A = arith.constant dense<0.000000e+00> : vector<128xf32>
    %reduce_sum3A_43 = vector.multi_reduction <add>, %add3A_42, %reduce_sum3A [0] : vector<10000x128xf32> to vector<128xf32>
    %broadcast_in_dim3A = vector.shape_cast %reduce_sum3A_43 : vector<128xf32> to vector<1x128xf32>
    %mul3A_44 = arith.constant 9.99999974E-5 : f32
    %mul3A_45 = vector.broadcast %mul3A_44 : f32 to vector<1x128xf32>
    %mul3A_46 = arith.mulf %broadcast_in_dim3A, %mul3A_45 : vector<1x128xf32>
    %mul3A_47 = arith.mulf %add3A_42, %add3A_42 : vector<10000x128xf32>
    %reduce_sum3A_48 = arith.constant dense<0.000000e+00> : vector<128xf32>
    %reduce_sum3A_49 = vector.multi_reduction <add>, %mul3A_47, %reduce_sum3A_48 [0] : vector<10000x128xf32> to vector<128xf32>
    %broadcast_in_dim3A_50 = vector.shape_cast %reduce_sum3A_49 : vector<128xf32> to vector<1x128xf32>
    %mul3A_51 = arith.constant 9.99999974E-5 : f32
    %mul3A_52 = vector.broadcast %mul3A_51 : f32 to vector<1x128xf32>
    %mul3A_53 = arith.mulf %broadcast_in_dim3A_50, %mul3A_52 : vector<1x128xf32>
    %get3A_54 = arith.constant 0 : index
    %get3A_55 = arith.constant 0 : index
    %get3A_56 = vector.load %arg8[%get3A_54, %get3A_55] : memref<1x128xf32, #tpu.memory_space<vmem>>, vector<1x128xf32>
    %mul3A_57 = arith.mulf %mul3A_46, %get3A_56 : vector<1x128xf32>
    %mul3A_58 = arith.constant 2.000000e+00 : f32
    %mul3A_59 = vector.broadcast %mul3A_58 : f32 to vector<1x128xf32>
    %mul3A_60 = arith.mulf %mul3A_59, %mul3A_57 : vector<1x128xf32>
    %mul3A_61 = arith.mulf %mul3A_60, %mul3A_46 : vector<1x128xf32>
    %sub3A = arith.subf %mul3A_53, %mul3A_61 : vector<1x128xf32>
    %mul3A_62 = arith.mulf %mul3A_57, %mul3A_57 : vector<1x128xf32>
    %add3A_63 = arith.addf %sub3A, %mul3A_62 : vector<1x128xf32>
    %add3A_64 = arith.constant 9.99999974E-6 : f32
    %add3A_65 = vector.broadcast %add3A_64 : f32 to vector<1x128xf32>
    %add3A_66 = arith.addf %add3A_63, %add3A_65 : vector<1x128xf32>
    %rsqrt3A = math.rsqrt %add3A_66 : vector<1x128xf32>
    %sub3A_67 = vector.broadcast %mul3A_57 : vector<1x128xf32> to vector<10000x128xf32>
    %sub3A_68 = arith.subf %add3A_42, %sub3A_67 : vector<10000x128xf32>
    %mul3A_69 = vector.broadcast %rsqrt3A : vector<1x128xf32> to vector<10000x128xf32>
    %mul3A_70 = arith.mulf %sub3A_68, %mul3A_69 : vector<10000x128xf32>
    %get3A_71 = arith.constant 0 : index
    %get3A_72 = arith.constant 0 : index
    %get3A_73 = vector.load %arg6[%get3A_71, %get3A_72] : memref<1x128xf32, #tpu.memory_space<vmem>>, vector<1x128xf32>
    %mul3A_74 = vector.broadcast %get3A_73 : vector<1x128xf32> to vector<10000x128xf32>
    %mul3A_75 = arith.mulf %mul3A_70, %mul3A_74 : vector<10000x128xf32>
    %get3A_76 = arith.constant 0 : index
    %get3A_77 = arith.constant 0 : index
    %get3A_78 = vector.load %arg7[%get3A_76, %get3A_77] : memref<1x128xf32, #tpu.memory_space<vmem>>, vector<1x128xf32>
    %add3A_79 = vector.broadcast %get3A_78 : vector<1x128xf32> to vector<10000x128xf32>
    %add3A_80 = arith.addf %mul3A_75, %add3A_79 : vector<10000x128xf32>
    %mul3A_81 = arith.constant 5.000000e-01 : f32
    %mul3A_82 = vector.broadcast %mul3A_81 : f32 to vector<10000x128xf32>
    %mul3A_83 = arith.mulf %mul3A_82, %add3A_80 : vector<10000x128xf32>
    %mul3A_84 = arith.constant 0.707106769 : f32
    %mul3A_85 = vector.broadcast %mul3A_84 : f32 to vector<10000x128xf32>
    %mul3A_86 = arith.mulf %add3A_80, %mul3A_85 : vector<10000x128xf32>
    %erf3A = math.erf %mul3A_86 : vector<10000x128xf32>
    %add3A_87 = arith.constant 1.000000e+00 : f32
    %add3A_88 = vector.broadcast %add3A_87 : f32 to vector<10000x128xf32>
    %add3A_89 = arith.addf %add3A_88, %erf3A : vector<10000x128xf32>
    %mul3A_90 = arith.mulf %mul3A_83, %add3A_89 : vector<10000x128xf32>
    %add3A_91 = arith.addf %mul3A_90, %get3A_27 : vector<10000x128xf32>
    %swap3A = arith.constant 0 : index
    %swap3A_92 = arith.constant 0 : index
    %swap3A_93 = vector.load %arg9[%swap3A, %swap3A_92] : memref<10000x128xf32, #tpu.memory_space<vmem>>, vector<10000x128xf32>
    tpu.vector_store %arg9[%swap3A, %swap3A_92], %add3A_91 {strides = array<i32>} : memref<10000x128xf32, #tpu.memory_space<vmem>>, vector<10000x128xf32>,
    return
  }
}

</mosaic_0001>

<sc_bundles>
// kernel: kernel.4.cloned.1.call-start
scs
__scs_entry_jumppad:
0x0: {  	(pc) =	sbr.rel $0x88, $3  }
0x1: {  	(tag) =	ssettag $0x0;
	lr =	simm.s32 $0x1  }
0x2: {  	[smem:$0x3F99] =	sst lr;
	_ =	strace $0xD0000000  }
0x3: {  	_ = 	snop  }
0x4: {  	_ = 	snop  }
0x5: {  	_ = 	snop  }
0x6: {  	_ = 	snop  }
0x7: {  	_ = 	snop  }
__scs_overlays_trampoline_lowered:
0x8: {  	[smem:$0x3FA8] =	sst s0  }
0x9: {  	[smem:$0x3FA9] =	sst s1  }
0xa: {  	[smem:$0x3FAA] =	sst s2  }
0xb: {  	[smem:$0x3FAB] =	sst s3  }
0xc: {  	[smem:$0x3FAC] =	sst s4  }
0xd: {  	[smem:$0x3FAD] =	sst s5  }
0xe: {  	[smem:$0x3FAE] =	sst s6  }
0xf: {  	[smem:$0x3FAF] =	sst s7  }
0x10: {  	[smem:$0x3FB0] =	sst s8  }
0x11: {  	[smem:$0x3FB1] =	sst s9;
	s0 =	simm.s32 @!p0 $0x0  }
0x12: {  	s1 =	sld [smem:$0x3F97];
	s0 =	simm.s32 @p0 $0x1  }
0x13: {  	[smem:$0x3FB2] =	sst s0;
	s0 =	simm.s32 @!p1 $0x0  }
0x14: {  	s2 =	sld [smem:$0x3F96];
	s0 =	simm.s32 @p1 $0x1  }
0x15: {  	[smem:$0x3FB3] =	sst s0;
	s0 =	simm.s32 @!p2 $0x0  }
0x16: {  	s3 =	sld [smem:$0x3FDB];
	s0 =	simm.s32 @p2 $0x1  }
0x17: {  	s4 =	simm.s32 $0x1BF5;
	[smem:$0x3FB5] =	sst s0  }
0x18: {  	s0 =	sld [smem:$0x3F98];
	_ =	swait.ge [sflag:s4], $0x0  }
0x19: {  	s7 =	sld [smem:$0x3F99]  }
0x1a: {  	s8 =	sadd.s32 $0xFFFFE003, lr  }
0x1b: {  	s9 =	sadd.s32 $0xFFFFFEF7, lr;
	s5 =	simm.s32 $0xFFFFFFFF;
	p2 =	slt.u32 s8, $0xFFFFF086  }
0x1c: {  	p1 =	slt.u32 s9, $0xF7A;
	s5 =	simm.s32 @!p2 $0x0  }
0x1d: {  	s5 =	simm.s32 @p1 $0x1;
	p0 =	seq.s32 s7, s2  }
0x1e: {  	s7 =	smul.u32 @!p0 $0xF7A, s2;
	p2 =	seq.s32 @!p0 s5, $0x0  }
0x1f: {  	s9 =	smul.u32 $0xF7A, s1;
	s8 =	simm.s32 @!p0 $0x1BF5;
	p2 =	por !p2, p0  }
0x20: {  	[sflag:s8] =	ssyncset.s32 @!p0 $0xFFFFF086;
	s6 =	sadd.s32 @!p0 s3, s7;
	s7 =	simm.s32 @!p0 $0x108  }
0x21: {  	s3 =	sadd.s32 s3, s9;
	s6 =	sadd.s32 @!p0 $0x88, s6;
	s7 =	simm.s32 @p2 $0x1082  }
0x22: {  	[simem:s7], [sflag:s8] =	dma.local @!p0 [hbm:s6], $0xF7A  }
0x23: {  	s9 =	sor.u32 $0xD0000000, s2;
	s6 =	simm.s32 $0x108;
	_ =	swait.ge @!p0 [sflag:s8], $0x0  }
0x24: {  	s3 =	sadd.s32 $0x88, s3;
	s6 =	simm.s32 @!p1 $0x1082;
	[sflag:s4] =	ssyncset.s32 $0xFFFFF086  }
0x25: {  	[simem:s6], [sflag:s4] =	dma.local [hbm:s3], $0xF7A  }
0x26: {  	[smem:$0x3F99] =	sst s1;
	(tag) =	ssettag s2;
	_ =	strace s9  }
0x27: {  	s1 =	sld [smem:$0x3FA9]  }
0x28: {  	s2 =	sld [smem:$0x3FAA]  }
0x29: {  	s4 =	sld [smem:$0x3FAC]  }
0x2a: {  	p0 =	seq.s32 s5, $0x0;
	s5 =	sld [smem:$0x3FAD]  }
0x2b: {  	s6 =	sld [smem:$0x3FAE]  }
0x2c: {  	s7 =	sld [smem:$0x3FAF]  }
0x2d: {  	s3 =	simm.s32 $0x108;
	s8 =	sld [smem:$0x3FB0]  }
0x2e: {  	s3 =	simm.s32 @!p0 $0x1082;
	s9 =	sld [smem:$0x3FB1]  }
0x2f: {  	lr =	sadd.s32 s0, s3;
	s0 =	sld [smem:$0x3FA8]  }
0x30: {  	s3 =	sld [smem:$0x3FAB]  }
0x31: {  	[smem:$0x3FB4] =	sst s10  }
0x32: {  	s10 =	sld [smem:$0x3FB2];
	_ =	sdelay $0x3  }
0x33: {  	p0 =	seq.s32 s10, $0x1;
	s10 =	sld [smem:$0x3FB4];
	_ =	sdelay $0x3  }
0x34: {  	[smem:$0x3FB4] =	sst s10  }
0x35: {  	s10 =	sld [smem:$0x3FB3];
	_ =	sdelay $0x3  }
0x36: {  	p1 =	seq.s32 s10, $0x1;
	s10 =	sld [smem:$0x3FB4];
	_ =	sdelay $0x3  }
0x37: {  	[smem:$0x3FB4] =	sst s10  }
0x38: {  	s10 =	sld [smem:$0x3FB5]  }
0x39: {  	_ = 	snop;
	(pc) =	sbr.ind lr, $3  }
0x3a: {  	_ = 	snop  }
0x3b: {  	_ = 	snop  }
0x3c: {  	p2 =	seq.s32 s10, $0x1;
	s10 =	sld [smem:$0x3FB4]  }
0x3d: {  	_ =	shalt  }
0x3e: {  	_ =	shalt  }
0x3f: {  	_ =	shalt  }
0x40: {  	_ =	shalt  }
0x41: {  	_ =	shalt  }
0x42: {  	_ =	shalt  }
0x43: {  	_ =	shalt  }
0x44: {  	_ =	shalt  }
0x45: {  	_ =	shalt  }
0x46: {  	_ =	shalt  }
0x47: {  	_ =	shalt  }
0x48: {  	_ =	shalt  }
0x49: {  	_ =	shalt  }
0x4a: {  	_ =	shalt  }
0x4b: {  	_ =	shalt  }
0x4c: {  	_ =	shalt  }
0x4d: {  	_ =	shalt  }
0x4e: {  	_ =	shalt  }
0x4f: {  	_ =	shalt  }
0x50: {  	_ =	shalt  }
0x51: {  	_ =	shalt  }
0x52: {  	_ =	shalt  }
0x53: {  	_ =	shalt  }
0x54: {  	_ =	shalt  }
0x55: {  	_ =	shalt  }
0x56: {  	_ =	shalt  }
0x57: {  	_ =	shalt  }
0x58: {  	_ =	shalt  }
0x59: {  	_ =	shalt  }
0x5a: {  	_ =	shalt  }
0x5b: {  	_ =	shalt  }
0x5c: {  	_ =	shalt  }
0x5d: {  	_ =	shalt  }
0x5e: {  	_ =	shalt  }
0x5f: {  	_ =	shalt  }
0x60: {  	_ =	shalt  }
0x61: {  	_ =	shalt  }
0x62: {  	_ =	shalt  }
0x63: {  	_ =	shalt  }
0x64: {  	_ =	shalt  }
0x65: {  	_ =	shalt  }
0x66: {  	_ =	shalt  }
0x67: {  	_ =	shalt  }
0x68: {  	_ =	shalt  }
0x69: {  	_ =	shalt  }
0x6a: {  	_ =	shalt  }
0x6b: {  	_ =	shalt  }
0x6c: {  	_ =	shalt  }
0x6d: {  	_ =	shalt  }
0x6e: {  	_ =	shalt  }
0x6f: {  	_ =	shalt  }
0x70: {  	_ =	shalt  }
0x71: {  	_ =	shalt  }
0x72: {  	_ =	shalt  }
0x73: {  	_ =	shalt  }
0x74: {  	_ =	shalt  }
0x75: {  	_ =	shalt  }
0x76: {  	_ =	shalt  }
0x77: {  	_ =	shalt  }
0x78: {  	_ =	shalt  }
0x79: {  	_ =	shalt  }
0x7a: {  	_ =	shalt  }
0x7b: {  	_ =	shalt  }
0x7c: {  	_ =	shalt  }
0x7d: {  	_ =	shalt  }
0x7e: {  	_ =	shalt  }
0x7f: {  	_ =	shalt  }
0x80: {  	_ =	shalt  }
0x81: {  	_ =	shalt  }
0x82: {  	_ =	shalt  }
0x83: {  	_ =	shalt  }
0x84: {  	_ =	shalt  }
0x85: {  	_ =	shalt  }
0x86: {  	_ =	shalt  }
0x87: {  	_ =	shalt  }
.Lfunc_end0:
.L_simem_size_0:
called_computation_lowered:
.L_overlay_start_0:
0x88: {  	s2 =	sld [smem:$0x3FD9]  }
0x89: {  	s3 =	sld [smem:$0x3FFE];
	_ =	sdelay $0x1  }
0x8a: {  	s1 =	srdreg.scid  }
0x8b: {  	s0 =	sand.u32 $0x1, s1  }
0x8c: {  	s17 =	sshll.u32 s0, $0xA;
	s2 =	sadd.s32 s3, s2  }
0x8d: {  	s2 =	sadd.s32 s2, s17  }
0x8e: {  	[smem:$0x3FC0] =	sst s2  }
0x8f: {  	_ = 	snop  }
0x90: {  	s2 =	sld [smem:$0x3FC9]  }
0x91: {  	s18 =	sld [smem:$0x3FD0];
	(tm) =	ssettm $0x1  }
0x92: {  	s4 =	sld [smem:$0x3FFB];
	_ =	sdelay $0x3  }
0x93: {  	_ =	strace s4  }
0x94: {  	s4 =	sld [smem:$0x3FFC];
	_ =	sdelay $0x3  }
0x95: {  	_ =	strace s4  }
0x96: {  	s4 =	sld [smem:$0x3FFD];
	_ =	sdelay $0x3  }
0x97: {  	_ =	strace s4  }
0x98: {  	_ =	strace $0x8FFFFFFF  }
0x99: {  	s19 =	sld [smem:$0x3FDB];
	_ =	sdelay $0x1  }
0x9a: {  	s5 =	simm.s32 $_scs_section_size  }
0x9b: {  	s6 =	simm.s32 $_size__tile_overlayer_lowered;
	s7 =	simm.s32 $_tile_overlayer_lowered  }
0x9c: {  	s22 =	simm.s32 $0x1BFF;
	s21 =	sshll.u32 s7, $0x1;
	s4 =	sadd.s32 s5, s19  }
0x9d: {  	s8 =	simm.s32 $0x0;
	s20 =	sshll.u32 s6, $0x1;
	s6 =	sadd.s32 s21, s4  }
0x9e: {  	[timem:s8], [sflag:s22] =	dma.local [hbm:s6], s20  }
0x9f: {  	_ =	swait.ge [sflag:s22], s20  }
0xa0: {  	s5 =	ssub.s32 $0x0, s20;
	[sflag:s22] =	ssyncset.done $0x0  }
0xa1: {  	[sflag:s22] =	ssyncadd.s32 s5;
	_ =	sdelay $0x1  }
0xa2: {  	s23 =	simm.s32 $0x1B8B  }
0xa3: {  	_ =	swait.ge [sflag:s23], $0x1  }
0xa4: {  	[sflag:s23] =	ssyncset.done $0x0  }
0xa5: {  	s25 =	simm.s32 $0x1B8E;
	s24 =	sld [smem:$0x3FFE];
	[sflag:s23] =	ssyncadd.s32 $0xFFFFFFFF  }
0xa6: {  	s26 =	simm.s32 $execute0_lowered;
	[smem:$0x3FD2] =	sst s25  }
0xa7: {  	s6 =	sshll.u32 s26, $0x1;
	_ =	strace $0x80000046;
	[dreg:$0x1] =	wrdreg $0xFFFFFFFF  }
0xa8: {  	s28 =	simm.s32 $_size_execute0_lowered;
	s4 =	sadd.s32 s4, s6;
	[dreg:$0x0] =	wrdreg $0x0  }
0xa9: {  	s6 =	sshll.u32 s28, $0x1;
	[dreg:$0x2] =	wrdreg s4  }
0xaa: {  	[dreg:$0x3] =	wrdreg s6  }
0xab: {  	[dreg:$0x4] =	wrdreg $0xC0  }
0xac: {  	_ =	task [dreg:s8], $0x5FFFF  }
0xad: {  	[dreg:$0x1] =	wrdreg $0xFFFFFFFF  }
0xae: {  	[dreg:$0x0] =	wrdreg $0x60  }
0xaf: {  	[dreg:$0x2] =	wrdreg s2  }
0xb0: {  	[dreg:$0x3] =	wrdreg s18  }
0xb1: {  	[dreg:$0x4] =	wrdreg s24  }
0xb2: {  	[dreg:$0x5] =	wrdreg $0xA4800  }
0xb3: {  	[dreg:$0x6] =	wrdreg $0x1DD000  }
0xb4: {  	[dreg:$0x7] =	wrdreg $0x9  }
0xb5: {  	_ =	task.clear_ibuf [dreg:s8], $0x8FFFF;
	_ =	strace $0x90000046  }
0xb6: {  	s29 =	simm.s32 $0x9;
	_ =	strace $0x80000048  }
0xb7: {  	_ =	swait.ge [sflag:s29], $0x1  }
0xb8: {  	[sflag:s29] =	ssyncadd.s32 $0xFFFFFFFF  }
0xb9: {  	_ =	strace $0x90000048  }
0xba: {  	_ =	sfence  }
0xbb: {  	s30 =	sld [smem:$0x0];
	_ =	sdelay $0x2  }
0xbc: {  	s31 =	sshll.u32 s1, $0xD;
	s1 =	sshrl.u32 s1, $0x2  }
0xbd: {  	s3 =	sand.u32 $0x4000, s31;
	s1 =	sadd.s32 s1, s30  }
0xbe: {  	s0 =	sor.u32 s3, s0;
	s1 =	sshll.u32 s1, $0x11  }
0xbf: {  	s0 =	sor.u32 s1, s0  }
0xc0: {  	s0 =	sadd.s32 $0x8F2B, s0  }
0xc1: {  	[sflag:s0] =	ssyncadd.remote.s32 $0x1  }
0xc2: {  	_ =	sfence.sel $0xFFFF  }
0xc3: {  	[dreg:$0x0] =	wrdreg $0xFFFFFFFF;
	(pc) =	sbr.abs _section_cstart, $3  }
0xc4: {  	[dreg:$0x1] =	wrdreg $0xFFFFFFFF  }
0xc5: {  	_ =	task.clear_ibuf [dreg:s8], $0x2FFFF;
	_ =	strace $0x9FFFFFFF  }
0xc6: {  	(tm) =	ssettm $0x7FFFFFFF  }
0xc7: {  	_ =	shalt  }
tec
execute0_lowered:
.L_overlay_start_1:
0x0: {  	(tag) =	ssettag $0x1  }
0x1: {  	s1 =	rddreg [dreg:$0x0]  }
0x2: {  	s0 =	rddreg [dreg:$0x1]  }
0x3: {  	s5 =	rddreg [dreg:$0x2]  }
0x4: {  	s2 =	rddreg [dreg:$0x3]  }
0x5: {  	s3 =	rddreg [dreg:$0x4]  }
0x6: {  	s30 =	simm.s32 $0x0;
	s6 =	srdreg.scid;
	s14 =	stileid.u32  }
0x7: {  	[smem:$0x7FF] =	sst s30;
	s6 =	sand.u32 $0x1, s6;
	s10 =	smul.u32 $0x4E000, s14  }
0x8: {  	s4 =	sadd.s32 $0x1600, s5;
	s11 =	sadd.s32 $0xC000, s5;
	s7 =	smul.u32 $0x500, s6  }
0x9: {  	_ =	strace $0x80000047;
	s12 =	ssub.s32 $0x2, s6;
	s10 =	sshrl.u32 s10, $0x2  }
0xa: {  	s18 =	sshrl.u32 s12, $0x1;
	s5 =	sadd.s32 s7, s5;
	s15 =	sadd.s32 s10, s2  }
0xb: {  	s7 =	ssub.s32 s12, s18;
	s18 =	sadd.s32 $0x400, s3;
	[dreg:$0x6] =	wrdreg s15  }
0xc: {  	s21 =	sadd.s32 $0x3E80, s15;
	[dreg:$0x16] =	wrdreg s18  }
0xd: {  	s8 =	sshll.u32 s6, $0x4;
	s22 =	sadd.s32 $0x7D00, s15;
	[dreg:$0x9] =	wrdreg s21  }
0xe: {  	s8 =	sor.u32 s14, s8;
	s23 =	sadd.s32 $0xBB80, s15;
	[dreg:$0xa] =	wrdreg s22  }
0xf: {  	s8 =	smul.u32 $0x2800, s8;
	[dreg:$0xb] =	wrdreg s23;
	s21 =	sadd.s32 $0x800, s3  }
0x10: {  	s22 =	sadd.s32 $0xC00, s3;
	[dreg:$0x1a] =	wrdreg s21  }
0x11: {  	s8 =	sshrl.u32 s8, $0x3;
	s23 =	sadd.s32 $0x1000, s3;
	[dreg:$0x1b] =	wrdreg s22  }
0x12: {  	p1 =	por $0x0, $0x0;
	s19 =	sadd.s32 s0, s8;
	[dreg:$0x1c] =	wrdreg s23  }
0x13: {  	s20 =	sadd.s32 s4, s8;
	s24 =	sadd.s32 $0x100, s8;
	[dreg:$0x7] =	wrdreg s19  }
0x14: {  	s13 =	smul.u32 $0x13800, s14;
	[dreg:$0x8] =	wrdreg s20;
	s25 =	sadd.s32 s0, s24  }
0x15: {  	s26 =	sadd.s32 $0x200, s8;
	s10 =	sadd.s32 s4, s24;
	[dreg:$0xc] =	wrdreg s25  }
0x16: {  	s28 =	sadd.s32 $0x300, s8;
	s16 =	sadd.s32 s0, s26;
	[dreg:$0xd] =	wrdreg s10  }
0x17: {  	p0 =	seq.s32 s14, $0x0;
	s29 =	sadd.s32 s0, s28;
	[dreg:$0xe] =	wrdreg s16  }
0x18: {  	s8 =	sadd.s32 $0x400, s8;
	s31 =	sadd.s32 s4, s28;
	[dreg:$0x10] =	wrdreg s29  }
0x19: {  	p4 =	sne.s32 s14, $0xF;
	s0 =	sadd.s32 s0, s8;
	[dreg:$0x11] =	wrdreg s31  }
0x1a: {  	s6 =	smul.u32 $0x138800, s6;
	s12 =	sadd.s32 s4, s8;
	[dreg:$0x12] =	wrdreg s0  }
0x1b: {  	p3 =	sne.s32 @!p0 s14, $0xF;
	s19 =	sadd.s32 $0xB600, s5;
	[dreg:$0x13] =	wrdreg s12  }
0x1c: {  	p2 =	por p3, p0;
	s20 =	smax.u32 s7, $0x1;
	[dreg:$0x18] =	wrdreg s19  }
0x1d: {  	p3 =	por !p3, p0;
	s24 =	sadd.s32 $0x1400, s3;
	[dreg:$0x19] =	wrdreg s20  }
0x1e: {  	s9 =	sadd.s32 s13, s6;
	s28 =	sadd.s32 $0x2000, s3;
	[dreg:$0x1d] =	wrdreg s24  }
0x1f: {  	s17 =	sshrl.u32 s6, $0x3;
	s10 =	sadd.s32 s4, s26;
	[smem:$0x7FB] =	sst s28  }
0x20: {  	s13 =	sshrl.u32 s9, $0x3;
	s16 =	sadd.s32 $0xFA00, s15;
	[dreg:$0xf] =	wrdreg s10  }
0x21: {  	s7 =	simm.s32 $0x6000;
	s0 =	sadd.s32 s11, s13;
	[dreg:$0x14] =	wrdreg s16  }
0x22: {  	s8 =	simm.s32 $0x6;
	s25 =	sadd.s32 $0x1800, s3;
	[dreg:$0x15] =	wrdreg s0  }
0x23: {  	s26 =	sadd.s32 $0x1C00, s3;
	s29 =	sadd.s32 $0x2400, s3;
	[dreg:$0x1e] =	wrdreg s25  }
0x24: {  	s31 =	sadd.s32 $0x138000, s2;
	s12 =	simm.s32 $0x5;
	[dreg:$0x1f] =	wrdreg s26  }
0x25: {  	s13 =	simm.s32 $0x7;
	s4 =	simm.s32 $0x0;
	[smem:$0x7FC] =	sst s29  }
0x26: {  	s0 =	sadd.s32 s11, s17;
	[smem:$0x7FD] =	sst s31;
	s10 =	simm.s32 $0x2000  }
0x27: {  	s11 =	simm.s32 $0x8;
	s16 =	simm.s32 $0x7D;
	s0 =	sadd.s32 $0x27000, s0  }
0x28: {  	v0 =	vimm.f32 $0.0e+00;
	v1 =	vimm.f32 $1.000000000e+00;
	s17 =	simm.s32 $0xA000;
	[dreg:$0x17] =	wrdreg s0;
	s0 =	simm.s32 $0x800  }
.LBB2_1:
0x29: {  	s21 =	rddreg [dreg:$0x7]  }
0x2a: {  	[tilespmem:s30], [sflag:$0x1] =	stream.linear.gather [hbm4b:s21+s30], $0x800, $0x38;
	[tilespmem:$0x1DF80] =	vst v63  }
0x2b: {  	s31 =	rddreg [dreg:$0x8];
	s22 =	simm.s32 $0x200;
	s21 =	simm.s32 $0x0  }
0x2c: {  	[tilespmem:s0], [sflag:$0x2] =	stream.linear.gather [hbm4b:s31+s30], $0x800, $0x38;
	[tilespmem:$0x1DF80] =	vst v63  }
.LBB2_2:
0x2d: {  	p5 =	sne.s32 s22, $0xF800;
	[tilespmem:s21+$0x2070] =	vst v0  }
0x2e: {  	[tilespmem:s21+$0x2000] =	vst v0  }
0x2f: {  	[tilespmem:s21+$0x2010] =	vst v0  }
.Ltmp0:
0x30: {  	[tilespmem:s21+$0x2020] =	vst v0;
	(pc) =	sbr.rel @p5 .LBB2_2-.Ltmp0, $4  }
0x31: {  	[tilespmem:s21+$0x2030] =	vst v0  }
0x32: {  	[tilespmem:s21+$0x2040] =	vst v0  }
0x33: {  	[tilespmem:s21+$0x2050] =	vst v0  }
0x34: {  	[tilespmem:s21+$0x2060] =	vst v0;
	s21 =	sshra.s32 s22, $0x2;
	s22 =	sadd.s32 $0x200, s22  }
0x35: {  	[tilespmem:s21+$0x2070] =	vst v0  }
0x36: {  	[tilespmem:s21+$0x2000] =	vst v0  }
0x37: {  	[tilespmem:s21+$0x2010] =	vst v0  }
0x38: {  	[tilespmem:s21+$0x2020] =	vst v0  }
0x39: {  	[tilespmem:s21+$0x2030] =	vst v0  }
0x3a: {  	[tilespmem:s21+$0x2040] =	vst v0  }
0x3b: {  	[tilespmem:s21+$0x2050] =	vst v0  }
0x3c: {  	[smem:$0x7FA] =	sst s4;
	[tilespmem:s21+$0x2060] =	vst v0;
	s21 =	simm.s32 $0x40;
	s22 =	simm.s32 $0x0  }
.LBB2_4:
0x3d: {  	p5 =	sne.s32 s21, $0xFC0;
	[tilespmem:s22+$0xA080] =	vst v0;
	s22 =	smov.u32 s21;
	s21 =	sadd.s32 $0x40, s21  }
.Ltmp1:
0x3e: {  	(pc) =	sbr.rel @p5 .LBB2_4-.Ltmp1, $2  }
0x3f: {  	_ =	sdelay $0x2  }
0x40: {  	s22 =	sshra.s32 s22, $0x2  }
0x41: {  	[tilespmem:s22+$0xA080] =	vst v0  }
0x42: {  	[tilespmem:$0xA000] =	vst v1  }
0x43: {  	[tilespmem:$0xA010] =	vst v1  }
0x44: {  	[tilespmem:$0xA020] =	vst v1  }
0x45: {  	[tilespmem:$0xA030] =	vst v1  }
0x46: {  	[tilespmem:$0xA040] =	vst v1  }
0x47: {  	[tilespmem:$0xA050] =	vst v1  }
0x48: {  	[tilespmem:$0xA060] =	vst v1  }
0x49: {  	s4 =	rddreg [dreg:$0x6];
	[tilespmem:$0xA070] =	vst v1  }
0x4a: {  	[spmem:s4] =	stream.linear.scatter [tilespmem:s10], [sflag:$0x8], $0x3E80, $0x38;
	[tilespmem:$0x1DF80] =	vst v63  }
0x4b: {  	_ =	swait.ge [sflag:s11], $0x3E80  }
0x4c: {  	[sflag:s11] =	ssyncset.done $0x0  }
0x4d: {  	s21 =	rddreg [dreg:$0x9];
	[sflag:s11] =	ssyncadd.s32 $0xFFFFC180  }
0x4e: {  	[spmem:s21] =	stream.linear.scatter [tilespmem:s10], [sflag:$0x8], $0x3E80, $0x38;
	[tilespmem:$0x1DF80] =	vst v63  }
0x4f: {  	_ =	swait.ge [sflag:s11], $0x3E80  }
0x50: {  	[sflag:s11] =	ssyncset.done $0x0  }
0x51: {  	s14 =	rddreg [dreg:$0xa];
	[sflag:s11] =	ssyncadd.s32 $0xFFFFC180  }
0x52: {  	[spmem:s14] =	stream.linear.scatter [tilespmem:s10], [sflag:$0x8], $0x3E80, $0x38;
	[tilespmem:$0x1DF80] =	vst v63  }
0x53: {  	_ =	swait.ge [sflag:s11], $0x3E80  }
0x54: {  	[sflag:s11] =	ssyncset.done $0x0  }
0x55: {  	s15 =	rddreg [dreg:$0xb];
	[sflag:s11] =	ssyncadd.s32 $0xFFFFC180  }
0x56: {  	[spmem:s15] =	stream.linear.scatter [tilespmem:s10], [sflag:$0x8], $0x3E80, $0x38;
	[tilespmem:$0x1DF80] =	vst v63  }
0x57: {  	_ =	swait.ge [sflag:s11], $0x3E80  }
0x58: {  	[sflag:s11] =	ssyncset.done $0x0  }
0x59: {  	s18 =	rddreg [dreg:$0x14];
	[sflag:s11] =	ssyncadd.s32 $0xFFFFC180  }
0x5a: {  	[spmem:s18] =	stream.linear.scatter [tilespmem:s10], [sflag:$0x8], $0x3E00, $0x38;
	[tilespmem:$0x1DF80] =	vst v63  }
0x5b: {  	_ =	swait.ge [sflag:s11], $0x3E00  }
0x5c: {  	[sflag:s11] =	ssyncset.done $0x0  }
0x5d: {  	s22 =	simm.s32 @p0 $0x8;
	s21 =	simm.s32 @p0 $0xA080;
	[sflag:s11] =	ssyncadd.s32 $0xFFFFC200  }
0x5e: {  	[spmem:s3] =	stream.linear.scatter @p0 [tilespmem:s21], [sflag:$0x8], $0x400, $0x38;
	[tilespmem:$0x1DF80] =	vst v63  }
0x5f: {  	_ =	swait.ge @p0 [sflag:s22], $0x400  }
0x60: {  	[sflag:s22] =	ssyncset.done @p0 $0x0  }
0x61: {  	s24 =	rddreg [dreg:$0x16];
	[sflag:s22] =	ssyncadd.s32 @p0 $0xFFFFFC00  }
0x62: {  	[spmem:s24] =	stream.linear.scatter @p0 [tilespmem:s21], [sflag:$0x8], $0x400, $0x38;
	[tilespmem:$0x1DF80] =	vst v63  }
0x63: {  	_ =	swait.ge @p0 [sflag:s22], $0x400  }
0x64: {  	[sflag:s22] =	ssyncset.done @p0 $0x0  }
0x65: {  	s24 =	rddreg [dreg:$0x1a];
	[sflag:s22] =	ssyncadd.s32 @p0 $0xFFFFFC00  }
0x66: {  	[spmem:s24] =	stream.linear.scatter @p0 [tilespmem:s21], [sflag:$0x8], $0x400, $0x38;
	[tilespmem:$0x1DF80] =	vst v63  }
0x67: {  	_ =	swait.ge @p0 [sflag:s22], $0x400  }
0x68: {  	[sflag:s22] =	ssyncset.done @p0 $0x0  }
0x69: {  	s24 =	rddreg [dreg:$0x1b];
	[sflag:s22] =	ssyncadd.s32 @p0 $0xFFFFFC00  }
0x6a: {  	[spmem:s24] =	stream.linear.scatter @p0 [tilespmem:s21], [sflag:$0x8], $0x400, $0x38;
	[tilespmem:$0x1DF80] =	vst v63  }
0x6b: {  	_ =	swait.ge @p0 [sflag:s22], $0x400  }
0x6c: {  	[sflag:s22] =	ssyncset.done @p0 $0x0  }
0x6d: {  	s24 =	rddreg [dreg:$0x1c];
	[sflag:s22] =	ssyncadd.s32 @p0 $0xFFFFFC00  }
0x6e: {  	[spmem:s24] =	stream.linear.scatter @p0 [tilespmem:s21], [sflag:$0x8], $0x400, $0x38;
	[tilespmem:$0x1DF80] =	vst v63  }
0x6f: {  	_ =	swait.ge @p0 [sflag:s22], $0x400  }
0x70: {  	[sflag:s22] =	ssyncset.done @p0 $0x0  }
0x71: {  	s24 =	rddreg [dreg:$0x1d];
	[sflag:s22] =	ssyncadd.s32 @p0 $0xFFFFFC00  }
0x72: {  	[spmem:s24] =	stream.linear.scatter @p0 [tilespmem:s21], [sflag:$0x8], $0x400, $0x38;
	[tilespmem:$0x1DF80] =	vst v63  }
0x73: {  	_ =	swait.ge @p0 [sflag:s22], $0x400  }
0x74: {  	[sflag:s22] =	ssyncset.done @p0 $0x0  }
0x75: {  	s24 =	rddreg [dreg:$0x1e];
	[sflag:s22] =	ssyncadd.s32 @p0 $0xFFFFFC00  }
0x76: {  	[spmem:s24] =	stream.linear.scatter @p0 [tilespmem:s21], [sflag:$0x8], $0x400, $0x38;
	[tilespmem:$0x1DF80] =	vst v63  }
0x77: {  	_ =	swait.ge @p0 [sflag:s22], $0x400  }
0x78: {  	[sflag:s22] =	ssyncset.done @p0 $0x0  }
0x79: {  	s24 =	rddreg [dreg:$0x1f];
	[sflag:s22] =	ssyncadd.s32 @p0 $0xFFFFFC00  }
0x7a: {  	[spmem:s24] =	stream.linear.scatter @p0 [tilespmem:s21], [sflag:$0x8], $0x400, $0x38;
	[tilespmem:$0x1DF80] =	vst v63  }
0x7b: {  	_ =	swait.ge @p0 [sflag:s22], $0x400  }
0x7c: {  	s24 =	sld [smem:$0x7FB]  }
0x7d: {  	[sflag:s22] =	ssyncset.done @p0 $0x0  }
0x7e: {  	[sflag:s22] =	ssyncadd.s32 @p0 $0xFFFFFC00  }
0x7f: {  	[spmem:s24] =	stream.linear.scatter @p0 [tilespmem:s21], [sflag:$0x8], $0x400, $0x38;
	[tilespmem:$0x1DF80] =	vst v63  }
0x80: {  	_ =	swait.ge @p0 [sflag:s22], $0x400  }
0x81: {  	s24 =	sld [smem:$0x7FC]  }
0x82: {  	[sflag:s22] =	ssyncset.done @p0 $0x0  }
0x83: {  	[sflag:s22] =	ssyncadd.s32 @p0 $0xFFFFFC00  }
0x84: {  	[spmem:s24] =	stream.linear.scatter @p0 [tilespmem:s21], [sflag:$0x8], $0x400, $0x38;
	[tilespmem:$0x1DF80] =	vst v63  }
0x85: {  	_ =	swait.ge @p0 [sflag:s22], $0x400  }
0x86: {  	s4 =	sld [smem:$0x7FD]  }
0x87: {  	[sflag:s22] =	ssyncset.done @p0 $0x0  }
0x88: {  	s21 =	simm.s32 @!p2 $0x2000;
	[sflag:s22] =	ssyncadd.s32 @p0 $0xFFFFFC00  }
0x89: {  	[spmem:s4] =	stream.linear.scatter @!p2 [tilespmem:s21], [sflag:$0x8], $0x800, $0x38;
	[tilespmem:$0x1DF80] =	vst v63  }
0x8a: {  	s21 =	simm.s32 @!p2 $0x8  }
0x8b: {  	_ =	swait.ge @!p2 [sflag:s21], $0x800  }
0x8c: {  	[sflag:s21] =	ssyncset.done @!p2 $0x0  }
0x8d: {  	[sflag:s21] =	ssyncadd.s32 @!p2 $0xFFFFF800  }
0x8e: {  	[bflag:$0x0] =	sbarrier.arrive $0xFFFF  }
0x8f: {  	s20 =	simm.s32 $0x1000;
	s19 =	rddreg [dreg:$0xc]  }
0x90: {  	[tilespmem:s20], [sflag:$0x3] =	stream.linear.gather [hbm4b:s19+s30], $0x800, $0x38;
	[tilespmem:$0x1DF80] =	vst v63  }
0x91: {  	s23 =	simm.s32 $0x1800;
	s24 =	simm.s32 $0x1;
	s22 =	rddreg [dreg:$0xd]  }
0x92: {  	[tilespmem:s23], [sflag:$0x4] =	stream.linear.gather [hbm4b:s22+s30], $0x800, $0x38;
	[tilespmem:$0x1DF80] =	vst v63  }
0x93: {  	_ =	swait.ge [sflag:s24], $0x800  }
0x94: {  	[sflag:s24] =	ssyncset.done $0x0  }
0x95: {  	s25 =	simm.s32 $0x2;
	[sflag:s24] =	ssyncadd.s32 $0xFFFFF800  }
0x96: {  	_ =	swait.ge [sflag:s25], $0x800  }
0x97: {  	[sflag:s25] =	ssyncset.done $0x0  }
0x98: {  	[sflag:s25] =	ssyncadd.s32 $0xFFFFF800  }
0x99: {  	[tilespmem:s10], [sflag:$0x5] =	stream.indirect.gather [hbm4b:s1+s16], $0x80, s30, s16, $0xb8;
	[tilespmem:$0x1DF80] =	vst v63  }
0x9a: {  	_ = 	snop  }
0x9b: {  	[spmem:s3] =	stream.indirect.scatter.add.f32 [tilespmem:s17], [sflag:$0x7], $0x1, s0, s16, $0xb8;
	[tilespmem:$0x1DF80] =	vst v63  }
0x9c: {  	s26 =	simm.s32 $0x880  }
0x9d: {  	[spmem:s3] =	stream.indirect.scatter.add.f32 [tilespmem:s17], [sflag:$0x7], $0x1, s26, s16, $0xb8;
	[tilespmem:$0x1DF80] =	vst v63  }
0x9e: {  	s28 =	simm.s32 $0x900  }
0x9f: {  	[spmem:s3] =	stream.indirect.scatter.add.f32 [tilespmem:s17], [sflag:$0x7], $0x1, s28, s16, $0xb8;
	[tilespmem:$0x1DF80] =	vst v63  }
0xa0: {  	s31 =	simm.s32 $0x980  }
0xa1: {  	[spmem:s3] =	stream.indirect.scatter.add.f32 [tilespmem:s17], [sflag:$0x7], $0x1, s31, s16, $0xb8;
	[tilespmem:$0x1DF80] =	vst v63  }
0xa2: {  	s5 =	simm.s32 $0xA00  }
0xa3: {  	[spmem:s3] =	stream.indirect.scatter.add.f32 [tilespmem:s17], [sflag:$0x7], $0x1, s5, s16, $0xb8;
	[tilespmem:$0x1DF80] =	vst v63  }
0xa4: {  	s6 =	simm.s32 $0xA80  }
0xa5: {  	[spmem:s3] =	stream.indirect.scatter.add.f32 [tilespmem:s17], [sflag:$0x7], $0x1, s6, s16, $0xb8;
	[tilespmem:$0x1DF80] =	vst v63  }
0xa6: {  	s9 =	simm.s32 $0xB00  }
0xa7: {  	[spmem:s3] =	stream.indirect.scatter.add.f32 [tilespmem:s17], [sflag:$0x7], $0x1, s9, s16, $0xb8;
	[tilespmem:$0x1DF80] =	vst v63  }
0xa8: {  	s14 =	simm.s32 $0xB80  }
0xa9: {  	[spmem:s3] =	stream.indirect.scatter.add.f32 [tilespmem:s17], [sflag:$0x7], $0x1, s14, s16, $0xb8;
	[tilespmem:$0x1DF80] =	vst v63  }
0xaa: {  	s15 =	simm.s32 $0xC00  }
0xab: {  	[spmem:s3] =	stream.indirect.scatter.add.f32 [tilespmem:s17], [sflag:$0x7], $0x1, s15, s16, $0xb8;
	[tilespmem:$0x1DF80] =	vst v63  }
0xac: {  	s18 =	simm.s32 $0xC80  }
0xad: {  	[spmem:s3] =	stream.indirect.scatter.add.f32 [tilespmem:s17], [sflag:$0x7], $0x1, s18, s16, $0xb8;
	[tilespmem:$0x1DF80] =	vst v63  }
0xae: {  	s19 =	simm.s32 $0xD00  }
0xaf: {  	[spmem:s3] =	stream.indirect.scatter.add.f32 [tilespmem:s17], [sflag:$0x7], $0x1, s19, s16, $0xb8;
	[tilespmem:$0x1DF80] =	vst v63  }
0xb0: {  	s20 =	simm.s32 $0xD80  }
0xb1: {  	[spmem:s3] =	stream.indirect.scatter.add.f32 [tilespmem:s17], [sflag:$0x7], $0x1, s20, s16, $0xb8;
	[tilespmem:$0x1DF80] =	vst v63  }
0xb2: {  	s31 =	simm.s32 $0xE00  }
0xb3: {  	[spmem:s3] =	stream.indirect.scatter.add.f32 [tilespmem:s17], [sflag:$0x7], $0x1, s31, s16, $0xb8;
	[tilespmem:$0x1DF80] =	vst v63  }
0xb4: {  	s5 =	simm.s32 $0xE80  }
0xb5: {  	[spmem:s3] =	stream.indirect.scatter.add.f32 [tilespmem:s17], [sflag:$0x7], $0x1, s5, s16, $0xb8;
	[tilespmem:$0x1DF80] =	vst v63  }
0xb6: {  	s6 =	simm.s32 $0xF00  }
0xb7: {  	[spmem:s3] =	stream.indirect.scatter.add.f32 [tilespmem:s17], [sflag:$0x7], $0x1, s6, s16, $0xb8;
	[tilespmem:$0x1DF80] =	vst v63  }
0xb8: {  	s15 =	simm.s32 $0xF80  }
0xb9: {  	[spmem:s3] =	stream.indirect.scatter.add.f32 [tilespmem:s17], [sflag:$0x7], $0x1, s15, s16, $0xb8;
	[tilespmem:$0x1DF80] =	vst v63  }
0xba: {  	s20 =	simm.s32 $0x80  }
0xbb: {  	[tilespmem:s7], [sflag:$0x6] =	stream.indirect.gather [hbm4b:s1+s16], $0x80, s20, s16, $0xb8;
	[tilespmem:$0x1DF80] =	vst v63  }
0xbc: {  	_ =	swait.ge [sflag:s12], $0x3E80  }
0xbd: {  	[sflag:s12] =	ssyncset.done $0x0  }
0xbe: {  	s31 =	simm.s32 $0x800;
	[sflag:s12] =	ssyncadd.s32 $0xFFFFC180  }
0xbf: {  	[spmem:s2] =	stream.indirect.scatter.add.f32 [tilespmem:s10], [sflag:$0x8], $0x80, s31, s16, $0xb8;
	[tilespmem:$0x1DF80] =	vst v63  }
0xc0: {  	_ =	swait.ge [sflag:s11], $0x3E80  }
0xc1: {  	[sflag:s11] =	ssyncset.done $0x0  }
0xc2: {  	s15 =	simm.s32 $0x100;
	[sflag:s11] =	ssyncadd.s32 $0xFFFFC180  }
0xc3: {  	[tilespmem:s10], [sflag:$0x5] =	stream.indirect.gather [hbm4b:s1+s16], $0x80, s15, s16, $0xb8;
	[tilespmem:$0x1DF80] =	vst v63  }
0xc4: {  	_ =	swait.ge [sflag:s8], $0x3E80  }
0xc5: {  	[sflag:s8] =	ssyncset.done $0x0  }
0xc6: {  	s29 =	simm.s32 $0x880;
	[sflag:s8] =	ssyncadd.s32 $0xFFFFC180  }
0xc7: {  	[spmem:s2] =	stream.indirect.scatter.add.f32 [tilespmem:s7], [sflag:$0x8], $0x80, s29, s16, $0xb8;
	[tilespmem:$0x1DF80] =	vst v63  }
0xc8: {  	_ =	swait.ge [sflag:s11], $0x3E80  }
0xc9: {  	[sflag:s11] =	ssyncset.done $0x0  }
0xca: {  	s20 =	simm.s32 $0x180;
	[sflag:s11] =	ssyncadd.s32 $0xFFFFC180  }
0xcb: {  	[tilespmem:s7], [sflag:$0x6] =	stream.indirect.gather [hbm4b:s1+s16], $0x80, s20, s16, $0xb8;
	[tilespmem:$0x1DF80] =	vst v63  }
0xcc: {  	_ =	swait.ge [sflag:s12], $0x3E80  }
0xcd: {  	[sflag:s12] =	ssyncset.done $0x0  }
0xce: {  	s4 =	simm.s32 $0x900;
	[sflag:s12] =	ssyncadd.s32 $0xFFFFC180  }
0xcf: {  	[spmem:s2] =	stream.indirect.scatter.add.f32 [tilespmem:s10], [sflag:$0x8], $0x80, s4, s16, $0xb8;
	[tilespmem:$0x1DF80] =	vst v63  }
0xd0: {  	_ =	swait.ge [sflag:s11], $0x3E80  }
0xd1: {  	[sflag:s11] =	ssyncset.done $0x0  }
0xd2: {  	s29 =	simm.s32 $0x200;
	[sflag:s11] =	ssyncadd.s32 $0xFFFFC180  }
0xd3: {  	[tilespmem:s10], [sflag:$0x5] =	stream.indirect.gather [hbm4b:s1+s16], $0x80, s29, s16, $0xb8;
	[tilespmem:$0x1DF80] =	vst v63  }
0xd4: {  	_ =	swait.ge [sflag:s8], $0x3E80  }
0xd5: {  	[sflag:s8] =	ssyncset.done $0x0  }
0xd6: {  	s28 =	simm.s32 $0x980;
	[sflag:s8] =	ssyncadd.s32 $0xFFFFC180  }
0xd7: {  	[spmem:s2] =	stream.indirect.scatter.add.f32 [tilespmem:s7], [sflag:$0x8], $0x80, s28, s16, $0xb8;
	[tilespmem:$0x1DF80] =	vst v63  }
0xd8: {  	_ =	swait.ge [sflag:s11], $0x3E80  }
0xd9: {  	[sflag:s11] =	ssyncset.done $0x0  }
0xda: {  	s31 =	simm.s32 $0x280;
	[sflag:s11] =	ssyncadd.s32 $0xFFFFC180  }
0xdb: {  	[tilespmem:s7], [sflag:$0x6] =	stream.indirect.gather [hbm4b:s1+s16], $0x80, s31, s16, $0xb8;
	[tilespmem:$0x1DF80] =	vst v63  }
0xdc: {  	_ =	swait.ge [sflag:s12], $0x3E80  }
0xdd: {  	[sflag:s12] =	ssyncset.done $0x0  }
0xde: {  	s25 =	simm.s32 $0xA00;
	[sflag:s12] =	ssyncadd.s32 $0xFFFFC180  }
0xdf: {  	[spmem:s2] =	stream.indirect.scatter.add.f32 [tilespmem:s10], [sflag:$0x8], $0x80, s25, s16, $0xb8;
	[tilespmem:$0x1DF80] =	vst v63  }
0xe0: {  	_ =	swait.ge [sflag:s11], $0x3E80  }
0xe1: {  	[sflag:s11] =	ssyncset.done $0x0  }
0xe2: {  	s4 =	simm.s32 $0x300;
	[sflag:s11] =	ssyncadd.s32 $0xFFFFC180  }
0xe3: {  	[tilespmem:s10], [sflag:$0x5] =	stream.indirect.gather [hbm4b:s1+s16], $0x80, s4, s16, $0xb8;
	[tilespmem:$0x1DF80] =	vst v63  }
0xe4: {  	_ =	swait.ge [sflag:s8], $0x3E80  }
0xe5: {  	[sflag:s8] =	ssyncset.done $0x0  }
0xe6: {  	s26 =	simm.s32 $0xA80;
	[sflag:s8] =	ssyncadd.s32 $0xFFFFC180  }
0xe7: {  	[spmem:s2] =	stream.indirect.scatter.add.f32 [tilespmem:s7], [sflag:$0x8], $0x80, s26, s16, $0xb8;
	[tilespmem:$0x1DF80] =	vst v63  }
0xe8: {  	_ =	swait.ge [sflag:s11], $0x3E80  }
0xe9: {  	[sflag:s11] =	ssyncset.done $0x0  }
0xea: {  	s15 =	simm.s32 $0x380;
	[sflag:s11] =	ssyncadd.s32 $0xFFFFC180  }
0xeb: {  	[tilespmem:s7], [sflag:$0x6] =	stream.indirect.gather [hbm4b:s1+s16], $0x80, s15, s16, $0xb8;
	[tilespmem:$0x1DF80] =	vst v63  }
0xec: {  	_ =	swait.ge [sflag:s12], $0x3E80  }
0xed: {  	[sflag:s12] =	ssyncset.done $0x0  }
0xee: {  	s24 =	simm.s32 $0xB00;
	[sflag:s12] =	ssyncadd.s32 $0xFFFFC180  }
0xef: {  	[spmem:s2] =	stream.indirect.scatter.add.f32 [tilespmem:s10], [sflag:$0x8], $0x80, s24, s16, $0xb8;
	[tilespmem:$0x1DF80] =	vst v63  }
0xf0: {  	_ =	swait.ge [sflag:s11], $0x3E80  }
0xf1: {  	[sflag:s11] =	ssyncset.done $0x0  }
0xf2: {  	s20 =	simm.s32 $0x400;
	[sflag:s11] =	ssyncadd.s32 $0xFFFFC180  }
0xf3: {  	[tilespmem:s10], [sflag:$0x5] =	stream.indirect.gather [hbm4b:s1+s16], $0x80, s20, s16, $0xb8;
	[tilespmem:$0x1DF80] =	vst v63  }
0xf4: {  	_ =	swait.ge [sflag:s8], $0x3E80  }
0xf5: {  	[sflag:s8] =	ssyncset.done $0x0  }
0xf6: {  	s23 =	simm.s32 $0xB80;
	[sflag:s8] =	ssyncadd.s32 $0xFFFFC180  }
0xf7: {  	[spmem:s2] =	stream.indirect.scatter.add.f32 [tilespmem:s7], [sflag:$0x8], $0x80, s23, s16, $0xb8;
	[tilespmem:$0x1DF80] =	vst v63  }
0xf8: {  	_ =	swait.ge [sflag:s11], $0x3E80  }
0xf9: {  	[sflag:s11] =	ssyncset.done $0x0  }
0xfa: {  	s23 =	simm.s32 $0x480;
	[sflag:s11] =	ssyncadd.s32 $0xFFFFC180  }
0xfb: {  	[tilespmem:s7], [sflag:$0x6] =	stream.indirect.gather [hbm4b:s1+s16], $0x80, s23, s16, $0xb8;
	[tilespmem:$0x1DF80] =	vst v63  }
0xfc: {  	_ =	swait.ge [sflag:s12], $0x3E80  }
0xfd: {  	[sflag:s12] =	ssyncset.done $0x0  }
0xfe: {  	s22 =	simm.s32 $0xC00;
	[sflag:s12] =	ssyncadd.s32 $0xFFFFC180  }
0xff: {  	[spmem:s2] =	stream.indirect.scatter.add.f32 [tilespmem:s10], [sflag:$0x8], $0x80, s22, s16, $0xb8;
	[tilespmem:$0x1DF80] =	vst v63  }
0x100: {  	_ =	swait.ge [sflag:s11], $0x3E80  }
0x101: {  	[sflag:s11] =	ssyncset.done $0x0  }
0x102: {  	s24 =	simm.s32 $0x500;
	[sflag:s11] =	ssyncadd.s32 $0xFFFFC180  }
0x103: {  	[tilespmem:s10], [sflag:$0x5] =	stream.indirect.gather [hbm4b:s1+s16], $0x80, s24, s16, $0xb8;
	[tilespmem:$0x1DF80] =	vst v63  }
0x104: {  	_ =	swait.ge [sflag:s8], $0x3E80  }
0x105: {  	[sflag:s8] =	ssyncset.done $0x0  }
0x106: {  	s21 =	simm.s32 $0xC80;
	[sflag:s8] =	ssyncadd.s32 $0xFFFFC180  }
0x107: {  	[spmem:s2] =	stream.indirect.scatter.add.f32 [tilespmem:s7], [sflag:$0x8], $0x80, s21, s16, $0xb8;
	[tilespmem:$0x1DF80] =	vst v63  }
0x108: {  	_ =	swait.ge [sflag:s11], $0x3E80  }
0x109: {  	[sflag:s11] =	ssyncset.done $0x0  }
0x10a: {  	s25 =	simm.s32 $0x580;
	[sflag:s11] =	ssyncadd.s32 $0xFFFFC180  }
0x10b: {  	[tilespmem:s7], [sflag:$0x6] =	stream.indirect.gather [hbm4b:s1+s16], $0x80, s25, s16, $0xb8;
	[tilespmem:$0x1DF80] =	vst v63  }
0x10c: {  	_ =	swait.ge [sflag:s12], $0x3E80  }
0x10d: {  	[sflag:s12] =	ssyncset.done $0x0  }
0x10e: {  	s19 =	simm.s32 $0xD00;
	[sflag:s12] =	ssyncadd.s32 $0xFFFFC180  }
0x10f: {  	[spmem:s2] =	stream.indirect.scatter.add.f32 [tilespmem:s10], [sflag:$0x8], $0x80, s19, s16, $0xb8;
	[tilespmem:$0x1DF80] =	vst v63  }
0x110: {  	_ =	swait.ge [sflag:s11], $0x3E80  }
0x111: {  	[sflag:s11] =	ssyncset.done $0x0  }
0x112: {  	s26 =	simm.s32 $0x600;
	[sflag:s11] =	ssyncadd.s32 $0xFFFFC180  }
0x113: {  	[tilespmem:s10], [sflag:$0x5] =	stream.indirect.gather [hbm4b:s1+s16], $0x80, s26, s16, $0xb8;
	[tilespmem:$0x1DF80] =	vst v63  }
0x114: {  	_ =	swait.ge [sflag:s8], $0x3E80  }
0x115: {  	[sflag:s8] =	ssyncset.done $0x0  }
0x116: {  	s18 =	simm.s32 $0xD80;
	[sflag:s8] =	ssyncadd.s32 $0xFFFFC180  }
0x117: {  	[spmem:s2] =	stream.indirect.scatter.add.f32 [tilespmem:s7], [sflag:$0x8], $0x80, s18, s16, $0xb8;
	[tilespmem:$0x1DF80] =	vst v63  }
0x118: {  	_ =	swait.ge [sflag:s11], $0x3E80  }
0x119: {  	[sflag:s11] =	ssyncset.done $0x0  }
0x11a: {  	s28 =	simm.s32 $0x680;
	[sflag:s11] =	ssyncadd.s32 $0xFFFFC180  }
0x11b: {  	[tilespmem:s7], [sflag:$0x6] =	stream.indirect.gather [hbm4b:s1+s16], $0x80, s28, s16, $0xb8;
	[tilespmem:$0x1DF80] =	vst v63  }
0x11c: {  	_ =	swait.ge [sflag:s12], $0x3E80  }
0x11d: {  	[sflag:s12] =	ssyncset.done $0x0  }
0x11e: {  	s14 =	simm.s32 $0xE00;
	[sflag:s12] =	ssyncadd.s32 $0xFFFFC180  }
0x11f: {  	[spmem:s2] =	stream.indirect.scatter.add.f32 [tilespmem:s10], [sflag:$0x8], $0x80, s14, s16, $0xb8;
	[tilespmem:$0x1DF80] =	vst v63  }
0x120: {  	_ =	swait.ge [sflag:s11], $0x3E80  }
0x121: {  	[sflag:s11] =	ssyncset.done $0x0  }
0x122: {  	s29 =	simm.s32 $0x700;
	[sflag:s11] =	ssyncadd.s32 $0xFFFFC180  }
0x123: {  	[tilespmem:s10], [sflag:$0x5] =	stream.indirect.gather [hbm4b:s1+s16], $0x80, s29, s16, $0xb8;
	[tilespmem:$0x1DF80] =	vst v63  }
0x124: {  	_ =	swait.ge [sflag:s8], $0x3E80  }
0x125: {  	[sflag:s8] =	ssyncset.done $0x0  }
0x126: {  	s9 =	simm.s32 $0xE80;
	[sflag:s8] =	ssyncadd.s32 $0xFFFFC180  }
0x127: {  	[spmem:s2] =	stream.indirect.scatter.add.f32 [tilespmem:s7], [sflag:$0x8], $0x80, s9, s16, $0xb8;
	[tilespmem:$0x1DF80] =	vst v63  }
0x128: {  	_ =	swait.ge [sflag:s11], $0x3E80  }
0x129: {  	[sflag:s11] =	ssyncset.done $0x0  }
0x12a: {  	s31 =	simm.s32 $0x780;
	[sflag:s11] =	ssyncadd.s32 $0xFFFFC180  }
0x12b: {  	[tilespmem:s7], [sflag:$0x6] =	stream.indirect.gather [hbm4b:s1+s16], $0x80, s31, s16, $0xb8;
	[tilespmem:$0x1DF80] =	vst v63  }
0x12c: {  	_ =	swait.ge [sflag:s12], $0x3E80  }
0x12d: {  	[sflag:s12] =	ssyncset.done $0x0  }
0x12e: {  	s6 =	simm.s32 $0xF00;
	[sflag:s12] =	ssyncadd.s32 $0xFFFFC180  }
0x12f: {  	[spmem:s2] =	stream.indirect.scatter.add.f32 [tilespmem:s10], [sflag:$0x8], $0x80, s6, s16, $0xb8;
	[tilespmem:$0x1DF80] =	vst v63  }
0x130: {  	_ =	swait.ge [sflag:s11], $0x3E80  }
0x131: {  	[sflag:s11] =	ssyncset.done $0x0  }
0x132: {  	[sflag:s11] =	ssyncadd.s32 $0xFFFFC180  }
0x133: {  	[tilespmem:s10], [sflag:$0x5] =	stream.indirect.gather [hbm4b:s1+s16], $0x80, s31, s16, $0xb8;
	[tilespmem:$0x1DF80] =	vst v63  }
0x134: {  	_ =	swait.ge [sflag:s8], $0x3E80  }
0x135: {  	[sflag:s8] =	ssyncset.done $0x0  }
0x136: {  	s5 =	simm.s32 $0xF80;
	[sflag:s8] =	ssyncadd.s32 $0xFFFFC180  }
0x137: {  	[spmem:s2] =	stream.indirect.scatter.add.f32 [tilespmem:s7], [sflag:$0x8], $0x80, s5, s16, $0xb8;
	[tilespmem:$0x1DF80] =	vst v63  }
0x138: {  	_ =	swait.ge [sflag:s11], $0x3E80  }
0x139: {  	[sflag:s11] =	ssyncset.done $0x0  }
0x13a: {  	[sflag:s11] =	ssyncadd.s32 $0xFFFFC180  }
0x13b: {  	_ =	swait.ge [sflag:s12], $0x3E80  }
0x13c: {  	[sflag:s12] =	ssyncset.done $0x0  }
0x13d: {  	[sflag:s12] =	ssyncadd.s32 $0xFFFFC180  }
0x13e: {  	_ =	swait.ge [sflag:s13], $0x7D  }
0x13f: {  	[sflag:s13] =	ssyncset.done $0x0  }
0x140: {  	[sflag:s13] =	ssyncadd.s32 $0xFFFFFF83  }
0x141: {  	_ =	swait.ge [sflag:s13], $0x7D  }
0x142: {  	[sflag:s13] =	ssyncset.done $0x0  }
0x143: {  	[sflag:s13] =	ssyncadd.s32 $0xFFFFFF83  }
0x144: {  	_ =	swait.ge [sflag:s13], $0x7D  }
0x145: {  	[sflag:s13] =	ssyncset.done $0x0  }
0x146: {  	[sflag:s13] =	ssyncadd.s32 $0xFFFFFF83  }
0x147: {  	_ =	swait.ge [sflag:s13], $0x7D  }
0x148: {  	[sflag:s13] =	ssyncset.done $0x0  }
0x149: {  	[sflag:s13] =	ssyncadd.s32 $0xFFFFFF83  }
0x14a: {  	_ =	swait.ge [sflag:s13], $0x7D  }
0x14b: {  	[sflag:s13] =	ssyncset.done $0x0  }
0x14c: {  	[sflag:s13] =	ssyncadd.s32 $0xFFFFFF83  }
0x14d: {  	_ =	swait.ge [sflag:s13], $0x7D  }
0x14e: {  	[sflag:s13] =	ssyncset.done $0x0  }
0x14f: {  	[sflag:s13] =	ssyncadd.s32 $0xFFFFFF83  }
0x150: {  	_ =	swait.ge [sflag:s13], $0x7D  }
0x151: {  	[sflag:s13] =	ssyncset.done $0x0  }
0x152: {  	[sflag:s13] =	ssyncadd.s32 $0xFFFFFF83  }
0x153: {  	_ =	swait.ge [sflag:s13], $0x7D  }
0x154: {  	[sflag:s13] =	ssyncset.done $0x0  }
0x155: {  	[sflag:s13] =	ssyncadd.s32 $0xFFFFFF83  }
0x156: {  	_ =	swait.ge [sflag:s13], $0x7D  }
0x157: {  	[sflag:s13] =	ssyncset.done $0x0  }
0x158: {  	[sflag:s13] =	ssyncadd.s32 $0xFFFFFF83  }
0x159: {  	_ =	swait.ge [sflag:s13], $0x7D  }
0x15a: {  	[sflag:s13] =	ssyncset.done $0x0  }
0x15b: {  	[sflag:s13] =	ssyncadd.s32 $0xFFFFFF83  }
0x15c: {  	_ =	swait.ge [sflag:s13], $0x7D  }
0x15d: {  	[sflag:s13] =	ssyncset.done $0x0  }
0x15e: {  	[sflag:s13] =	ssyncadd.s32 $0xFFFFFF83  }
0x15f: {  	_ =	swait.ge [sflag:s13], $0x7D  }
0x160: {  	[sflag:s13] =	ssyncset.done $0x0  }
0x161: {  	[sflag:s13] =	ssyncadd.s32 $0xFFFFFF83  }
0x162: {  	_ =	swait.ge [sflag:s13], $0x7D  }
0x163: {  	[sflag:s13] =	ssyncset.done $0x0  }
0x164: {  	[sflag:s13] =	ssyncadd.s32 $0xFFFFFF83  }
0x165: {  	_ =	swait.ge [sflag:s13], $0x7D  }
0x166: {  	[sflag:s13] =	ssyncset.done $0x0  }
0x167: {  	[sflag:s13] =	ssyncadd.s32 $0xFFFFFF83  }
0x168: {  	_ =	swait.ge [sflag:s13], $0x7D  }
0x169: {  	[sflag:s13] =	ssyncset.done $0x0  }
0x16a: {  	[sflag:s13] =	ssyncadd.s32 $0xFFFFFF83  }
0x16b: {  	_ =	swait.ge [sflag:s13], $0x7D  }
0x16c: {  	s4 =	simm.s32 $0x0;
	[sflag:s13] =	ssyncset.done $0x0  }
0x16d: {  	s23 =	simm.s32 $0x3;
	s0 =	rddreg [dreg:$0xe];
	[sflag:s13] =	ssyncadd.s32 $0xFFFFFF83  }
0x16e: {  	[tilespmem:s4], [sflag:$0x1] =	stream.linear.gather [hbm4b:s0+s4], $0x800, $0x38;
	[tilespmem:$0x1DF80] =	vst v63  }
0x16f: {  	s9 =	simm.s32 $0x0;
	s6 =	simm.s32 $0x800;
	s5 =	rddreg [dreg:$0xf]  }
0x170: {  	[tilespmem:s6], [sflag:$0x2] =	stream.linear.gather [hbm4b:s5+s9], $0x800, $0x38;
	[tilespmem:$0x1DF80] =	vst v63  }
0x171: {  	_ =	swait.ge [sflag:s23], $0x800  }
0x172: {  	[sflag:s23] =	ssyncset.done $0x0  }
0x173: {  	s19 =	simm.s32 $0x4;
	[sflag:s23] =	ssyncadd.s32 $0xFFFFF800  }
0x174: {  	_ =	swait.ge [sflag:s19], $0x800  }
0x175: {  	[sflag:s19] =	ssyncset.done $0x0  }
0x176: {  	s20 =	simm.s32 $0x1000;
	[sflag:s19] =	ssyncadd.s32 $0xFFFFF800  }
0x177: {  	[tilespmem:s10], [sflag:$0x5] =	stream.indirect.gather [hbm4b:s1+s16], $0x80, s20, s16, $0xb8;
	[tilespmem:$0x1DF80] =	vst v63  }
0x178: {  	s0 =	simm.s32 $0x1800  }
0x179: {  	[spmem:s3] =	stream.indirect.scatter.add.f32 [tilespmem:s17], [sflag:$0x7], $0x1, s0, s16, $0xb8;
	[tilespmem:$0x1DF80] =	vst v63  }
0x17a: {  	s14 =	simm.s32 $0x1880  }
0x17b: {  	[spmem:s3] =	stream.indirect.scatter.add.f32 [tilespmem:s17], [sflag:$0x7], $0x1, s14, s16, $0xb8;
	[tilespmem:$0x1DF80] =	vst v63  }
0x17c: {  	s15 =	simm.s32 $0x1900  }
0x17d: {  	[spmem:s3] =	stream.indirect.scatter.add.f32 [tilespmem:s17], [sflag:$0x7], $0x1, s15, s16, $0xb8;
	[tilespmem:$0x1DF80] =	vst v63  }
0x17e: {  	s21 =	simm.s32 $0x1980  }
0x17f: {  	[spmem:s3] =	stream.indirect.scatter.add.f32 [tilespmem:s17], [sflag:$0x7], $0x1, s21, s16, $0xb8;
	[tilespmem:$0x1DF80] =	vst v63  }
0x180: {  	s24 =	simm.s32 $0x1A00  }
0x181: {  	[spmem:s3] =	stream.indirect.scatter.add.f32 [tilespmem:s17], [sflag:$0x7], $0x1, s24, s16, $0xb8;
	[tilespmem:$0x1DF80] =	vst v63  }
0x182: {  	s25 =	simm.s32 $0x1A80  }
0x183: {  	[spmem:s3] =	stream.indirect.scatter.add.f32 [tilespmem:s17], [sflag:$0x7], $0x1, s25, s16, $0xb8;
	[tilespmem:$0x1DF80] =	vst v63  }
0x184: {  	s26 =	simm.s32 $0x1B00  }
0x185: {  	[spmem:s3] =	stream.indirect.scatter.add.f32 [tilespmem:s17], [sflag:$0x7], $0x1, s26, s16, $0xb8;
	[tilespmem:$0x1DF80] =	vst v63  }
0x186: {  	s28 =	simm.s32 $0x1B80  }
0x187: {  	[spmem:s3] =	stream.indirect.scatter.add.f32 [tilespmem:s17], [sflag:$0x7], $0x1, s28, s16, $0xb8;
	[tilespmem:$0x1DF80] =	vst v63  }
0x188: {  	s29 =	simm.s32 $0x1C00  }
0x189: {  	[spmem:s3] =	stream.indirect.scatter.add.f32 [tilespmem:s17], [sflag:$0x7], $0x1, s29, s16, $0xb8;
	[tilespmem:$0x1DF80] =	vst v63  }
0x18a: {  	s15 =	simm.s32 $0x1C80  }
0x18b: {  	[spmem:s3] =	stream.indirect.scatter.add.f32 [tilespmem:s17], [sflag:$0x7], $0x1, s15, s16, $0xb8;
	[tilespmem:$0x1DF80] =	vst v63  }
0x18c: {  	s21 =	simm.s32 $0x1D00  }
0x18d: {  	[spmem:s3] =	stream.indirect.scatter.add.f32 [tilespmem:s17], [sflag:$0x7], $0x1, s21, s16, $0xb8;
	[tilespmem:$0x1DF80] =	vst v63  }
0x18e: {  	s24 =	simm.s32 $0x1D80  }
0x18f: {  	[spmem:s3] =	stream.indirect.scatter.add.f32 [tilespmem:s17], [sflag:$0x7], $0x1, s24, s16, $0xb8;
	[tilespmem:$0x1DF80] =	vst v63  }
0x190: {  	s25 =	simm.s32 $0x1E00  }
0x191: {  	[spmem:s3] =	stream.indirect.scatter.add.f32 [tilespmem:s17], [sflag:$0x7], $0x1, s25, s16, $0xb8;
	[tilespmem:$0x1DF80] =	vst v63  }
0x192: {  	s15 =	simm.s32 $0x1E80  }
0x193: {  	[spmem:s3] =	stream.indirect.scatter.add.f32 [tilespmem:s17], [sflag:$0x7], $0x1, s15, s16, $0xb8;
	[tilespmem:$0x1DF80] =	vst v63  }
0x194: {  	s21 =	simm.s32 $0x1F00  }
0x195: {  	[spmem:s3] =	stream.indirect.scatter.add.f32 [tilespmem:s17], [sflag:$0x7], $0x1, s21, s16, $0xb8;
	[tilespmem:$0x1DF80] =	vst v63  }
0x196: {  	s24 =	simm.s32 $0x1F80  }
0x197: {  	[spmem:s3] =	stream.indirect.scatter.add.f32 [tilespmem:s17], [sflag:$0x7], $0x1, s24, s16, $0xb8;
	[tilespmem:$0x1DF80] =	vst v63  }
0x198: {  	s24 =	simm.s32 $0x1080  }
0x199: {  	[tilespmem:s7], [sflag:$0x6] =	stream.indirect.gather [hbm4b:s1+s16], $0x80, s24, s16, $0xb8;
	[tilespmem:$0x1DF80] =	vst v63  }
0x19a: {  	_ =	swait.ge [sflag:s12], $0x3E80  }
0x19b: {  	[sflag:s12] =	ssyncset.done $0x0  }
0x19c: {  	[sflag:s12] =	ssyncadd.s32 $0xFFFFC180  }
0x19d: {  	[spmem:s2] =	stream.indirect.scatter.add.f32 [tilespmem:s10], [sflag:$0x8], $0x80, s0, s16, $0xb8;
	[tilespmem:$0x1DF80] =	vst v63  }
0x19e: {  	_ =	swait.ge [sflag:s11], $0x3E80  }
0x19f: {  	[sflag:s11] =	ssyncset.done $0x0  }
0x1a0: {  	s24 =	simm.s32 $0x1100;
	[sflag:s11] =	ssyncadd.s32 $0xFFFFC180  }
0x1a1: {  	[tilespmem:s10], [sflag:$0x5] =	stream.indirect.gather [hbm4b:s1+s16], $0x80, s24, s16, $0xb8;
	[tilespmem:$0x1DF80] =	vst v63  }
0x1a2: {  	_ =	swait.ge [sflag:s8], $0x3E80  }
0x1a3: {  	[sflag:s8] =	ssyncset.done $0x0  }
0x1a4: {  	s18 =	simm.s32 $0x1880;
	[sflag:s8] =	ssyncadd.s32 $0xFFFFC180  }
0x1a5: {  	[spmem:s2] =	stream.indirect.scatter.add.f32 [tilespmem:s7], [sflag:$0x8], $0x80, s18, s16, $0xb8;
	[tilespmem:$0x1DF80] =	vst v63  }
0x1a6: {  	_ =	swait.ge [sflag:s11], $0x3E80  }
0x1a7: {  	[sflag:s11] =	ssyncset.done $0x0  }
0x1a8: {  	s18 =	simm.s32 $0x1180;
	[sflag:s11] =	ssyncadd.s32 $0xFFFFC180  }
0x1a9: {  	[tilespmem:s7], [sflag:$0x6] =	stream.indirect.gather [hbm4b:s1+s16], $0x80, s18, s16, $0xb8;
	[tilespmem:$0x1DF80] =	vst v63  }
0x1aa: {  	_ =	swait.ge [sflag:s12], $0x3E80  }
0x1ab: {  	[sflag:s12] =	ssyncset.done $0x0  }
0x1ac: {  	s22 =	simm.s32 $0x1900;
	[sflag:s12] =	ssyncadd.s32 $0xFFFFC180  }
0x1ad: {  	[spmem:s2] =	stream.indirect.scatter.add.f32 [tilespmem:s10], [sflag:$0x8], $0x80, s22, s16, $0xb8;
	[tilespmem:$0x1DF80] =	vst v63  }
0x1ae: {  	_ =	swait.ge [sflag:s11], $0x3E80  }
0x1af: {  	[sflag:s11] =	ssyncset.done $0x0  }
0x1b0: {  	s22 =	simm.s32 $0x1200;
	[sflag:s11] =	ssyncadd.s32 $0xFFFFC180  }
0x1b1: {  	[tilespmem:s10], [sflag:$0x5] =	stream.indirect.gather [hbm4b:s1+s16], $0x80, s22, s16, $0xb8;
	[tilespmem:$0x1DF80] =	vst v63  }
0x1b2: {  	_ =	swait.ge [sflag:s8], $0x3E80  }
0x1b3: {  	[sflag:s8] =	ssyncset.done $0x0  }
0x1b4: {  	s6 =	simm.s32 $0x1980;
	[sflag:s8] =	ssyncadd.s32 $0xFFFFC180  }
0x1b5: {  	[spmem:s2] =	stream.indirect.scatter.add.f32 [tilespmem:s7], [sflag:$0x8], $0x80, s6, s16, $0xb8;
	[tilespmem:$0x1DF80] =	vst v63  }
0x1b6: {  	_ =	swait.ge [sflag:s11], $0x3E80  }
0x1b7: {  	[sflag:s11] =	ssyncset.done $0x0  }
0x1b8: {  	s24 =	simm.s32 $0x1280;
	[sflag:s11] =	ssyncadd.s32 $0xFFFFC180  }
0x1b9: {  	[tilespmem:s7], [sflag:$0x6] =	stream.indirect.gather [hbm4b:s1+s16], $0x80, s24, s16, $0xb8;
	[tilespmem:$0x1DF80] =	vst v63  }
0x1ba: {  	_ =	swait.ge [sflag:s12], $0x3E80  }
0x1bb: {  	[sflag:s12] =	ssyncset.done $0x0  }
0x1bc: {  	s9 =	simm.s32 $0x1A00;
	[sflag:s12] =	ssyncadd.s32 $0xFFFFC180  }
0x1bd: {  	[spmem:s2] =	stream.indirect.scatter.add.f32 [tilespmem:s10], [sflag:$0x8], $0x80, s9, s16, $0xb8;
	[tilespmem:$0x1DF80] =	vst v63  }
0x1be: {  	_ =	swait.ge [sflag:s11], $0x3E80  }
0x1bf: {  	[sflag:s11] =	ssyncset.done $0x0  }
0x1c0: {  	s6 =	simm.s32 $0x1300;
	[sflag:s11] =	ssyncadd.s32 $0xFFFFC180  }
0x1c1: {  	[tilespmem:s10], [sflag:$0x5] =	stream.indirect.gather [hbm4b:s1+s16], $0x80, s6, s16, $0xb8;
	[tilespmem:$0x1DF80] =	vst v63  }
0x1c2: {  	_ =	swait.ge [sflag:s8], $0x3E80  }
0x1c3: {  	[sflag:s8] =	ssyncset.done $0x0  }
0x1c4: {  	s4 =	simm.s32 $0x1A80;
	[sflag:s8] =	ssyncadd.s32 $0xFFFFC180  }
0x1c5: {  	[spmem:s2] =	stream.indirect.scatter.add.f32 [tilespmem:s7], [sflag:$0x8], $0x80, s4, s16, $0xb8;
	[tilespmem:$0x1DF80] =	vst v63  }
0x1c6: {  	_ =	swait.ge [sflag:s11], $0x3E80  }
0x1c7: {  	[sflag:s11] =	ssyncset.done $0x0  }
0x1c8: {  	s9 =	simm.s32 $0x1380;
	[sflag:s11] =	ssyncadd.s32 $0xFFFFC180  }
0x1c9: {  	[tilespmem:s7], [sflag:$0x6] =	stream.indirect.gather [hbm4b:s1+s16], $0x80, s9, s16, $0xb8;
	[tilespmem:$0x1DF80] =	vst v63  }
0x1ca: {  	_ =	swait.ge [sflag:s12], $0x3E80  }
0x1cb: {  	[sflag:s12] =	ssyncset.done $0x0  }
0x1cc: {  	s14 =	simm.s32 $0x1B00;
	[sflag:s12] =	ssyncadd.s32 $0xFFFFC180  }
0x1cd: {  	[spmem:s2] =	stream.indirect.scatter.add.f32 [tilespmem:s10], [sflag:$0x8], $0x80, s14, s16, $0xb8;
	[tilespmem:$0x1DF80] =	vst v63  }
0x1ce: {  	_ =	swait.ge [sflag:s11], $0x3E80  }
0x1cf: {  	[sflag:s11] =	ssyncset.done $0x0  }
0x1d0: {  	s14 =	simm.s32 $0x1400;
	[sflag:s11] =	ssyncadd.s32 $0xFFFFC180  }
0x1d1: {  	[tilespmem:s10], [sflag:$0x5] =	stream.indirect.gather [hbm4b:s1+s16], $0x80, s14, s16, $0xb8;
	[tilespmem:$0x1DF80] =	vst v63  }
0x1d2: {  	_ =	swait.ge [sflag:s8], $0x3E80  }
0x1d3: {  	[sflag:s8] =	ssyncset.done $0x0  }
0x1d4: {  	s31 =	simm.s32 $0x1B80;
	[sflag:s8] =	ssyncadd.s32 $0xFFFFC180  }
0x1d5: {  	[spmem:s2] =	stream.indirect.scatter.add.f32 [tilespmem:s7], [sflag:$0x8], $0x80, s31, s16, $0xb8;
	[tilespmem:$0x1DF80] =	vst v63  }
0x1d6: {  	_ =	swait.ge [sflag:s11], $0x3E80  }
0x1d7: {  	[sflag:s11] =	ssyncset.done $0x0  }
0x1d8: {  	s18 =	simm.s32 $0x1480;
	[sflag:s11] =	ssyncadd.s32 $0xFFFFC180  }
0x1d9: {  	[tilespmem:s7], [sflag:$0x6] =	stream.indirect.gather [hbm4b:s1+s16], $0x80, s18, s16, $0xb8;
	[tilespmem:$0x1DF80] =	vst v63  }
0x1da: {  	_ =	swait.ge [sflag:s12], $0x3E80  }
0x1db: {  	[sflag:s12] =	ssyncset.done $0x0  }
0x1dc: {  	s30 =	simm.s32 $0x1C00;
	[sflag:s12] =	ssyncadd.s32 $0xFFFFC180  }
0x1dd: {  	[spmem:s2] =	stream.indirect.scatter.add.f32 [tilespmem:s10], [sflag:$0x8], $0x80, s30, s16, $0xb8;
	[tilespmem:$0x1DF80] =	vst v63  }
0x1de: {  	_ =	swait.ge [sflag:s11], $0x3E80  }
0x1df: {  	[sflag:s11] =	ssyncset.done $0x0  }
0x1e0: {  	s22 =	simm.s32 $0x1500;
	[sflag:s11] =	ssyncadd.s32 $0xFFFFC180  }
0x1e1: {  	[tilespmem:s10], [sflag:$0x5] =	stream.indirect.gather [hbm4b:s1+s16], $0x80, s22, s16, $0xb8;
	[tilespmem:$0x1DF80] =	vst v63  }
0x1e2: {  	_ =	swait.ge [sflag:s8], $0x3E80  }
0x1e3: {  	[sflag:s8] =	ssyncset.done $0x0  }
0x1e4: {  	s29 =	simm.s32 $0x1C80;
	[sflag:s8] =	ssyncadd.s32 $0xFFFFC180  }
0x1e5: {  	[spmem:s2] =	stream.indirect.scatter.add.f32 [tilespmem:s7], [sflag:$0x8], $0x80, s29, s16, $0xb8;
	[tilespmem:$0x1DF80] =	vst v63  }
0x1e6: {  	_ =	swait.ge [sflag:s11], $0x3E80  }
0x1e7: {  	[sflag:s11] =	ssyncset.done $0x0  }
0x1e8: {  	s24 =	simm.s32 $0x1580;
	[sflag:s11] =	ssyncadd.s32 $0xFFFFC180  }
0x1e9: {  	[tilespmem:s7], [sflag:$0x6] =	stream.indirect.gather [hbm4b:s1+s16], $0x80, s24, s16, $0xb8;
	[tilespmem:$0x1DF80] =	vst v63  }
0x1ea: {  	_ =	swait.ge [sflag:s12], $0x3E80  }
0x1eb: {  	[sflag:s12] =	ssyncset.done $0x0  }
0x1ec: {  	s28 =	simm.s32 $0x1D00;
	[sflag:s12] =	ssyncadd.s32 $0xFFFFC180  }
0x1ed: {  	[spmem:s2] =	stream.indirect.scatter.add.f32 [tilespmem:s10], [sflag:$0x8], $0x80, s28, s16, $0xb8;
	[tilespmem:$0x1DF80] =	vst v63  }
0x1ee: {  	_ =	swait.ge [sflag:s11], $0x3E80  }
0x1ef: {  	[sflag:s11] =	ssyncset.done $0x0  }
0x1f0: {  	s28 =	simm.s32 $0x1600;
	[sflag:s11] =	ssyncadd.s32 $0xFFFFC180  }
0x1f1: {  	[tilespmem:s10], [sflag:$0x5] =	stream.indirect.gather [hbm4b:s1+s16], $0x80, s28, s16, $0xb8;
	[tilespmem:$0x1DF80] =	vst v63  }
0x1f2: {  	_ =	swait.ge [sflag:s8], $0x3E80  }
0x1f3: {  	[sflag:s8] =	ssyncset.done $0x0  }
0x1f4: {  	s26 =	simm.s32 $0x1D80;
	[sflag:s8] =	ssyncadd.s32 $0xFFFFC180  }
0x1f5: {  	[spmem:s2] =	stream.indirect.scatter.add.f32 [tilespmem:s7], [sflag:$0x8], $0x80, s26, s16, $0xb8;
	[tilespmem:$0x1DF80] =	vst v63  }
0x1f6: {  	_ =	swait.ge [sflag:s11], $0x3E80  }
0x1f7: {  	[sflag:s11] =	ssyncset.done $0x0  }
0x1f8: {  	s29 =	simm.s32 $0x1680;
	[sflag:s11] =	ssyncadd.s32 $0xFFFFC180  }
0x1f9: {  	[tilespmem:s7], [sflag:$0x6] =	stream.indirect.gather [hbm4b:s1+s16], $0x80, s29, s16, $0xb8;
	[tilespmem:$0x1DF80] =	vst v63  }
0x1fa: {  	_ =	swait.ge [sflag:s12], $0x3E80  }
0x1fb: {  	[sflag:s12] =	ssyncset.done $0x0  }
0x1fc: {  	s25 =	simm.s32 $0x1E00;
	[sflag:s12] =	ssyncadd.s32 $0xFFFFC180  }
0x1fd: {  	[spmem:s2] =	stream.indirect.scatter.add.f32 [tilespmem:s10], [sflag:$0x8], $0x80, s25, s16, $0xb8;
	[tilespmem:$0x1DF80] =	vst v63  }
0x1fe: {  	_ =	swait.ge [sflag:s11], $0x3E80  }
0x1ff: {  	[sflag:s11] =	ssyncset.done $0x0  }
0x200: {  	s31 =	simm.s32 $0x1700;
	[sflag:s11] =	ssyncadd.s32 $0xFFFFC180  }
0x201: {  	[tilespmem:s10], [sflag:$0x5] =	stream.indirect.gather [hbm4b:s1+s16], $0x80, s31, s16, $0xb8;
	[tilespmem:$0x1DF80] =	vst v63  }
0x202: {  	_ =	swait.ge [sflag:s8], $0x3E80  }
0x203: {  	[sflag:s8] =	ssyncset.done $0x0  }
0x204: {  	s15 =	simm.s32 $0x1E80;
	[sflag:s8] =	ssyncadd.s32 $0xFFFFC180  }
0x205: {  	[spmem:s2] =	stream.indirect.scatter.add.f32 [tilespmem:s7], [sflag:$0x8], $0x80, s15, s16, $0xb8;
	[tilespmem:$0x1DF80] =	vst v63  }
0x206: {  	_ =	swait.ge [sflag:s11], $0x3E80  }
0x207: {  	[sflag:s11] =	ssyncset.done $0x0  }
0x208: {  	s24 =	simm.s32 $0x1780;
	[sflag:s11] =	ssyncadd.s32 $0xFFFFC180  }
0x209: {  	[tilespmem:s7], [sflag:$0x6] =	stream.indirect.gather [hbm4b:s1+s16], $0x80, s24, s16, $0xb8;
	[tilespmem:$0x1DF80] =	vst v63  }
0x20a: {  	_ =	swait.ge [sflag:s12], $0x3E80  }
0x20b: {  	[sflag:s12] =	ssyncset.done $0x0  }
0x20c: {  	s21 =	simm.s32 $0x1F00;
	[sflag:s12] =	ssyncadd.s32 $0xFFFFC180  }
0x20d: {  	[spmem:s2] =	stream.indirect.scatter.add.f32 [tilespmem:s10], [sflag:$0x8], $0x80, s21, s16, $0xb8;
	[tilespmem:$0x1DF80] =	vst v63  }
0x20e: {  	_ =	swait.ge [sflag:s11], $0x3E80  }
0x20f: {  	[sflag:s11] =	ssyncset.done $0x0  }
0x210: {  	[sflag:s11] =	ssyncadd.s32 $0xFFFFC180  }
0x211: {  	[tilespmem:s10], [sflag:$0x5] =	stream.indirect.gather [hbm4b:s1+s16], $0x80, s24, s16, $0xb8;
	[tilespmem:$0x1DF80] =	vst v63  }
0x212: {  	_ =	swait.ge [sflag:s8], $0x3E80  }
0x213: {  	[sflag:s8] =	ssyncset.done $0x0  }
0x214: {  	s5 =	simm.s32 $0x1F80;
	[sflag:s8] =	ssyncadd.s32 $0xFFFFC180  }
0x215: {  	[spmem:s2] =	stream.indirect.scatter.add.f32 [tilespmem:s7], [sflag:$0x8], $0x80, s5, s16, $0xb8;
	[tilespmem:$0x1DF80] =	vst v63  }
0x216: {  	_ =	swait.ge [sflag:s11], $0x3E80  }
0x217: {  	[sflag:s11] =	ssyncset.done $0x0  }
0x218: {  	[sflag:s11] =	ssyncadd.s32 $0xFFFFC180  }
0x219: {  	_ =	swait.ge [sflag:s12], $0x3E80  }
0x21a: {  	[sflag:s12] =	ssyncset.done $0x0  }
0x21b: {  	[sflag:s12] =	ssyncadd.s32 $0xFFFFC180  }
0x21c: {  	_ =	swait.ge [sflag:s13], $0x7D  }
0x21d: {  	[sflag:s13] =	ssyncset.done $0x0  }
0x21e: {  	[sflag:s13] =	ssyncadd.s32 $0xFFFFFF83  }
0x21f: {  	_ =	swait.ge [sflag:s13], $0x7D  }
0x220: {  	[sflag:s13] =	ssyncset.done $0x0  }
0x221: {  	[sflag:s13] =	ssyncadd.s32 $0xFFFFFF83  }
0x222: {  	_ =	swait.ge [sflag:s13], $0x7D  }
0x223: {  	[sflag:s13] =	ssyncset.done $0x0  }
0x224: {  	[sflag:s13] =	ssyncadd.s32 $0xFFFFFF83  }
0x225: {  	_ =	swait.ge [sflag:s13], $0x7D  }
0x226: {  	[sflag:s13] =	ssyncset.done $0x0  }
0x227: {  	[sflag:s13] =	ssyncadd.s32 $0xFFFFFF83  }
0x228: {  	_ =	swait.ge [sflag:s13], $0x7D  }
0x229: {  	[sflag:s13] =	ssyncset.done $0x0  }
0x22a: {  	[sflag:s13] =	ssyncadd.s32 $0xFFFFFF83  }
0x22b: {  	_ =	swait.ge [sflag:s13], $0x7D  }
0x22c: {  	[sflag:s13] =	ssyncset.done $0x0  }
0x22d: {  	[sflag:s13] =	ssyncadd.s32 $0xFFFFFF83  }
0x22e: {  	_ =	swait.ge [sflag:s13], $0x7D  }
0x22f: {  	[sflag:s13] =	ssyncset.done $0x0  }
0x230: {  	[sflag:s13] =	ssyncadd.s32 $0xFFFFFF83  }
0x231: {  	_ =	swait.ge [sflag:s13], $0x7D  }
0x232: {  	[sflag:s13] =	ssyncset.done $0x0  }
0x233: {  	[sflag:s13] =	ssyncadd.s32 $0xFFFFFF83  }
0x234: {  	_ =	swait.ge [sflag:s13], $0x7D  }
0x235: {  	[sflag:s13] =	ssyncset.done $0x0  }
0x236: {  	[sflag:s13] =	ssyncadd.s32 $0xFFFFFF83  }
0x237: {  	_ =	swait.ge [sflag:s13], $0x7D  }
0x238: {  	[sflag:s13] =	ssyncset.done $0x0  }
0x239: {  	[sflag:s13] =	ssyncadd.s32 $0xFFFFFF83  }
0x23a: {  	_ =	swait.ge [sflag:s13], $0x7D  }
0x23b: {  	[sflag:s13] =	ssyncset.done $0x0  }
0x23c: {  	[sflag:s13] =	ssyncadd.s32 $0xFFFFFF83  }
0x23d: {  	_ =	swait.ge [sflag:s13], $0x7D  }
0x23e: {  	[sflag:s13] =	ssyncset.done $0x0  }
0x23f: {  	[sflag:s13] =	ssyncadd.s32 $0xFFFFFF83  }
0x240: {  	_ =	swait.ge [sflag:s13], $0x7D  }
0x241: {  	[sflag:s13] =	ssyncset.done $0x0  }
0x242: {  	[sflag:s13] =	ssyncadd.s32 $0xFFFFFF83  }
0x243: {  	_ =	swait.ge [sflag:s13], $0x7D  }
0x244: {  	[sflag:s13] =	ssyncset.done $0x0  }
0x245: {  	[sflag:s13] =	ssyncadd.s32 $0xFFFFFF83  }
0x246: {  	_ =	swait.ge [sflag:s13], $0x7D  }
0x247: {  	[sflag:s13] =	ssyncset.done $0x0  }
0x248: {  	[sflag:s13] =	ssyncadd.s32 $0xFFFFFF83  }
0x249: {  	_ =	swait.ge [sflag:s13], $0x7D  }
0x24a: {  	s6 =	simm.s32 $0x0;
	[sflag:s13] =	ssyncset.done $0x0  }
0x24b: {  	s4 =	simm.s32 $0x0;
	s0 =	rddreg [dreg:$0x10];
	[sflag:s13] =	ssyncadd.s32 $0xFFFFFF83  }
0x24c: {  	[tilespmem:s20], [sflag:$0x3] =	stream.linear.gather [hbm4b:s0+s4], $0x800, $0x38;
	[tilespmem:$0x1DF80] =	vst v63  }
0x24d: {  	s9 =	simm.s32 $0x1800;
	s14 =	simm.s32 $0x1;
	s5 =	rddreg [dreg:$0x11]  }
0x24e: {  	[tilespmem:s9], [sflag:$0x4] =	stream.linear.gather [hbm4b:s5+s6], $0x800, $0x38;
	[tilespmem:$0x1DF80] =	vst v63  }
0x24f: {  	_ =	swait.ge [sflag:s14], $0x800  }
0x250: {  	[sflag:s14] =	ssyncset.done $0x0  }
0x251: {  	s15 =	simm.s32 $0x2;
	[sflag:s14] =	ssyncadd.s32 $0xFFFFF800  }
0x252: {  	_ =	swait.ge [sflag:s15], $0x800  }
0x253: {  	[sflag:s15] =	ssyncset.done $0x0  }
0x254: {  	s18 =	simm.s32 $0x0;
	[sflag:s15] =	ssyncadd.s32 $0xFFFFF800  }
0x255: {  	[tilespmem:s10], [sflag:$0x5] =	stream.indirect.gather [hbm4b:s1+s16], $0x80, s18, s16, $0xb8;
	[tilespmem:$0x1DF80] =	vst v63  }
0x256: {  	s20 =	simm.s32 $0x800  }
0x257: {  	[spmem:s3] =	stream.indirect.scatter.add.f32 [tilespmem:s17], [sflag:$0x7], $0x1, s20, s16, $0xb8;
	[tilespmem:$0x1DF80] =	vst v63  }
0x258: {  	s0 =	simm.s32 $0x880  }
0x259: {  	[spmem:s3] =	stream.indirect.scatter.add.f32 [tilespmem:s17], [sflag:$0x7], $0x1, s0, s16, $0xb8;
	[tilespmem:$0x1DF80] =	vst v63  }
0x25a: {  	s4 =	simm.s32 $0x900  }
0x25b: {  	[spmem:s3] =	stream.indirect.scatter.add.f32 [tilespmem:s17], [sflag:$0x7], $0x1, s4, s16, $0xb8;
	[tilespmem:$0x1DF80] =	vst v63  }
0x25c: {  	s5 =	simm.s32 $0x980  }
0x25d: {  	[spmem:s3] =	stream.indirect.scatter.add.f32 [tilespmem:s17], [sflag:$0x7], $0x1, s5, s16, $0xb8;
	[tilespmem:$0x1DF80] =	vst v63  }
0x25e: {  	s31 =	simm.s32 $0xA00  }
0x25f: {  	[spmem:s3] =	stream.indirect.scatter.add.f32 [tilespmem:s17], [sflag:$0x7], $0x1, s31, s16, $0xb8;
	[tilespmem:$0x1DF80] =	vst v63  }
0x260: {  	s25 =	simm.s32 $0xA80  }
0x261: {  	[spmem:s3] =	stream.indirect.scatter.add.f32 [tilespmem:s17], [sflag:$0x7], $0x1, s25, s16, $0xb8;
	[tilespmem:$0x1DF80] =	vst v63  }
0x262: {  	s26 =	simm.s32 $0xB00  }
0x263: {  	[spmem:s3] =	stream.indirect.scatter.add.f32 [tilespmem:s17], [sflag:$0x7], $0x1, s26, s16, $0xb8;
	[tilespmem:$0x1DF80] =	vst v63  }
0x264: {  	s28 =	simm.s32 $0xB80  }
0x265: {  	[spmem:s3] =	stream.indirect.scatter.add.f32 [tilespmem:s17], [sflag:$0x7], $0x1, s28, s16, $0xb8;
	[tilespmem:$0x1DF80] =	vst v63  }
0x266: {  	s30 =	simm.s32 $0xC00  }
0x267: {  	[spmem:s3] =	stream.indirect.scatter.add.f32 [tilespmem:s17], [sflag:$0x7], $0x1, s30, s16, $0xb8;
	[tilespmem:$0x1DF80] =	vst v63  }
0x268: {  	s29 =	simm.s32 $0xC80  }
0x269: {  	[spmem:s3] =	stream.indirect.scatter.add.f32 [tilespmem:s17], [sflag:$0x7], $0x1, s29, s16, $0xb8;
	[tilespmem:$0x1DF80] =	vst v63  }
0x26a: {  	s6 =	simm.s32 $0xD00  }
0x26b: {  	[spmem:s3] =	stream.indirect.scatter.add.f32 [tilespmem:s17], [sflag:$0x7], $0x1, s6, s16, $0xb8;
	[tilespmem:$0x1DF80] =	vst v63  }
0x26c: {  	s9 =	simm.s32 $0xD80  }
0x26d: {  	[spmem:s3] =	stream.indirect.scatter.add.f32 [tilespmem:s17], [sflag:$0x7], $0x1, s9, s16, $0xb8;
	[tilespmem:$0x1DF80] =	vst v63  }
0x26e: {  	s14 =	simm.s32 $0xE00  }
0x26f: {  	[spmem:s3] =	stream.indirect.scatter.add.f32 [tilespmem:s17], [sflag:$0x7], $0x1, s14, s16, $0xb8;
	[tilespmem:$0x1DF80] =	vst v63  }
0x270: {  	s20 =	simm.s32 $0xE80  }
0x271: {  	[spmem:s3] =	stream.indirect.scatter.add.f32 [tilespmem:s17], [sflag:$0x7], $0x1, s20, s16, $0xb8;
	[tilespmem:$0x1DF80] =	vst v63  }
0x272: {  	s15 =	simm.s32 $0xF00  }
0x273: {  	[spmem:s3] =	stream.indirect.scatter.add.f32 [tilespmem:s17], [sflag:$0x7], $0x1, s15, s16, $0xb8;
	[tilespmem:$0x1DF80] =	vst v63  }
0x274: {  	s18 =	simm.s32 $0xF80  }
0x275: {  	[spmem:s3] =	stream.indirect.scatter.add.f32 [tilespmem:s17], [sflag:$0x7], $0x1, s18, s16, $0xb8;
	[tilespmem:$0x1DF80] =	vst v63  }
0x276: {  	s21 =	simm.s32 $0x80  }
0x277: {  	[tilespmem:s7], [sflag:$0x6] =	stream.indirect.gather [hbm4b:s1+s16], $0x80, s21, s16, $0xb8;
	[tilespmem:$0x1DF80] =	vst v63  }
0x278: {  	_ =	swait.ge [sflag:s12], $0x3E80  }
0x279: {  	[sflag:s12] =	ssyncset.done $0x0  }
0x27a: {  	s21 =	simm.s32 $0x800;
	[sflag:s12] =	ssyncadd.s32 $0xFFFFC180  }
0x27b: {  	[spmem:s2] =	stream.indirect.scatter.add.f32 [tilespmem:s10], [sflag:$0x8], $0x80, s21, s16, $0xb8;
	[tilespmem:$0x1DF80] =	vst v63  }
0x27c: {  	_ =	swait.ge [sflag:s11], $0x3E80  }
0x27d: {  	[sflag:s11] =	ssyncset.done $0x0  }
0x27e: {  	s21 =	simm.s32 $0x100;
	[sflag:s11] =	ssyncadd.s32 $0xFFFFC180  }
0x27f: {  	[tilespmem:s10], [sflag:$0x5] =	stream.indirect.gather [hbm4b:s1+s16], $0x80, s21, s16, $0xb8;
	[tilespmem:$0x1DF80] =	vst v63  }
0x280: {  	_ =	swait.ge [sflag:s8], $0x3E80  }
0x281: {  	[sflag:s8] =	ssyncset.done $0x0  }
0x282: {  	[sflag:s8] =	ssyncadd.s32 $0xFFFFC180  }
0x283: {  	[spmem:s2] =	stream.indirect.scatter.add.f32 [tilespmem:s7], [sflag:$0x8], $0x80, s0, s16, $0xb8;
	[tilespmem:$0x1DF80] =	vst v63  }
0x284: {  	_ =	swait.ge [sflag:s11], $0x3E80  }
0x285: {  	[sflag:s11] =	ssyncset.done $0x0  }
0x286: {  	s21 =	simm.s32 $0x180;
	[sflag:s11] =	ssyncadd.s32 $0xFFFFC180  }
0x287: {  	[tilespmem:s7], [sflag:$0x6] =	stream.indirect.gather [hbm4b:s1+s16], $0x80, s21, s16, $0xb8;
	[tilespmem:$0x1DF80] =	vst v63  }
0x288: {  	_ =	swait.ge [sflag:s12], $0x3E80  }
0x289: {  	[sflag:s12] =	ssyncset.done $0x0  }
0x28a: {  	[sflag:s12] =	ssyncadd.s32 $0xFFFFC180  }
0x28b: {  	[spmem:s2] =	stream.indirect.scatter.add.f32 [tilespmem:s10], [sflag:$0x8], $0x80, s4, s16, $0xb8;
	[tilespmem:$0x1DF80] =	vst v63  }
0x28c: {  	_ =	swait.ge [sflag:s11], $0x3E80  }
0x28d: {  	[sflag:s11] =	ssyncset.done $0x0  }
0x28e: {  	s4 =	simm.s32 $0x200;
	[sflag:s11] =	ssyncadd.s32 $0xFFFFC180  }
0x28f: {  	[tilespmem:s10], [sflag:$0x5] =	stream.indirect.gather [hbm4b:s1+s16], $0x80, s4, s16, $0xb8;
	[tilespmem:$0x1DF80] =	vst v63  }
0x290: {  	_ =	swait.ge [sflag:s8], $0x3E80  }
0x291: {  	[sflag:s8] =	ssyncset.done $0x0  }
0x292: {  	[sflag:s8] =	ssyncadd.s32 $0xFFFFC180  }
0x293: {  	[spmem:s2] =	stream.indirect.scatter.add.f32 [tilespmem:s7], [sflag:$0x8], $0x80, s5, s16, $0xb8;
	[tilespmem:$0x1DF80] =	vst v63  }
0x294: {  	_ =	swait.ge [sflag:s11], $0x3E80  }
0x295: {  	[sflag:s11] =	ssyncset.done $0x0  }
0x296: {  	s5 =	simm.s32 $0x280;
	[sflag:s11] =	ssyncadd.s32 $0xFFFFC180  }
0x297: {  	[tilespmem:s7], [sflag:$0x6] =	stream.indirect.gather [hbm4b:s1+s16], $0x80, s5, s16, $0xb8;
	[tilespmem:$0x1DF80] =	vst v63  }
0x298: {  	_ =	swait.ge [sflag:s12], $0x3E80  }
0x299: {  	[sflag:s12] =	ssyncset.done $0x0  }
0x29a: {  	[sflag:s12] =	ssyncadd.s32 $0xFFFFC180  }
0x29b: {  	[spmem:s2] =	stream.indirect.scatter.add.f32 [tilespmem:s10], [sflag:$0x8], $0x80, s31, s16, $0xb8;
	[tilespmem:$0x1DF80] =	vst v63  }
0x29c: {  	_ =	swait.ge [sflag:s11], $0x3E80  }
0x29d: {  	[sflag:s11] =	ssyncset.done $0x0  }
0x29e: {  	s21 =	simm.s32 $0x300;
	[sflag:s11] =	ssyncadd.s32 $0xFFFFC180  }
0x29f: {  	[tilespmem:s10], [sflag:$0x5] =	stream.indirect.gather [hbm4b:s1+s16], $0x80, s21, s16, $0xb8;
	[tilespmem:$0x1DF80] =	vst v63  }
0x2a0: {  	_ =	swait.ge [sflag:s8], $0x3E80  }
0x2a1: {  	[sflag:s8] =	ssyncset.done $0x0  }
0x2a2: {  	[sflag:s8] =	ssyncadd.s32 $0xFFFFC180  }
0x2a3: {  	[spmem:s2] =	stream.indirect.scatter.add.f32 [tilespmem:s7], [sflag:$0x8], $0x80, s25, s16, $0xb8;
	[tilespmem:$0x1DF80] =	vst v63  }
0x2a4: {  	_ =	swait.ge [sflag:s11], $0x3E80  }
0x2a5: {  	[sflag:s11] =	ssyncset.done $0x0  }
0x2a6: {  	s25 =	simm.s32 $0x380;
	[sflag:s11] =	ssyncadd.s32 $0xFFFFC180  }
0x2a7: {  	[tilespmem:s7], [sflag:$0x6] =	stream.indirect.gather [hbm4b:s1+s16], $0x80, s25, s16, $0xb8;
	[tilespmem:$0x1DF80] =	vst v63  }
0x2a8: {  	_ =	swait.ge [sflag:s12], $0x3E80  }
0x2a9: {  	[sflag:s12] =	ssyncset.done $0x0  }
0x2aa: {  	[sflag:s12] =	ssyncadd.s32 $0xFFFFC180  }
0x2ab: {  	[spmem:s2] =	stream.indirect.scatter.add.f32 [tilespmem:s10], [sflag:$0x8], $0x80, s26, s16, $0xb8;
	[tilespmem:$0x1DF80] =	vst v63  }
0x2ac: {  	_ =	swait.ge [sflag:s11], $0x3E80  }
0x2ad: {  	[sflag:s11] =	ssyncset.done $0x0  }
0x2ae: {  	s26 =	simm.s32 $0x400;
	[sflag:s11] =	ssyncadd.s32 $0xFFFFC180  }
0x2af: {  	[tilespmem:s10], [sflag:$0x5] =	stream.indirect.gather [hbm4b:s1+s16], $0x80, s26, s16, $0xb8;
	[tilespmem:$0x1DF80] =	vst v63  }
0x2b0: {  	_ =	swait.ge [sflag:s8], $0x3E80  }
0x2b1: {  	[sflag:s8] =	ssyncset.done $0x0  }
0x2b2: {  	[sflag:s8] =	ssyncadd.s32 $0xFFFFC180  }
0x2b3: {  	[spmem:s2] =	stream.indirect.scatter.add.f32 [tilespmem:s7], [sflag:$0x8], $0x80, s28, s16, $0xb8;
	[tilespmem:$0x1DF80] =	vst v63  }
0x2b4: {  	_ =	swait.ge [sflag:s11], $0x3E80  }
0x2b5: {  	[sflag:s11] =	ssyncset.done $0x0  }
0x2b6: {  	s28 =	simm.s32 $0x480;
	[sflag:s11] =	ssyncadd.s32 $0xFFFFC180  }
0x2b7: {  	[tilespmem:s7], [sflag:$0x6] =	stream.indirect.gather [hbm4b:s1+s16], $0x80, s28, s16, $0xb8;
	[tilespmem:$0x1DF80] =	vst v63  }
0x2b8: {  	_ =	swait.ge [sflag:s12], $0x3E80  }
0x2b9: {  	[sflag:s12] =	ssyncset.done $0x0  }
0x2ba: {  	[sflag:s12] =	ssyncadd.s32 $0xFFFFC180  }
0x2bb: {  	[spmem:s2] =	stream.indirect.scatter.add.f32 [tilespmem:s10], [sflag:$0x8], $0x80, s30, s16, $0xb8;
	[tilespmem:$0x1DF80] =	vst v63  }
0x2bc: {  	_ =	swait.ge [sflag:s11], $0x3E80  }
0x2bd: {  	[sflag:s11] =	ssyncset.done $0x0  }
0x2be: {  	s31 =	simm.s32 $0x500;
	[sflag:s11] =	ssyncadd.s32 $0xFFFFC180  }
0x2bf: {  	[tilespmem:s10], [sflag:$0x5] =	stream.indirect.gather [hbm4b:s1+s16], $0x80, s31, s16, $0xb8;
	[tilespmem:$0x1DF80] =	vst v63  }
0x2c0: {  	_ =	swait.ge [sflag:s8], $0x3E80  }
0x2c1: {  	[sflag:s8] =	ssyncset.done $0x0  }
0x2c2: {  	[sflag:s8] =	ssyncadd.s32 $0xFFFFC180  }
0x2c3: {  	[spmem:s2] =	stream.indirect.scatter.add.f32 [tilespmem:s7], [sflag:$0x8], $0x80, s29, s16, $0xb8;
	[tilespmem:$0x1DF80] =	vst v63  }
0x2c4: {  	_ =	swait.ge [sflag:s11], $0x3E80  }
0x2c5: {  	[sflag:s11] =	ssyncset.done $0x0  }
0x2c6: {  	s4 =	simm.s32 $0x580;
	[sflag:s11] =	ssyncadd.s32 $0xFFFFC180  }
0x2c7: {  	[tilespmem:s7], [sflag:$0x6] =	stream.indirect.gather [hbm4b:s1+s16], $0x80, s4, s16, $0xb8;
	[tilespmem:$0x1DF80] =	vst v63  }
0x2c8: {  	_ =	swait.ge [sflag:s12], $0x3E80  }
0x2c9: {  	[sflag:s12] =	ssyncset.done $0x0  }
0x2ca: {  	[sflag:s12] =	ssyncadd.s32 $0xFFFFC180  }
0x2cb: {  	[spmem:s2] =	stream.indirect.scatter.add.f32 [tilespmem:s10], [sflag:$0x8], $0x80, s6, s16, $0xb8;
	[tilespmem:$0x1DF80] =	vst v63  }
0x2cc: {  	_ =	swait.ge [sflag:s11], $0x3E80  }
0x2cd: {  	[sflag:s11] =	ssyncset.done $0x0  }
0x2ce: {  	s5 =	simm.s32 $0x600;
	[sflag:s11] =	ssyncadd.s32 $0xFFFFC180  }
0x2cf: {  	[tilespmem:s10], [sflag:$0x5] =	stream.indirect.gather [hbm4b:s1+s16], $0x80, s5, s16, $0xb8;
	[tilespmem:$0x1DF80] =	vst v63  }
0x2d0: {  	_ =	swait.ge [sflag:s8], $0x3E80  }
0x2d1: {  	[sflag:s8] =	ssyncset.done $0x0  }
0x2d2: {  	[sflag:s8] =	ssyncadd.s32 $0xFFFFC180  }
0x2d3: {  	[spmem:s2] =	stream.indirect.scatter.add.f32 [tilespmem:s7], [sflag:$0x8], $0x80, s9, s16, $0xb8;
	[tilespmem:$0x1DF80] =	vst v63  }
0x2d4: {  	_ =	swait.ge [sflag:s11], $0x3E80  }
0x2d5: {  	[sflag:s11] =	ssyncset.done $0x0  }
0x2d6: {  	s6 =	simm.s32 $0x680;
	[sflag:s11] =	ssyncadd.s32 $0xFFFFC180  }
0x2d7: {  	[tilespmem:s7], [sflag:$0x6] =	stream.indirect.gather [hbm4b:s1+s16], $0x80, s6, s16, $0xb8;
	[tilespmem:$0x1DF80] =	vst v63  }
0x2d8: {  	_ =	swait.ge [sflag:s12], $0x3E80  }
0x2d9: {  	[sflag:s12] =	ssyncset.done $0x0  }
0x2da: {  	[sflag:s12] =	ssyncadd.s32 $0xFFFFC180  }
0x2db: {  	[spmem:s2] =	stream.indirect.scatter.add.f32 [tilespmem:s10], [sflag:$0x8], $0x80, s14, s16, $0xb8;
	[tilespmem:$0x1DF80] =	vst v63  }
0x2dc: {  	_ =	swait.ge [sflag:s11], $0x3E80  }
0x2dd: {  	[sflag:s11] =	ssyncset.done $0x0  }
0x2de: {  	s9 =	simm.s32 $0x700;
	[sflag:s11] =	ssyncadd.s32 $0xFFFFC180  }
0x2df: {  	[tilespmem:s10], [sflag:$0x5] =	stream.indirect.gather [hbm4b:s1+s16], $0x80, s9, s16, $0xb8;
	[tilespmem:$0x1DF80] =	vst v63  }
0x2e0: {  	_ =	swait.ge [sflag:s8], $0x3E80  }
0x2e1: {  	[sflag:s8] =	ssyncset.done $0x0  }
0x2e2: {  	[sflag:s8] =	ssyncadd.s32 $0xFFFFC180  }
0x2e3: {  	[spmem:s2] =	stream.indirect.scatter.add.f32 [tilespmem:s7], [sflag:$0x8], $0x80, s20, s16, $0xb8;
	[tilespmem:$0x1DF80] =	vst v63  }
0x2e4: {  	_ =	swait.ge [sflag:s11], $0x3E80  }
0x2e5: {  	[sflag:s11] =	ssyncset.done $0x0  }
0x2e6: {  	s14 =	simm.s32 $0x780;
	[sflag:s11] =	ssyncadd.s32 $0xFFFFC180  }
0x2e7: {  	[tilespmem:s7], [sflag:$0x6] =	stream.indirect.gather [hbm4b:s1+s16], $0x80, s14, s16, $0xb8;
	[tilespmem:$0x1DF80] =	vst v63  }
0x2e8: {  	_ =	swait.ge [sflag:s12], $0x3E80  }
0x2e9: {  	[sflag:s12] =	ssyncset.done $0x0  }
0x2ea: {  	[sflag:s12] =	ssyncadd.s32 $0xFFFFC180  }
0x2eb: {  	[spmem:s2] =	stream.indirect.scatter.add.f32 [tilespmem:s10], [sflag:$0x8], $0x80, s15, s16, $0xb8;
	[tilespmem:$0x1DF80] =	vst v63  }
0x2ec: {  	_ =	swait.ge [sflag:s11], $0x3E80  }
0x2ed: {  	[sflag:s11] =	ssyncset.done $0x0  }
0x2ee: {  	[sflag:s11] =	ssyncadd.s32 $0xFFFFC180  }
0x2ef: {  	[tilespmem:s10], [sflag:$0x5] =	stream.indirect.gather [hbm4b:s1+s16], $0x80, s14, s16, $0xb8;
	[tilespmem:$0x1DF80] =	vst v63  }
0x2f0: {  	_ =	swait.ge [sflag:s8], $0x3E80  }
0x2f1: {  	[sflag:s8] =	ssyncset.done $0x0  }
0x2f2: {  	[sflag:s8] =	ssyncadd.s32 $0xFFFFC180  }
0x2f3: {  	[spmem:s2] =	stream.indirect.scatter.add.f32 [tilespmem:s7], [sflag:$0x8], $0x80, s18, s16, $0xb8;
	[tilespmem:$0x1DF80] =	vst v63  }
0x2f4: {  	_ =	swait.ge [sflag:s11], $0x3E80  }
0x2f5: {  	[sflag:s11] =	ssyncset.done $0x0  }
0x2f6: {  	[sflag:s11] =	ssyncadd.s32 $0xFFFFC180  }
0x2f7: {  	_ =	swait.ge [sflag:s12], $0x3E80  }
0x2f8: {  	[sflag:s12] =	ssyncset.done $0x0  }
0x2f9: {  	[sflag:s12] =	ssyncadd.s32 $0xFFFFC180  }
0x2fa: {  	_ =	swait.ge [sflag:s13], $0x7D  }
0x2fb: {  	[sflag:s13] =	ssyncset.done $0x0  }
0x2fc: {  	[sflag:s13] =	ssyncadd.s32 $0xFFFFFF83  }
0x2fd: {  	_ =	swait.ge [sflag:s13], $0x7D  }
0x2fe: {  	[sflag:s13] =	ssyncset.done $0x0  }
0x2ff: {  	[sflag:s13] =	ssyncadd.s32 $0xFFFFFF83  }
0x300: {  	_ =	swait.ge [sflag:s13], $0x7D  }
0x301: {  	[sflag:s13] =	ssyncset.done $0x0  }
0x302: {  	[sflag:s13] =	ssyncadd.s32 $0xFFFFFF83  }
0x303: {  	_ =	swait.ge [sflag:s13], $0x7D  }
0x304: {  	[sflag:s13] =	ssyncset.done $0x0  }
0x305: {  	[sflag:s13] =	ssyncadd.s32 $0xFFFFFF83  }
0x306: {  	_ =	swait.ge [sflag:s13], $0x7D  }
0x307: {  	[sflag:s13] =	ssyncset.done $0x0  }
0x308: {  	[sflag:s13] =	ssyncadd.s32 $0xFFFFFF83  }
0x309: {  	_ =	swait.ge [sflag:s13], $0x7D  }
0x30a: {  	[sflag:s13] =	ssyncset.done $0x0  }
0x30b: {  	[sflag:s13] =	ssyncadd.s32 $0xFFFFFF83  }
0x30c: {  	_ =	swait.ge [sflag:s13], $0x7D  }
0x30d: {  	[sflag:s13] =	ssyncset.done $0x0  }
0x30e: {  	[sflag:s13] =	ssyncadd.s32 $0xFFFFFF83  }
0x30f: {  	_ =	swait.ge [sflag:s13], $0x7D  }
0x310: {  	[sflag:s13] =	ssyncset.done $0x0  }
0x311: {  	[sflag:s13] =	ssyncadd.s32 $0xFFFFFF83  }
0x312: {  	_ =	swait.ge [sflag:s13], $0x7D  }
0x313: {  	[sflag:s13] =	ssyncset.done $0x0  }
0x314: {  	[sflag:s13] =	ssyncadd.s32 $0xFFFFFF83  }
0x315: {  	_ =	swait.ge [sflag:s13], $0x7D  }
0x316: {  	[sflag:s13] =	ssyncset.done $0x0  }
0x317: {  	[sflag:s13] =	ssyncadd.s32 $0xFFFFFF83  }
0x318: {  	_ =	swait.ge [sflag:s13], $0x7D  }
0x319: {  	[sflag:s13] =	ssyncset.done $0x0  }
0x31a: {  	[sflag:s13] =	ssyncadd.s32 $0xFFFFFF83  }
0x31b: {  	_ =	swait.ge [sflag:s13], $0x7D  }
0x31c: {  	[sflag:s13] =	ssyncset.done $0x0  }
0x31d: {  	[sflag:s13] =	ssyncadd.s32 $0xFFFFFF83  }
0x31e: {  	_ =	swait.ge [sflag:s13], $0x7D  }
0x31f: {  	[sflag:s13] =	ssyncset.done $0x0  }
0x320: {  	[sflag:s13] =	ssyncadd.s32 $0xFFFFFF83  }
0x321: {  	_ =	swait.ge [sflag:s13], $0x7D  }
0x322: {  	[sflag:s13] =	ssyncset.done $0x0  }
0x323: {  	[sflag:s13] =	ssyncadd.s32 $0xFFFFFF83  }
0x324: {  	_ =	swait.ge [sflag:s13], $0x7D  }
0x325: {  	[sflag:s13] =	ssyncset.done $0x0  }
0x326: {  	[sflag:s13] =	ssyncadd.s32 $0xFFFFFF83  }
0x327: {  	_ =	swait.ge [sflag:s13], $0x7D  }
0x328: {  	[sflag:s13] =	ssyncset.done $0x0  }
0x329: {  	s18 =	simm.s32 $0x0;
	s15 =	rddreg [dreg:$0x12];
	[sflag:s13] =	ssyncadd.s32 $0xFFFFFF83  }
0x32a: {  	[tilespmem:s18], [sflag:$0x1] =	stream.linear.gather [hbm4b:s15+s18], $0x800, $0x38;
	[tilespmem:$0x1DF80] =	vst v63  }
0x32b: {  	s26 =	simm.s32 $0x800;
	s28 =	simm.s32 $0x0;
	s20 =	rddreg [dreg:$0x13]  }
0x32c: {  	[tilespmem:s26], [sflag:$0x2] =	stream.linear.gather [hbm4b:s20+s28], $0x800, $0x38;
	[tilespmem:$0x1DF80] =	vst v63  }
0x32d: {  	_ =	swait.ge [sflag:s23], $0x800  }
0x32e: {  	[sflag:s23] =	ssyncset.done $0x0  }
0x32f: {  	[sflag:s23] =	ssyncadd.s32 $0xFFFFF800  }
0x330: {  	_ =	swait.ge [sflag:s19], $0x800  }
0x331: {  	[sflag:s19] =	ssyncset.done $0x0  }
0x332: {  	s22 =	simm.s32 $0x1000;
	[sflag:s19] =	ssyncadd.s32 $0xFFFFF800  }
0x333: {  	[tilespmem:s10], [sflag:$0x5] =	stream.indirect.gather [hbm4b:s1+s16], $0x80, s22, s16, $0xb8;
	[tilespmem:$0x1DF80] =	vst v63  }
0x334: {  	s19 =	simm.s32 $0x1800  }
0x335: {  	[spmem:s3] =	stream.indirect.scatter.add.f32 [tilespmem:s17], [sflag:$0x7], $0x1, s19, s16, $0xb8;
	[tilespmem:$0x1DF80] =	vst v63  }
0x336: {  	s18 =	simm.s32 $0x1880  }
0x337: {  	[spmem:s3] =	stream.indirect.scatter.add.f32 [tilespmem:s17], [sflag:$0x7], $0x1, s18, s16, $0xb8;
	[tilespmem:$0x1DF80] =	vst v63  }
0x338: {  	s6 =	simm.s32 $0x1900  }
0x339: {  	[spmem:s3] =	stream.indirect.scatter.add.f32 [tilespmem:s17], [sflag:$0x7], $0x1, s6, s16, $0xb8;
	[tilespmem:$0x1DF80] =	vst v63  }
0x33a: {  	s15 =	simm.s32 $0x1980  }
0x33b: {  	[spmem:s3] =	stream.indirect.scatter.add.f32 [tilespmem:s17], [sflag:$0x7], $0x1, s15, s16, $0xb8;
	[tilespmem:$0x1DF80] =	vst v63  }
0x33c: {  	s14 =	simm.s32 $0x1A00  }
0x33d: {  	[spmem:s3] =	stream.indirect.scatter.add.f32 [tilespmem:s17], [sflag:$0x7], $0x1, s14, s16, $0xb8;
	[tilespmem:$0x1DF80] =	vst v63  }
0x33e: {  	s5 =	simm.s32 $0x1A80  }
0x33f: {  	[spmem:s3] =	stream.indirect.scatter.add.f32 [tilespmem:s17], [sflag:$0x7], $0x1, s5, s16, $0xb8;
	[tilespmem:$0x1DF80] =	vst v63  }
0x340: {  	s0 =	simm.s32 $0x1B00  }
0x341: {  	[spmem:s3] =	stream.indirect.scatter.add.f32 [tilespmem:s17], [sflag:$0x7], $0x1, s0, s16, $0xb8;
	[tilespmem:$0x1DF80] =	vst v63  }
0x342: {  	s28 =	simm.s32 $0x1B80  }
0x343: {  	[spmem:s3] =	stream.indirect.scatter.add.f32 [tilespmem:s17], [sflag:$0x7], $0x1, s28, s16, $0xb8;
	[tilespmem:$0x1DF80] =	vst v63  }
0x344: {  	s26 =	simm.s32 $0x1C00  }
0x345: {  	[spmem:s3] =	stream.indirect.scatter.add.f32 [tilespmem:s17], [sflag:$0x7], $0x1, s26, s16, $0xb8;
	[tilespmem:$0x1DF80] =	vst v63  }
0x346: {  	s9 =	simm.s32 $0x1C80  }
0x347: {  	[spmem:s3] =	stream.indirect.scatter.add.f32 [tilespmem:s17], [sflag:$0x7], $0x1, s9, s16, $0xb8;
	[tilespmem:$0x1DF80] =	vst v63  }
0x348: {  	s4 =	simm.s32 $0x1D00  }
0x349: {  	[spmem:s3] =	stream.indirect.scatter.add.f32 [tilespmem:s17], [sflag:$0x7], $0x1, s4, s16, $0xb8;
	[tilespmem:$0x1DF80] =	vst v63  }
0x34a: {  	s20 =	simm.s32 $0x1D80  }
0x34b: {  	[spmem:s3] =	stream.indirect.scatter.add.f32 [tilespmem:s17], [sflag:$0x7], $0x1, s20, s16, $0xb8;
	[tilespmem:$0x1DF80] =	vst v63  }
0x34c: {  	s29 =	simm.s32 $0x1E00  }
0x34d: {  	[spmem:s3] =	stream.indirect.scatter.add.f32 [tilespmem:s17], [sflag:$0x7], $0x1, s29, s16, $0xb8;
	[tilespmem:$0x1DF80] =	vst v63  }
0x34e: {  	s23 =	simm.s32 $0x1E80  }
0x34f: {  	[spmem:s3] =	stream.indirect.scatter.add.f32 [tilespmem:s17], [sflag:$0x7], $0x1, s23, s16, $0xb8;
	[tilespmem:$0x1DF80] =	vst v63  }
0x350: {  	s21 =	simm.s32 $0x1F00  }
0x351: {  	[spmem:s3] =	stream.indirect.scatter.add.f32 [tilespmem:s17], [sflag:$0x7], $0x1, s21, s16, $0xb8;
	[tilespmem:$0x1DF80] =	vst v63  }
0x352: {  	s22 =	simm.s32 $0x1F80  }
0x353: {  	[spmem:s3] =	stream.indirect.scatter.add.f32 [tilespmem:s17], [sflag:$0x7], $0x1, s22, s16, $0xb8;
	[tilespmem:$0x1DF80] =	vst v63  }
0x354: {  	s31 =	simm.s32 $0x1080  }
0x355: {  	[tilespmem:s7], [sflag:$0x6] =	stream.indirect.gather [hbm4b:s1+s16], $0x80, s31, s16, $0xb8;
	[tilespmem:$0x1DF80] =	vst v63  }
0x356: {  	_ =	swait.ge [sflag:s12], $0x3E80  }
0x357: {  	[sflag:s12] =	ssyncset.done $0x0  }
0x358: {  	[sflag:s12] =	ssyncadd.s32 $0xFFFFC180  }
0x359: {  	[spmem:s2] =	stream.indirect.scatter.add.f32 [tilespmem:s10], [sflag:$0x8], $0x80, s19, s16, $0xb8;
	[tilespmem:$0x1DF80] =	vst v63  }
0x35a: {  	_ =	swait.ge [sflag:s11], $0x3E80  }
0x35b: {  	[sflag:s11] =	ssyncset.done $0x0  }
0x35c: {  	s31 =	simm.s32 $0x1100;
	[sflag:s11] =	ssyncadd.s32 $0xFFFFC180  }
0x35d: {  	[tilespmem:s10], [sflag:$0x5] =	stream.indirect.gather [hbm4b:s1+s16], $0x80, s31, s16, $0xb8;
	[tilespmem:$0x1DF80] =	vst v63  }
0x35e: {  	_ =	swait.ge [sflag:s8], $0x3E80  }
0x35f: {  	[sflag:s8] =	ssyncset.done $0x0  }
0x360: {  	[sflag:s8] =	ssyncadd.s32 $0xFFFFC180  }
0x361: {  	[spmem:s2] =	stream.indirect.scatter.add.f32 [tilespmem:s7], [sflag:$0x8], $0x80, s18, s16, $0xb8;
	[tilespmem:$0x1DF80] =	vst v63  }
0x362: {  	_ =	swait.ge [sflag:s11], $0x3E80  }
0x363: {  	[sflag:s11] =	ssyncset.done $0x0  }
0x364: {  	s19 =	simm.s32 $0x1180;
	[sflag:s11] =	ssyncadd.s32 $0xFFFFC180  }
0x365: {  	[tilespmem:s7], [sflag:$0x6] =	stream.indirect.gather [hbm4b:s1+s16], $0x80, s19, s16, $0xb8;
	[tilespmem:$0x1DF80] =	vst v63  }
0x366: {  	_ =	swait.ge [sflag:s12], $0x3E80  }
0x367: {  	[sflag:s12] =	ssyncset.done $0x0  }
0x368: {  	[sflag:s12] =	ssyncadd.s32 $0xFFFFC180  }
0x369: {  	[spmem:s2] =	stream.indirect.scatter.add.f32 [tilespmem:s10], [sflag:$0x8], $0x80, s6, s16, $0xb8;
	[tilespmem:$0x1DF80] =	vst v63  }
0x36a: {  	_ =	swait.ge [sflag:s11], $0x3E80  }
0x36b: {  	[sflag:s11] =	ssyncset.done $0x0  }
0x36c: {  	s31 =	simm.s32 $0x1200;
	[sflag:s11] =	ssyncadd.s32 $0xFFFFC180  }
0x36d: {  	[tilespmem:s10], [sflag:$0x5] =	stream.indirect.gather [hbm4b:s1+s16], $0x80, s31, s16, $0xb8;
	[tilespmem:$0x1DF80] =	vst v63  }
0x36e: {  	_ =	swait.ge [sflag:s8], $0x3E80  }
0x36f: {  	[sflag:s8] =	ssyncset.done $0x0  }
0x370: {  	[sflag:s8] =	ssyncadd.s32 $0xFFFFC180  }
0x371: {  	[spmem:s2] =	stream.indirect.scatter.add.f32 [tilespmem:s7], [sflag:$0x8], $0x80, s15, s16, $0xb8;
	[tilespmem:$0x1DF80] =	vst v63  }
0x372: {  	_ =	swait.ge [sflag:s11], $0x3E80  }
0x373: {  	[sflag:s11] =	ssyncset.done $0x0  }
0x374: {  	s18 =	simm.s32 $0x1280;
	[sflag:s11] =	ssyncadd.s32 $0xFFFFC180  }
0x375: {  	[tilespmem:s7], [sflag:$0x6] =	stream.indirect.gather [hbm4b:s1+s16], $0x80, s18, s16, $0xb8;
	[tilespmem:$0x1DF80] =	vst v63  }
0x376: {  	_ =	swait.ge [sflag:s12], $0x3E80  }
0x377: {  	[sflag:s12] =	ssyncset.done $0x0  }
0x378: {  	[sflag:s12] =	ssyncadd.s32 $0xFFFFC180  }
0x379: {  	[spmem:s2] =	stream.indirect.scatter.add.f32 [tilespmem:s10], [sflag:$0x8], $0x80, s14, s16, $0xb8;
	[tilespmem:$0x1DF80] =	vst v63  }
0x37a: {  	_ =	swait.ge [sflag:s11], $0x3E80  }
0x37b: {  	[sflag:s11] =	ssyncset.done $0x0  }
0x37c: {  	s19 =	simm.s32 $0x1300;
	[sflag:s11] =	ssyncadd.s32 $0xFFFFC180  }
0x37d: {  	[tilespmem:s10], [sflag:$0x5] =	stream.indirect.gather [hbm4b:s1+s16], $0x80, s19, s16, $0xb8;
	[tilespmem:$0x1DF80] =	vst v63  }
0x37e: {  	_ =	swait.ge [sflag:s8], $0x3E80  }
0x37f: {  	[sflag:s8] =	ssyncset.done $0x0  }
0x380: {  	[sflag:s8] =	ssyncadd.s32 $0xFFFFC180  }
0x381: {  	[spmem:s2] =	stream.indirect.scatter.add.f32 [tilespmem:s7], [sflag:$0x8], $0x80, s5, s16, $0xb8;
	[tilespmem:$0x1DF80] =	vst v63  }
0x382: {  	_ =	swait.ge [sflag:s11], $0x3E80  }
0x383: {  	[sflag:s11] =	ssyncset.done $0x0  }
0x384: {  	s31 =	simm.s32 $0x1380;
	[sflag:s11] =	ssyncadd.s32 $0xFFFFC180  }
0x385: {  	[tilespmem:s7], [sflag:$0x6] =	stream.indirect.gather [hbm4b:s1+s16], $0x80, s31, s16, $0xb8;
	[tilespmem:$0x1DF80] =	vst v63  }
0x386: {  	_ =	swait.ge [sflag:s12], $0x3E80  }
0x387: {  	[sflag:s12] =	ssyncset.done $0x0  }
0x388: {  	[sflag:s12] =	ssyncadd.s32 $0xFFFFC180  }
0x389: {  	[spmem:s2] =	stream.indirect.scatter.add.f32 [tilespmem:s10], [sflag:$0x8], $0x80, s0, s16, $0xb8;
	[tilespmem:$0x1DF80] =	vst v63  }
0x38a: {  	_ =	swait.ge [sflag:s11], $0x3E80  }
0x38b: {  	[sflag:s11] =	ssyncset.done $0x0  }
0x38c: {  	s5 =	simm.s32 $0x1400;
	[sflag:s11] =	ssyncadd.s32 $0xFFFFC180  }
0x38d: {  	[tilespmem:s10], [sflag:$0x5] =	stream.indirect.gather [hbm4b:s1+s16], $0x80, s5, s16, $0xb8;
	[tilespmem:$0x1DF80] =	vst v63  }
0x38e: {  	_ =	swait.ge [sflag:s8], $0x3E80  }
0x38f: {  	[sflag:s8] =	ssyncset.done $0x0  }
0x390: {  	[sflag:s8] =	ssyncadd.s32 $0xFFFFC180  }
0x391: {  	[spmem:s2] =	stream.indirect.scatter.add.f32 [tilespmem:s7], [sflag:$0x8], $0x80, s28, s16, $0xb8;
	[tilespmem:$0x1DF80] =	vst v63  }
0x392: {  	_ =	swait.ge [sflag:s11], $0x3E80  }
0x393: {  	[sflag:s11] =	ssyncset.done $0x0  }
0x394: {  	s6 =	simm.s32 $0x1480;
	[sflag:s11] =	ssyncadd.s32 $0xFFFFC180  }
0x395: {  	[tilespmem:s7], [sflag:$0x6] =	stream.indirect.gather [hbm4b:s1+s16], $0x80, s6, s16, $0xb8;
	[tilespmem:$0x1DF80] =	vst v63  }
0x396: {  	_ =	swait.ge [sflag:s12], $0x3E80  }
0x397: {  	[sflag:s12] =	ssyncset.done $0x0  }
0x398: {  	[sflag:s12] =	ssyncadd.s32 $0xFFFFC180  }
0x399: {  	[spmem:s2] =	stream.indirect.scatter.add.f32 [tilespmem:s10], [sflag:$0x8], $0x80, s26, s16, $0xb8;
	[tilespmem:$0x1DF80] =	vst v63  }
0x39a: {  	_ =	swait.ge [sflag:s11], $0x3E80  }
0x39b: {  	[sflag:s11] =	ssyncset.done $0x0  }
0x39c: {  	s14 =	simm.s32 $0x1500;
	[sflag:s11] =	ssyncadd.s32 $0xFFFFC180  }
0x39d: {  	[tilespmem:s10], [sflag:$0x5] =	stream.indirect.gather [hbm4b:s1+s16], $0x80, s14, s16, $0xb8;
	[tilespmem:$0x1DF80] =	vst v63  }
0x39e: {  	_ =	swait.ge [sflag:s8], $0x3E80  }
0x39f: {  	[sflag:s8] =	ssyncset.done $0x0  }
0x3a0: {  	[sflag:s8] =	ssyncadd.s32 $0xFFFFC180  }
0x3a1: {  	[spmem:s2] =	stream.indirect.scatter.add.f32 [tilespmem:s7], [sflag:$0x8], $0x80, s9, s16, $0xb8;
	[tilespmem:$0x1DF80] =	vst v63  }
0x3a2: {  	_ =	swait.ge [sflag:s11], $0x3E80  }
0x3a3: {  	[sflag:s11] =	ssyncset.done $0x0  }
0x3a4: {  	s15 =	simm.s32 $0x1580;
	[sflag:s11] =	ssyncadd.s32 $0xFFFFC180  }
0x3a5: {  	[tilespmem:s7], [sflag:$0x6] =	stream.indirect.gather [hbm4b:s1+s16], $0x80, s15, s16, $0xb8;
	[tilespmem:$0x1DF80] =	vst v63  }
0x3a6: {  	_ =	swait.ge [sflag:s12], $0x3E80  }
0x3a7: {  	[sflag:s12] =	ssyncset.done $0x0  }
0x3a8: {  	[sflag:s12] =	ssyncadd.s32 $0xFFFFC180  }
0x3a9: {  	[spmem:s2] =	stream.indirect.scatter.add.f32 [tilespmem:s10], [sflag:$0x8], $0x80, s4, s16, $0xb8;
	[tilespmem:$0x1DF80] =	vst v63  }
0x3aa: {  	_ =	swait.ge [sflag:s11], $0x3E80  }
0x3ab: {  	[sflag:s11] =	ssyncset.done $0x0  }
0x3ac: {  	s18 =	simm.s32 $0x1600;
	[sflag:s11] =	ssyncadd.s32 $0xFFFFC180  }
0x3ad: {  	[tilespmem:s10], [sflag:$0x5] =	stream.indirect.gather [hbm4b:s1+s16], $0x80, s18, s16, $0xb8;
	[tilespmem:$0x1DF80] =	vst v63  }
0x3ae: {  	_ =	swait.ge [sflag:s8], $0x3E80  }
0x3af: {  	[sflag:s8] =	ssyncset.done $0x0  }
0x3b0: {  	[sflag:s8] =	ssyncadd.s32 $0xFFFFC180  }
0x3b1: {  	[spmem:s2] =	stream.indirect.scatter.add.f32 [tilespmem:s7], [sflag:$0x8], $0x80, s20, s16, $0xb8;
	[tilespmem:$0x1DF80] =	vst v63  }
0x3b2: {  	_ =	swait.ge [sflag:s11], $0x3E80  }
0x3b3: {  	[sflag:s11] =	ssyncset.done $0x0  }
0x3b4: {  	s19 =	simm.s32 $0x1680;
	[sflag:s11] =	ssyncadd.s32 $0xFFFFC180  }
0x3b5: {  	[tilespmem:s7], [sflag:$0x6] =	stream.indirect.gather [hbm4b:s1+s16], $0x80, s19, s16, $0xb8;
	[tilespmem:$0x1DF80] =	vst v63  }
0x3b6: {  	_ =	swait.ge [sflag:s12], $0x3E80  }
0x3b7: {  	[sflag:s12] =	ssyncset.done $0x0  }
0x3b8: {  	[sflag:s12] =	ssyncadd.s32 $0xFFFFC180  }
0x3b9: {  	[spmem:s2] =	stream.indirect.scatter.add.f32 [tilespmem:s10], [sflag:$0x8], $0x80, s29, s16, $0xb8;
	[tilespmem:$0x1DF80] =	vst v63  }
0x3ba: {  	_ =	swait.ge [sflag:s11], $0x3E80  }
0x3bb: {  	[sflag:s11] =	ssyncset.done $0x0  }
0x3bc: {  	s20 =	simm.s32 $0x1700;
	[sflag:s11] =	ssyncadd.s32 $0xFFFFC180  }
0x3bd: {  	[tilespmem:s10], [sflag:$0x5] =	stream.indirect.gather [hbm4b:s1+s16], $0x80, s20, s16, $0xb8;
	[tilespmem:$0x1DF80] =	vst v63  }
0x3be: {  	_ =	swait.ge [sflag:s8], $0x3E80  }
0x3bf: {  	[sflag:s8] =	ssyncset.done $0x0  }
0x3c0: {  	[sflag:s8] =	ssyncadd.s32 $0xFFFFC180  }
0x3c1: {  	[spmem:s2] =	stream.indirect.scatter.add.f32 [tilespmem:s7], [sflag:$0x8], $0x80, s23, s16, $0xb8;
	[tilespmem:$0x1DF80] =	vst v63  }
0x3c2: {  	_ =	swait.ge [sflag:s11], $0x3E80  }
0x3c3: {  	[sflag:s11] =	ssyncset.done $0x0  }
0x3c4: {  	[sflag:s11] =	ssyncadd.s32 $0xFFFFC180  }
0x3c5: {  	[tilespmem:s7], [sflag:$0x6] =	stream.indirect.gather [hbm4b:s1+s16], $0x80, s24, s16, $0xb8;
	[tilespmem:$0x1DF80] =	vst v63  }
0x3c6: {  	_ =	swait.ge [sflag:s12], $0x3E80  }
0x3c7: {  	[sflag:s12] =	ssyncset.done $0x0  }
0x3c8: {  	[sflag:s12] =	ssyncadd.s32 $0xFFFFC180  }
0x3c9: {  	[spmem:s2] =	stream.indirect.scatter.add.f32 [tilespmem:s10], [sflag:$0x8], $0x80, s21, s16, $0xb8;
	[tilespmem:$0x1DF80] =	vst v63  }
0x3ca: {  	_ =	swait.ge [sflag:s11], $0x3E80  }
0x3cb: {  	[sflag:s11] =	ssyncset.done $0x0  }
0x3cc: {  	[sflag:s11] =	ssyncadd.s32 $0xFFFFC180  }
0x3cd: {  	[tilespmem:s10], [sflag:$0x5] =	stream.indirect.gather [hbm4b:s1+s16], $0x80, s24, s16, $0xb8;
	[tilespmem:$0x1DF80] =	vst v63  }
0x3ce: {  	_ =	swait.ge [sflag:s8], $0x3E80  }
0x3cf: {  	[sflag:s8] =	ssyncset.done $0x0  }
0x3d0: {  	[sflag:s8] =	ssyncadd.s32 $0xFFFFC180  }
0x3d1: {  	[spmem:s2] =	stream.indirect.scatter.add.f32 [tilespmem:s7], [sflag:$0x8], $0x80, s22, s16, $0xb8;
	[tilespmem:$0x1DF80] =	vst v63  }
0x3d2: {  	_ =	swait.ge [sflag:s11], $0x3E80  }
0x3d3: {  	[sflag:s11] =	ssyncset.done $0x0  }
0x3d4: {  	[sflag:s11] =	ssyncadd.s32 $0xFFFFC180  }
0x3d5: {  	_ =	swait.ge [sflag:s12], $0x3E80  }
0x3d6: {  	[sflag:s12] =	ssyncset.done $0x0  }
0x3d7: {  	[sflag:s12] =	ssyncadd.s32 $0xFFFFC180  }
0x3d8: {  	_ =	swait.ge [sflag:s13], $0x7D  }
0x3d9: {  	[sflag:s13] =	ssyncset.done $0x0  }
0x3da: {  	[sflag:s13] =	ssyncadd.s32 $0xFFFFFF83  }
0x3db: {  	_ =	swait.ge [sflag:s13], $0x7D  }
0x3dc: {  	[sflag:s13] =	ssyncset.done $0x0  }
0x3dd: {  	[sflag:s13] =	ssyncadd.s32 $0xFFFFFF83  }
0x3de: {  	_ =	swait.ge [sflag:s13], $0x7D  }
0x3df: {  	[sflag:s13] =	ssyncset.done $0x0  }
0x3e0: {  	[sflag:s13] =	ssyncadd.s32 $0xFFFFFF83  }
0x3e1: {  	_ =	swait.ge [sflag:s13], $0x7D  }
0x3e2: {  	[sflag:s13] =	ssyncset.done $0x0  }
0x3e3: {  	[sflag:s13] =	ssyncadd.s32 $0xFFFFFF83  }
0x3e4: {  	_ =	swait.ge [sflag:s13], $0x7D  }
0x3e5: {  	[sflag:s13] =	ssyncset.done $0x0  }
0x3e6: {  	[sflag:s13] =	ssyncadd.s32 $0xFFFFFF83  }
0x3e7: {  	_ =	swait.ge [sflag:s13], $0x7D  }
0x3e8: {  	[sflag:s13] =	ssyncset.done $0x0  }
0x3e9: {  	[sflag:s13] =	ssyncadd.s32 $0xFFFFFF83  }
0x3ea: {  	_ =	swait.ge [sflag:s13], $0x7D  }
0x3eb: {  	[sflag:s13] =	ssyncset.done $0x0  }
0x3ec: {  	[sflag:s13] =	ssyncadd.s32 $0xFFFFFF83  }
0x3ed: {  	_ =	swait.ge [sflag:s13], $0x7D  }
0x3ee: {  	[sflag:s13] =	ssyncset.done $0x0  }
0x3ef: {  	[sflag:s13] =	ssyncadd.s32 $0xFFFFFF83  }
0x3f0: {  	_ =	swait.ge [sflag:s13], $0x7D  }
0x3f1: {  	[sflag:s13] =	ssyncset.done $0x0  }
0x3f2: {  	[sflag:s13] =	ssyncadd.s32 $0xFFFFFF83  }
0x3f3: {  	_ =	swait.ge [sflag:s13], $0x7D  }
0x3f4: {  	[sflag:s13] =	ssyncset.done $0x0  }
0x3f5: {  	[sflag:s13] =	ssyncadd.s32 $0xFFFFFF83  }
0x3f6: {  	_ =	swait.ge [sflag:s13], $0x7D  }
0x3f7: {  	[sflag:s13] =	ssyncset.done $0x0  }
0x3f8: {  	[sflag:s13] =	ssyncadd.s32 $0xFFFFFF83  }
0x3f9: {  	_ =	swait.ge [sflag:s13], $0x7D  }
0x3fa: {  	[sflag:s13] =	ssyncset.done $0x0  }
0x3fb: {  	[sflag:s13] =	ssyncadd.s32 $0xFFFFFF83  }
0x3fc: {  	_ =	swait.ge [sflag:s13], $0x7D  }
0x3fd: {  	[sflag:s13] =	ssyncset.done $0x0  }
0x3fe: {  	[sflag:s13] =	ssyncadd.s32 $0xFFFFFF83  }
0x3ff: {  	_ =	swait.ge [sflag:s13], $0x7D  }
0x400: {  	[sflag:s13] =	ssyncset.done $0x0  }
0x401: {  	[sflag:s13] =	ssyncadd.s32 $0xFFFFFF83  }
0x402: {  	_ =	swait.ge [sflag:s13], $0x7D  }
0x403: {  	[sflag:s13] =	ssyncset.done $0x0  }
0x404: {  	[sflag:s13] =	ssyncadd.s32 $0xFFFFFF83  }
0x405: {  	_ =	swait.ge [sflag:s13], $0x7D  }
0x406: {  	[sflag:s13] =	ssyncset.done $0x0  }
0x407: {  	s26 =	simm.s32 $0x1;
	[sflag:s13] =	ssyncadd.s32 $0xFFFFFF83  }
0x408: {  	_ =	swait.ge [sflag:s26], $0x800  }
0x409: {  	[sflag:s26] =	ssyncset.done $0x0  }
0x40a: {  	s28 =	simm.s32 $0x2;
	[sflag:s26] =	ssyncadd.s32 $0xFFFFF800  }
0x40b: {  	_ =	swait.ge [sflag:s28], $0x800  }
0x40c: {  	[sflag:s28] =	ssyncset.done $0x0  }
0x40d: {  	s30 =	simm.s32 $0x0;
	[sflag:s28] =	ssyncadd.s32 $0xFFFFF800  }
0x40e: {  	[tilespmem:s10], [sflag:$0x5] =	stream.indirect.gather [hbm4b:s1+s16], $0x80, s30, s16, $0xb8;
	[tilespmem:$0x1DF80] =	vst v63  }
0x40f: {  	s29 =	simm.s32 $0x800  }
0x410: {  	[spmem:s3] =	stream.indirect.scatter.add.f32 [tilespmem:s17], [sflag:$0x7], $0x1, s29, s16, $0xb8;
	[tilespmem:$0x1DF80] =	vst v63  }
0x411: {  	s28 =	simm.s32 $0x880  }
0x412: {  	[spmem:s3] =	stream.indirect.scatter.add.f32 [tilespmem:s17], [sflag:$0x7], $0x1, s28, s16, $0xb8;
	[tilespmem:$0x1DF80] =	vst v63  }
0x413: {  	s26 =	simm.s32 $0x900  }
0x414: {  	[spmem:s3] =	stream.indirect.scatter.add.f32 [tilespmem:s17], [sflag:$0x7], $0x1, s26, s16, $0xb8;
	[tilespmem:$0x1DF80] =	vst v63  }
0x415: {  	s24 =	simm.s32 $0x980  }
0x416: {  	[spmem:s3] =	stream.indirect.scatter.add.f32 [tilespmem:s17], [sflag:$0x7], $0x1, s24, s16, $0xb8;
	[tilespmem:$0x1DF80] =	vst v63  }
0x417: {  	s23 =	simm.s32 $0xA00  }
0x418: {  	[spmem:s3] =	stream.indirect.scatter.add.f32 [tilespmem:s17], [sflag:$0x7], $0x1, s23, s16, $0xb8;
	[tilespmem:$0x1DF80] =	vst v63  }
0x419: {  	s22 =	simm.s32 $0xA80  }
0x41a: {  	[spmem:s3] =	stream.indirect.scatter.add.f32 [tilespmem:s17], [sflag:$0x7], $0x1, s22, s16, $0xb8;
	[tilespmem:$0x1DF80] =	vst v63  }
0x41b: {  	s4 =	simm.s32 $0xB00  }
0x41c: {  	[spmem:s3] =	stream.indirect.scatter.add.f32 [tilespmem:s17], [sflag:$0x7], $0x1, s4, s16, $0xb8;
	[tilespmem:$0x1DF80] =	vst v63  }
0x41d: {  	s21 =	simm.s32 $0xB80  }
0x41e: {  	[spmem:s3] =	stream.indirect.scatter.add.f32 [tilespmem:s17], [sflag:$0x7], $0x1, s21, s16, $0xb8;
	[tilespmem:$0x1DF80] =	vst v63  }
0x41f: {  	s20 =	simm.s32 $0xC00  }
0x420: {  	[spmem:s3] =	stream.indirect.scatter.add.f32 [tilespmem:s17], [sflag:$0x7], $0x1, s20, s16, $0xb8;
	[tilespmem:$0x1DF80] =	vst v63  }
0x421: {  	s9 =	simm.s32 $0xC80  }
0x422: {  	[spmem:s3] =	stream.indirect.scatter.add.f32 [tilespmem:s17], [sflag:$0x7], $0x1, s9, s16, $0xb8;
	[tilespmem:$0x1DF80] =	vst v63  }
0x423: {  	s19 =	simm.s32 $0xD00  }
0x424: {  	[spmem:s3] =	stream.indirect.scatter.add.f32 [tilespmem:s17], [sflag:$0x7], $0x1, s19, s16, $0xb8;
	[tilespmem:$0x1DF80] =	vst v63  }
0x425: {  	s18 =	simm.s32 $0xD80  }
0x426: {  	[spmem:s3] =	stream.indirect.scatter.add.f32 [tilespmem:s17], [sflag:$0x7], $0x1, s18, s16, $0xb8;
	[tilespmem:$0x1DF80] =	vst v63  }
0x427: {  	s15 =	simm.s32 $0xE00  }
0x428: {  	[spmem:s3] =	stream.indirect.scatter.add.f32 [tilespmem:s17], [sflag:$0x7], $0x1, s15, s16, $0xb8;
	[tilespmem:$0x1DF80] =	vst v63  }
0x429: {  	s14 =	simm.s32 $0xE80  }
0x42a: {  	[spmem:s3] =	stream.indirect.scatter.add.f32 [tilespmem:s17], [sflag:$0x7], $0x1, s14, s16, $0xb8;
	[tilespmem:$0x1DF80] =	vst v63  }
0x42b: {  	s6 =	simm.s32 $0xF00  }
0x42c: {  	[spmem:s3] =	stream.indirect.scatter.add.f32 [tilespmem:s17], [sflag:$0x7], $0x1, s6, s16, $0xb8;
	[tilespmem:$0x1DF80] =	vst v63  }
0x42d: {  	s5 =	simm.s32 $0xF80  }
0x42e: {  	[spmem:s3] =	stream.indirect.scatter.add.f32 [tilespmem:s17], [sflag:$0x7], $0x1, s5, s16, $0xb8;
	[tilespmem:$0x1DF80] =	vst v63  }
0x42f: {  	s31 =	simm.s32 $0x80  }
0x430: {  	[tilespmem:s7], [sflag:$0x6] =	stream.indirect.gather [hbm4b:s1+s16], $0x80, s31, s16, $0xb8;
	[tilespmem:$0x1DF80] =	vst v63  }
0x431: {  	_ =	swait.ge [sflag:s12], $0x3E80  }
0x432: {  	[sflag:s12] =	ssyncset.done $0x0  }
0x433: {  	s29 =	simm.s32 $0x800;
	[sflag:s12] =	ssyncadd.s32 $0xFFFFC180  }
0x434: {  	[spmem:s2] =	stream.indirect.scatter.add.f32 [tilespmem:s10], [sflag:$0x8], $0x80, s29, s16, $0xb8;
	[tilespmem:$0x1DF80] =	vst v63  }
0x435: {  	_ =	swait.ge [sflag:s11], $0x3E80  }
0x436: {  	[sflag:s11] =	ssyncset.done $0x0  }
0x437: {  	s31 =	simm.s32 $0x100;
	[sflag:s11] =	ssyncadd.s32 $0xFFFFC180  }
0x438: {  	[tilespmem:s10], [sflag:$0x5] =	stream.indirect.gather [hbm4b:s1+s16], $0x80, s31, s16, $0xb8;
	[tilespmem:$0x1DF80] =	vst v63  }
0x439: {  	_ =	swait.ge [sflag:s8], $0x3E80  }
0x43a: {  	[sflag:s8] =	ssyncset.done $0x0  }
0x43b: {  	[sflag:s8] =	ssyncadd.s32 $0xFFFFC180  }
0x43c: {  	[spmem:s2] =	stream.indirect.scatter.add.f32 [tilespmem:s7], [sflag:$0x8], $0x80, s28, s16, $0xb8;
	[tilespmem:$0x1DF80] =	vst v63  }
0x43d: {  	_ =	swait.ge [sflag:s11], $0x3E80  }
0x43e: {  	[sflag:s11] =	ssyncset.done $0x0  }
0x43f: {  	s28 =	simm.s32 $0x180;
	[sflag:s11] =	ssyncadd.s32 $0xFFFFC180  }
0x440: {  	[tilespmem:s7], [sflag:$0x6] =	stream.indirect.gather [hbm4b:s1+s16], $0x80, s28, s16, $0xb8;
	[tilespmem:$0x1DF80] =	vst v63  }
0x441: {  	_ =	swait.ge [sflag:s12], $0x3E80  }
0x442: {  	[sflag:s12] =	ssyncset.done $0x0  }
0x443: {  	[sflag:s12] =	ssyncadd.s32 $0xFFFFC180  }
0x444: {  	[spmem:s2] =	stream.indirect.scatter.add.f32 [tilespmem:s10], [sflag:$0x8], $0x80, s26, s16, $0xb8;
	[tilespmem:$0x1DF80] =	vst v63  }
0x445: {  	_ =	swait.ge [sflag:s11], $0x3E80  }
0x446: {  	[sflag:s11] =	ssyncset.done $0x0  }
0x447: {  	s29 =	simm.s32 $0x200;
	[sflag:s11] =	ssyncadd.s32 $0xFFFFC180  }
0x448: {  	[tilespmem:s10], [sflag:$0x5] =	stream.indirect.gather [hbm4b:s1+s16], $0x80, s29, s16, $0xb8;
	[tilespmem:$0x1DF80] =	vst v63  }
0x449: {  	_ =	swait.ge [sflag:s8], $0x3E80  }
0x44a: {  	[sflag:s8] =	ssyncset.done $0x0  }
0x44b: {  	[sflag:s8] =	ssyncadd.s32 $0xFFFFC180  }
0x44c: {  	[spmem:s2] =	stream.indirect.scatter.add.f32 [tilespmem:s7], [sflag:$0x8], $0x80, s24, s16, $0xb8;
	[tilespmem:$0x1DF80] =	vst v63  }
0x44d: {  	_ =	swait.ge [sflag:s11], $0x3E80  }
0x44e: {  	[sflag:s11] =	ssyncset.done $0x0  }
0x44f: {  	s31 =	simm.s32 $0x280;
	[sflag:s11] =	ssyncadd.s32 $0xFFFFC180  }
0x450: {  	[tilespmem:s7], [sflag:$0x6] =	stream.indirect.gather [hbm4b:s1+s16], $0x80, s31, s16, $0xb8;
	[tilespmem:$0x1DF80] =	vst v63  }
0x451: {  	_ =	swait.ge [sflag:s12], $0x3E80  }
0x452: {  	[sflag:s12] =	ssyncset.done $0x0  }
0x453: {  	[sflag:s12] =	ssyncadd.s32 $0xFFFFC180  }
0x454: {  	[spmem:s2] =	stream.indirect.scatter.add.f32 [tilespmem:s10], [sflag:$0x8], $0x80, s23, s16, $0xb8;
	[tilespmem:$0x1DF80] =	vst v63  }
0x455: {  	_ =	swait.ge [sflag:s11], $0x3E80  }
0x456: {  	[sflag:s11] =	ssyncset.done $0x0  }
0x457: {  	s24 =	simm.s32 $0x300;
	[sflag:s11] =	ssyncadd.s32 $0xFFFFC180  }
0x458: {  	[tilespmem:s10], [sflag:$0x5] =	stream.indirect.gather [hbm4b:s1+s16], $0x80, s24, s16, $0xb8;
	[tilespmem:$0x1DF80] =	vst v63  }
0x459: {  	_ =	swait.ge [sflag:s8], $0x3E80  }
0x45a: {  	[sflag:s8] =	ssyncset.done $0x0  }
0x45b: {  	[sflag:s8] =	ssyncadd.s32 $0xFFFFC180  }
0x45c: {  	[spmem:s2] =	stream.indirect.scatter.add.f32 [tilespmem:s7], [sflag:$0x8], $0x80, s22, s16, $0xb8;
	[tilespmem:$0x1DF80] =	vst v63  }
0x45d: {  	_ =	swait.ge [sflag:s11], $0x3E80  }
0x45e: {  	[sflag:s11] =	ssyncset.done $0x0  }
0x45f: {  	s26 =	simm.s32 $0x380;
	[sflag:s11] =	ssyncadd.s32 $0xFFFFC180  }
0x460: {  	[tilespmem:s7], [sflag:$0x6] =	stream.indirect.gather [hbm4b:s1+s16], $0x80, s26, s16, $0xb8;
	[tilespmem:$0x1DF80] =	vst v63  }
0x461: {  	_ =	swait.ge [sflag:s12], $0x3E80  }
0x462: {  	[sflag:s12] =	ssyncset.done $0x0  }
0x463: {  	[sflag:s12] =	ssyncadd.s32 $0xFFFFC180  }
0x464: {  	[spmem:s2] =	stream.indirect.scatter.add.f32 [tilespmem:s10], [sflag:$0x8], $0x80, s4, s16, $0xb8;
	[tilespmem:$0x1DF80] =	vst v63  }
0x465: {  	_ =	swait.ge [sflag:s11], $0x3E80  }
0x466: {  	[sflag:s11] =	ssyncset.done $0x0  }
0x467: {  	s28 =	simm.s32 $0x400;
	[sflag:s11] =	ssyncadd.s32 $0xFFFFC180  }
0x468: {  	[tilespmem:s10], [sflag:$0x5] =	stream.indirect.gather [hbm4b:s1+s16], $0x80, s28, s16, $0xb8;
	[tilespmem:$0x1DF80] =	vst v63  }
0x469: {  	_ =	swait.ge [sflag:s8], $0x3E80  }
0x46a: {  	[sflag:s8] =	ssyncset.done $0x0  }
0x46b: {  	[sflag:s8] =	ssyncadd.s32 $0xFFFFC180  }
0x46c: {  	[spmem:s2] =	stream.indirect.scatter.add.f32 [tilespmem:s7], [sflag:$0x8], $0x80, s21, s16, $0xb8;
	[tilespmem:$0x1DF80] =	vst v63  }
0x46d: {  	_ =	swait.ge [sflag:s11], $0x3E80  }
0x46e: {  	[sflag:s11] =	ssyncset.done $0x0  }
0x46f: {  	s29 =	simm.s32 $0x480;
	[sflag:s11] =	ssyncadd.s32 $0xFFFFC180  }
0x470: {  	[tilespmem:s7], [sflag:$0x6] =	stream.indirect.gather [hbm4b:s1+s16], $0x80, s29, s16, $0xb8;
	[tilespmem:$0x1DF80] =	vst v63  }
0x471: {  	_ =	swait.ge [sflag:s12], $0x3E80  }
0x472: {  	[sflag:s12] =	ssyncset.done $0x0  }
0x473: {  	[sflag:s12] =	ssyncadd.s32 $0xFFFFC180  }
0x474: {  	[spmem:s2] =	stream.indirect.scatter.add.f32 [tilespmem:s10], [sflag:$0x8], $0x80, s20, s16, $0xb8;
	[tilespmem:$0x1DF80] =	vst v63  }
0x475: {  	_ =	swait.ge [sflag:s11], $0x3E80  }
0x476: {  	[sflag:s11] =	ssyncset.done $0x0  }
0x477: {  	s31 =	simm.s32 $0x500;
	[sflag:s11] =	ssyncadd.s32 $0xFFFFC180  }
0x478: {  	[tilespmem:s10], [sflag:$0x5] =	stream.indirect.gather [hbm4b:s1+s16], $0x80, s31, s16, $0xb8;
	[tilespmem:$0x1DF80] =	vst v63  }
0x479: {  	_ =	swait.ge [sflag:s8], $0x3E80  }
0x47a: {  	[sflag:s8] =	ssyncset.done $0x0  }
0x47b: {  	[sflag:s8] =	ssyncadd.s32 $0xFFFFC180  }
0x47c: {  	[spmem:s2] =	stream.indirect.scatter.add.f32 [tilespmem:s7], [sflag:$0x8], $0x80, s9, s16, $0xb8;
	[tilespmem:$0x1DF80] =	vst v63  }
0x47d: {  	_ =	swait.ge [sflag:s11], $0x3E80  }
0x47e: {  	[sflag:s11] =	ssyncset.done $0x0  }
0x47f: {  	s9 =	simm.s32 $0x580;
	[sflag:s11] =	ssyncadd.s32 $0xFFFFC180  }
0x480: {  	[tilespmem:s7], [sflag:$0x6] =	stream.indirect.gather [hbm4b:s1+s16], $0x80, s9, s16, $0xb8;
	[tilespmem:$0x1DF80] =	vst v63  }
0x481: {  	_ =	swait.ge [sflag:s12], $0x3E80  }
0x482: {  	[sflag:s12] =	ssyncset.done $0x0  }
0x483: {  	[sflag:s12] =	ssyncadd.s32 $0xFFFFC180  }
0x484: {  	[spmem:s2] =	stream.indirect.scatter.add.f32 [tilespmem:s10], [sflag:$0x8], $0x80, s19, s16, $0xb8;
	[tilespmem:$0x1DF80] =	vst v63  }
0x485: {  	_ =	swait.ge [sflag:s11], $0x3E80  }
0x486: {  	[sflag:s11] =	ssyncset.done $0x0  }
0x487: {  	s21 =	simm.s32 $0x600;
	[sflag:s11] =	ssyncadd.s32 $0xFFFFC180  }
0x488: {  	[tilespmem:s10], [sflag:$0x5] =	stream.indirect.gather [hbm4b:s1+s16], $0x80, s21, s16, $0xb8;
	[tilespmem:$0x1DF80] =	vst v63  }
0x489: {  	_ =	swait.ge [sflag:s8], $0x3E80  }
0x48a: {  	[sflag:s8] =	ssyncset.done $0x0  }
0x48b: {  	[sflag:s8] =	ssyncadd.s32 $0xFFFFC180  }
0x48c: {  	[spmem:s2] =	stream.indirect.scatter.add.f32 [tilespmem:s7], [sflag:$0x8], $0x80, s18, s16, $0xb8;
	[tilespmem:$0x1DF80] =	vst v63  }
0x48d: {  	_ =	swait.ge [sflag:s11], $0x3E80  }
0x48e: {  	[sflag:s11] =	ssyncset.done $0x0  }
0x48f: {  	s22 =	simm.s32 $0x680;
	[sflag:s11] =	ssyncadd.s32 $0xFFFFC180  }
0x490: {  	[tilespmem:s7], [sflag:$0x6] =	stream.indirect.gather [hbm4b:s1+s16], $0x80, s22, s16, $0xb8;
	[tilespmem:$0x1DF80] =	vst v63  }
0x491: {  	_ =	swait.ge [sflag:s12], $0x3E80  }
0x492: {  	[sflag:s12] =	ssyncset.done $0x0  }
0x493: {  	[sflag:s12] =	ssyncadd.s32 $0xFFFFC180  }
0x494: {  	[spmem:s2] =	stream.indirect.scatter.add.f32 [tilespmem:s10], [sflag:$0x8], $0x80, s15, s16, $0xb8;
	[tilespmem:$0x1DF80] =	vst v63  }
0x495: {  	_ =	swait.ge [sflag:s11], $0x3E80  }
0x496: {  	[sflag:s11] =	ssyncset.done $0x0  }
0x497: {  	s23 =	simm.s32 $0x700;
	[sflag:s11] =	ssyncadd.s32 $0xFFFFC180  }
0x498: {  	[tilespmem:s10], [sflag:$0x5] =	stream.indirect.gather [hbm4b:s1+s16], $0x80, s23, s16, $0xb8;
	[tilespmem:$0x1DF80] =	vst v63  }
0x499: {  	_ =	swait.ge [sflag:s8], $0x3E80  }
0x49a: {  	[sflag:s8] =	ssyncset.done $0x0  }
0x49b: {  	[sflag:s8] =	ssyncadd.s32 $0xFFFFC180  }
0x49c: {  	[spmem:s2] =	stream.indirect.scatter.add.f32 [tilespmem:s7], [sflag:$0x8], $0x80, s14, s16, $0xb8;
	[tilespmem:$0x1DF80] =	vst v63  }
0x49d: {  	_ =	swait.ge [sflag:s11], $0x3E80  }
0x49e: {  	[sflag:s11] =	ssyncset.done $0x0  }
0x49f: {  	s25 =	simm.s32 $0x780;
	[sflag:s11] =	ssyncadd.s32 $0xFFFFC180  }
0x4a0: {  	[tilespmem:s7], [sflag:$0x6] =	stream.indirect.gather [hbm4b:s1+s16], $0x80, s25, s16, $0xb8;
	[tilespmem:$0x1DF80] =	vst v63  }
0x4a1: {  	_ =	swait.ge [sflag:s12], $0x3E80  }
0x4a2: {  	[sflag:s12] =	ssyncset.done $0x0  }
0x4a3: {  	[sflag:s12] =	ssyncadd.s32 $0xFFFFC180  }
0x4a4: {  	[spmem:s2] =	stream.indirect.scatter.add.f32 [tilespmem:s10], [sflag:$0x8], $0x80, s6, s16, $0xb8;
	[tilespmem:$0x1DF80] =	vst v63  }
0x4a5: {  	_ =	swait.ge [sflag:s11], $0x3E80  }
0x4a6: {  	[sflag:s11] =	ssyncset.done $0x0  }
0x4a7: {  	[sflag:s11] =	ssyncadd.s32 $0xFFFFC180  }
0x4a8: {  	[tilespmem:s10], [sflag:$0x5] =	stream.indirect.gather [hbm4b:s1+s16], $0x80, s25, s16, $0xb8;
	[tilespmem:$0x1DF80] =	vst v63  }
0x4a9: {  	_ =	swait.ge [sflag:s8], $0x3E80  }
0x4aa: {  	[sflag:s8] =	ssyncset.done $0x0  }
0x4ab: {  	[sflag:s8] =	ssyncadd.s32 $0xFFFFC180  }
0x4ac: {  	[spmem:s2] =	stream.indirect.scatter.add.f32 [tilespmem:s7], [sflag:$0x8], $0x80, s5, s16, $0xb8;
	[tilespmem:$0x1DF80] =	vst v63  }
0x4ad: {  	_ =	swait.ge [sflag:s11], $0x3E80  }
0x4ae: {  	[sflag:s11] =	ssyncset.done $0x0  }
0x4af: {  	[sflag:s11] =	ssyncadd.s32 $0xFFFFC180  }
0x4b0: {  	_ =	swait.ge [sflag:s12], $0x3E80  }
0x4b1: {  	[sflag:s12] =	ssyncset.done $0x0  }
0x4b2: {  	[sflag:s12] =	ssyncadd.s32 $0xFFFFC180  }
0x4b3: {  	_ =	swait.ge [sflag:s13], $0x7D  }
0x4b4: {  	[sflag:s13] =	ssyncset.done $0x0  }
0x4b5: {  	[sflag:s13] =	ssyncadd.s32 $0xFFFFFF83  }
0x4b6: {  	_ =	swait.ge [sflag:s13], $0x7D  }
0x4b7: {  	[sflag:s13] =	ssyncset.done $0x0  }
0x4b8: {  	[sflag:s13] =	ssyncadd.s32 $0xFFFFFF83  }
0x4b9: {  	_ =	swait.ge [sflag:s13], $0x7D  }
0x4ba: {  	[sflag:s13] =	ssyncset.done $0x0  }
0x4bb: {  	[sflag:s13] =	ssyncadd.s32 $0xFFFFFF83  }
0x4bc: {  	_ =	swait.ge [sflag:s13], $0x7D  }
0x4bd: {  	[sflag:s13] =	ssyncset.done $0x0  }
0x4be: {  	[sflag:s13] =	ssyncadd.s32 $0xFFFFFF83  }
0x4bf: {  	_ =	swait.ge [sflag:s13], $0x7D  }
0x4c0: {  	[sflag:s13] =	ssyncset.done $0x0  }
0x4c1: {  	[sflag:s13] =	ssyncadd.s32 $0xFFFFFF83  }
0x4c2: {  	_ =	swait.ge [sflag:s13], $0x7D  }
0x4c3: {  	[sflag:s13] =	ssyncset.done $0x0  }
0x4c4: {  	[sflag:s13] =	ssyncadd.s32 $0xFFFFFF83  }
0x4c5: {  	_ =	swait.ge [sflag:s13], $0x7D  }
0x4c6: {  	[sflag:s13] =	ssyncset.done $0x0  }
0x4c7: {  	[sflag:s13] =	ssyncadd.s32 $0xFFFFFF83  }
0x4c8: {  	_ =	swait.ge [sflag:s13], $0x7D  }
0x4c9: {  	[sflag:s13] =	ssyncset.done $0x0  }
0x4ca: {  	[sflag:s13] =	ssyncadd.s32 $0xFFFFFF83  }
0x4cb: {  	_ =	swait.ge [sflag:s13], $0x7D  }
0x4cc: {  	[sflag:s13] =	ssyncset.done $0x0  }
0x4cd: {  	[sflag:s13] =	ssyncadd.s32 $0xFFFFFF83  }
0x4ce: {  	_ =	swait.ge [sflag:s13], $0x7D  }
0x4cf: {  	[sflag:s13] =	ssyncset.done $0x0  }
0x4d0: {  	[sflag:s13] =	ssyncadd.s32 $0xFFFFFF83  }
0x4d1: {  	_ =	swait.ge [sflag:s13], $0x7D  }
0x4d2: {  	[sflag:s13] =	ssyncset.done $0x0  }
0x4d3: {  	[sflag:s13] =	ssyncadd.s32 $0xFFFFFF83  }
0x4d4: {  	_ =	swait.ge [sflag:s13], $0x7D  }
0x4d5: {  	[sflag:s13] =	ssyncset.done $0x0  }
0x4d6: {  	[sflag:s13] =	ssyncadd.s32 $0xFFFFFF83  }
0x4d7: {  	_ =	swait.ge [sflag:s13], $0x7D  }
0x4d8: {  	[sflag:s13] =	ssyncset.done $0x0  }
0x4d9: {  	[sflag:s13] =	ssyncadd.s32 $0xFFFFFF83  }
0x4da: {  	_ =	swait.ge [sflag:s13], $0x7D  }
0x4db: {  	[sflag:s13] =	ssyncset.done $0x0  }
0x4dc: {  	[sflag:s13] =	ssyncadd.s32 $0xFFFFFF83  }
0x4dd: {  	_ =	swait.ge [sflag:s13], $0x7D  }
0x4de: {  	[sflag:s13] =	ssyncset.done $0x0  }
0x4df: {  	[sflag:s13] =	ssyncadd.s32 $0xFFFFFF83  }
0x4e0: {  	_ =	swait.ge [sflag:s13], $0x7D  }
0x4e1: {  	[sflag:s13] =	ssyncset.done $0x0  }
0x4e2: {  	[sflag:s13] =	ssyncadd.s32 $0xFFFFFF83  }
0x4e3: {  	s24 =	stileid.u32;
	[bflag:$0x0] =	sbarrier.arrive $0xFFFF  }
0x4e4: {  	s21 =	sshll.u32 s24, $0x6;
	s25 =	rddreg [dreg:$0x6]  }
0x4e5: {  	s21 =	sor.u32 $0x1C08, s21;
	s28 =	rddreg [dreg:$0x15];
	s26 =	sshrl.u32 s25, $0x3  }
0x4e6: {  	[hbm:s28], [sflag:s21] =	dma.local [spmem:s26], $0x2700  }
0x4e7: {  	_ =	swait.ge [sflag:s11], $0x2700  }
0x4e8: {  	s4 =	sld [smem:$0x7FD];
	_ =	sdelay $0x1  }
0x4e9: {  	[sflag:s11] =	ssyncset.done $0x0  }
0x4ea: {  	s23 =	rddreg [dreg:$0x17];
	[sflag:s11] =	ssyncadd.s32 $0xFFFFD900;
	s22 =	sshrl.u32 @!p4 s4, $0x3  }
0x4eb: {  	[hbm:s23], [sflag:s21] =	dma.local @!p4 [spmem:s22], $0x100  }
0x4ec: {  	p5 =	por @!p2 $0x0, $0x0;
	s22 =	simm.s32 @!p4 $0x8  }
0x4ed: {  	p6 =	por @p0 $0x1, $0x1;
	p5 =	por @!p3 p1, p1;
	_ =	swait.ge @!p4 [sflag:s22], $0x100  }
0x4ee: {  	p6 =	por @!p0 p5, p5;
	[sflag:s22] =	ssyncset.done @!p4 $0x0  }
0x4ef: {  	s23 =	rddreg [dreg:$0x18];
	[sflag:s22] =	ssyncadd.s32 @!p4 $0xFFFFFF00;
	s22 =	sshrl.u32 @p6 s3, $0x3  }
0x4f0: {  	[hbm:s23], [sflag:s21] =	dma.local @p6 [spmem:s22], $0x500  }
0x4f1: {  	s21 =	simm.s32 @p6 $0x8  }
0x4f2: {  	_ =	swait.ge @p6 [sflag:s21], $0x500  }
0x4f3: {  	s29 =	sld [smem:$0x7FA];
	_ =	sdelay $0x2  }
0x4f4: {  	s31 =	rddreg [dreg:$0x19];
	s4 =	sadd.s32 $0x1, s29  }
0x4f5: {  	p5 =	sne.s32 s4, s31  }
.Ltmp2:
0x4f6: {  	_ = 	snop;
	(pc) =	sbr.rel @p5 .LBB2_1-.Ltmp2, $3  }
0x4f7: {  	_ =	sdelay $0x1  }
0x4f8: {  	[sflag:s21] =	ssyncset.done @p6 $0x0  }
0x4f9: {  	s0 =	simm.s32 $0x800;
	[sflag:s21] =	ssyncadd.s32 @p6 $0xFFFFFB00  }
0x4fa: {  	_ =	sfence.sel $0x180000  }
0x4fb: {  	[bflag:$0x0] =	sbarrier.arrive $0xFFFF  }
0x4fc: {  	_ =	strace $0x90000047  }
0x4fd: {  	s0 =	stileid.u32;
	[bflag:$0x2] =	sbarrier.arrive $0xFFFF  }
0x4fe: {  	p0 =	sne.s32 s0, $0x0;
	s0 =	rddreg [dreg:$0x5]  }
0x4ff: {  	s0 =	sadd.s32 @!p0 $0x100000, s0  }
0x500: {  	[sflag:s0] =	ssyncadd.tile.s32 @!p0 $0x1;
	_ =	shalt  }
.Lfunc_end2:
_tile_overlayer_lowered:
.L_overlay_start_2:
0x501: {  	(tag) =	ssettag $0x2  }
0x502: {  	s0 =	rddreg [dreg:$0x0];
	s2 =	stileid.u32  }
0x503: {  	s1 =	rddreg [dreg:$0x1];
	p0 =	sne.s32 s2, $0x0  }
0x504: {  	s3 =	rddreg [dreg:$0x2];
	[bflag:$0x3] =	sbarrier.arrive $0xFFFF;
	s2 =	simm.s32 @!p0 $0x1C08  }
0x505: {  	[timem:s3], [sflag:s2] =	dma.local @!p0 [hbm:s0], s1  }
0x506: {  	s0 =	simm.s32 @!p0 $0x8  }
0x507: {  	_ =	swait.ge @!p0 [sflag:s0], s1  }
0x508: {  	s1 =	ssub.s32 @!p0 $0x0, s1;
	[sflag:s0] =	ssyncset.done @!p0 $0x0  }
0x509: {  	[sflag:s0] =	ssyncadd.s32 @!p0 s1  }
0x50a: {  	[bflag:$0x3] =	sbarrier.arrive $0xFFFF  }
0x50b: {  	_ =	shalt  }

</sc_bundles>
